<compile_context>
chip_gen: v7x
topology: tpu7x:2x2x1
jax: 0.10.2.dev20260603
libtpu: 0.0.44.dev20260713+nightly
codegen_flags: <defaults>
</compile_context>

<pallas_src>
import functools

import jax
import jax.numpy as jnp
from jax import lax
from jax.experimental import pallas as pl
from jax.experimental.pallas import tpu as pltpu
from jax.experimental.pallas import tpu_sc as plsc

K = 512
XLIM = 9.3
SCALE = K / (2.0 * XLIM)
OFF = K / 2.0
NPIX = 8 * 512 * 512
NW = 32
PPW = NPIX // NW
W512 = 512
R = 16
CH = R * W512
NCH = PPW // CH
L = 16
HSTRIDE = 2 * K
CSTRIDE = L * HSTRIDE


def _sc_body(pred_hbm, label_hbm, out_hbm, lbl_v, pv_v, hist_v, red_v, sem):
    wid = lax.axis_index("s") * 2 + lax.axis_index("c")
    b = wid // 4
    q = wid % 4
    r0 = q * 128

    lane = lax.iota(jnp.int32, L)
    lanebase = lane * HSTRIDE
    ones = jnp.ones((L,), jnp.float32)
    zeros = jnp.zeros((L,), jnp.float32)

    @plsc.parallel_loop(0, 3 * CSTRIDE // L, unroll=8)
    def _(j):
        hist_v[pl.ds(j * L, L)] = zeros

    def copies(ch):
        par = (ch % 2) * (3 * R)
        rows = pl.ds(r0 + ch * R, R)
        yield (label_hbm.at[b, rows, :], lbl_v.at[pl.ds((ch % 2) * R, R), :])
        for ci in range(3):
            yield (pred_hbm.at[b * 4 + ci + 1, rows, :],
                   pv_v.at[pl.ds(par + ci * R, R), :])

    def issue(ch):
        for src, dst in copies(ch):
            pltpu.async_copy(src, dst, sem)

    issue(0)

    def chunk_body(ch, _):
        @pl.when(ch + 1 < NCH)
        def _():
            issue(ch + 1)

        for src, dst in copies(ch):
            pltpu.make_async_copy(src, dst, sem).wait()

        par = (ch % 2) * (3 * R)
        lrow = (ch % 2) * R

        @plsc.parallel_loop(0, CH // L, unroll=8)
        def _(g):
            r = g >> 5
            cc = (g & 31) * L
            lbl = lbl_v[lrow + r, pl.ds(cc, L)]
            for ci in range(3):
                x = pv_v[par + ci * R + r, pl.ds(cc, L)]
                bf = x * SCALE + OFF
                bi = bf.astype(jnp.int32)
                bi = jnp.minimum(jnp.maximum(bi, 0), K - 1)
                m = lbl == (ci + 1)
                idx = (lanebase + ci * CSTRIDE) + jnp.where(m, (2 * K - 1) - bi, bi)
                plsc.addupdate_scatter(hist_v, [idx], ones)

        return 0

    lax.fori_loop(0, NCH, chunk_body, 0)

    for ci in range(3):
        @plsc.parallel_loop(0, HSTRIDE // L, unroll=2)
        def _(v):
            acc = hist_v[pl.ds(ci * CSTRIDE + v * L, L)]
            for l in range(1, L):
                acc = acc + hist_v[pl.ds(ci * CSTRIDE + l * HSTRIDE + v * L, L)]
            red_v[pl.ds(v * L, L)] = acc
        pltpu.sync_copy(red_v.at[pl.ds(0, K)], out_hbm.at[2 * ci, wid])
        pltpu.sync_copy(red_v.at[pl.ds(K, K)], out_hbm.at[2 * ci + 1, wid])


@functools.cache
def _get_sc_hist():
    return pl.kernel(
        _sc_body,
        out_type=jax.ShapeDtypeStruct((6, NW, K), jnp.float32),
        mesh=plsc.VectorSubcoreMesh(core_axis_name="c", subcore_axis_name="s"),
        compiler_params=pltpu.CompilerParams(needs_layout_passes=False),
        scratch_types=[
            pltpu.VMEM((2 * R, W512), jnp.int32),
            pltpu.VMEM((6 * R, W512), jnp.float32),
            pltpu.VMEM((3 * CSTRIDE,), jnp.float32),
            pltpu.VMEM((2 * K,), jnp.float32),
            pltpu.SemaphoreType.DMA,
        ],
    )


def _tc_body(parts_ref, out_ref):
    h = parts_ref[...]
    kidx = lax.broadcasted_iota(jnp.int32, (1, K), 1).astype(jnp.float32)
    w = 1.0 / SCALE
    zl = -XLIM + kidx * w
    zr = zl + w
    tl = jnp.clip(1.0 / (1.0 + jnp.exp(-zl)), 1e-4, 1.0 - 1e-4)
    tr = jnp.clip(1.0 / (1.0 + jnp.exp(-zr)), 1e-4, 1.0 - 1e-4)

    def prefix(x):
        sh = 1
        while sh < K:
            x = x + jnp.concatenate(
                [jnp.zeros((1, sh), jnp.float32), x[:, :-sh]], axis=1)
            sh *= 2
        return x

    loss_sum = jnp.float32(0.0)
    n_present = jnp.float32(0.0)
    for ci in range(3):
        neg = jnp.sum(lax.slice(h, (2 * ci * NW, 0), ((2 * ci + 1) * NW, K)),
                      axis=0, keepdims=True)
        pos = jnp.sum(lax.slice(h, ((2 * ci + 1) * NW, 0), ((2 * ci + 2) * NW, K)),
                      axis=0, keepdims=True)
        cnt = neg + pos
        C = prefix(cnt)
        P = prefix(pos)
        T = C[0, K - 1]
        G = P[0, K - 1]
        NL = T - C + cnt
        NR = T - C
        ML = G - P + pos
        MR = G - P
        JL = 1.0 - (G - ML) / jnp.maximum(G + NL - ML, 1.0)
        JR = 1.0 - (G - MR) / jnp.maximum(G + NR - MR, 1.0)
        loss_c = jnp.sum((tr - tl) * (JL + JR) * 0.5)
        present = (G > 0).astype(jnp.float32)
        loss_sum = loss_sum + present * loss_c
        n_present = n_present + present

    out_ref[...] = jnp.reshape(loss_sum / n_present, (1, 1))


_tc_final = pl.pallas_call(
    _tc_body,
    out_shape=jax.ShapeDtypeStruct((1, 1), jnp.float32),
)


@jax.jit
def kernel(pred, label):
    parts = _get_sc_hist()(pred.reshape(32, 512, 512).astype(jnp.float32),
                           label.astype(jnp.int32))
    out = _tc_final(parts.reshape(6 * NW, K))
    return out[0, 0]

# --- scband reference (transcript-rebuilt; emitter-appended) ---
"""Pipeline reference for scband-lovasz-loss-63745904607760 (READ-ONLY COPY).

The authoritative reference and input builder live on the scoring server;
editing this copy changes nothing except your own understanding.
"""

import jax, jax.numpy as jnp
import numpy as np


def _lovasz_grad(gt_sorted):
    p = gt_sorted.shape[0]
    gts = gt_sorted.sum()
    intersection = gts - jnp.cumsum(gt_sorted, axis=0)
    union = gts + jnp.cumsum(1.0 - gt_sorted, axis=0)
    jaccard = 1.0 - intersection / union
    if p > 1:
        jaccard = jnp.concatenate([jaccard[:1], jaccard[1:] - jaccard[:-1]], axis=0)
    return jaccard


def setup_inputs(seed: int = 0) -> dict:
    key = jax.random.key(seed)
    k1, k2 = jax.random.split(key)
    pred = jax.random.normal(k1, (8, 4, 512, 512), dtype=jnp.float32)
    label = jax.random.randint(k2, (8, 512, 512), 0, 4)
    return {"pred": pred, "label": label}


def reference(pred, label):
    # pred: [B, C, H, W] -> [B, H, W, C]
    pred = jnp.transpose(pred, (0, 2, 3, 1))
    num_classes = pred.shape[3]
    pred = jax.nn.sigmoid(pred.astype(jnp.float32))
    pred = jnp.clip(pred, 0.0001, 1.0 - 0.0001)
    pred = pred.reshape(-1, num_classes)
    label = label.reshape(-1)
    lovasz_loss = 0.0
    class_count = 0.0
    for class_idx in range(1, num_classes + 1):
        per_class_target_mask = (label == class_idx).astype(jnp.float32)
        present = per_class_target_mask.sum() > 0
        per_class_pred = pred[:, min(class_idx, num_classes - 1)]
        errors = jnp.abs(per_class_target_mask - per_class_pred)
        order = jnp.argsort(-errors)  # descending sort permutation
        errors_sorted = errors[order]
        per_class_target_mask_sorted = per_class_target_mask[order]
        per_class_loss = jnp.dot(errors_sorted, _lovasz_grad(per_class_target_mask_sorted))
        lovasz_loss = lovasz_loss + jnp.where(present, per_class_loss, 0.0)
        class_count = class_count + jnp.where(present, 1.0, 0.0)
    lovasz_loss = lovasz_loss / class_count
    return lovasz_loss

if __name__ == "__main__":
    import jax
    _d = setup_inputs()
    print(jax.jit(kernel)(*tuple(_d.values())))

</pallas_src>

<mosaic_0001>
#map = affine_map<(d0, d1) -> (0, 0, 0)>
module attributes {stable_mosaic.version = 14 : i64} {
  func.func @_sc_body(%arg0: i32, %arg1: i32, %arg2: memref<32x512x512xf32, #tpu.memory_space<hbm>>, %arg3: memref<8x512x512xi32, #tpu.memory_space<hbm>>, %arg4: memref<6x32x512xf32, #tpu.memory_space<hbm>>, %arg5: memref<32x512xi32, #tpu.memory_space<vmem>>, %arg6: memref<96x512xf32, #tpu.memory_space<vmem>>, %arg7: memref<49152xf32, #tpu.memory_space<vmem>>, %arg8: memref<1024xf32, #tpu.memory_space<vmem>>, %arg9: memref<!tpu.dma_semaphore, #tpu.memory_space<semaphore_mem>>) attributes {dimension_semantics = [#tpu.dimension_semantics<core_parallel>, #tpu.dimension_semantics<subcore_parallel>], iteration_bounds = array<i64: 2, 16>, scalar_prefetch = 0 : i64, scratch_operands = 5 : i64, tpu.core_type = #tpu.core_type<sc_vector_subcore>, window_params = [{transform_indices = #map}, {transform_indices = #map}, {transform_indices = #map}]} {
    %mul3A = arith.constant 2 : i32
    %mul3A_0 = arith.muli %arg1, %mul3A : i32
    %add3A = arith.addi %mul3A_0, %arg0 : i32
    %jit3A = arith.constant 4 : i32
    %div3A = arith.divsi %add3A, %jit3A : i32
    %sign3A = arith.constant 0 : i32
    %sign3A_1 = arith.cmpi sgt, %add3A, %sign3A : i32
    %sign3A_2 = arith.extui %sign3A_1 : i1 to i32
    %sign3A_3 = arith.constant 0 : i32
    %sign3A_4 = arith.cmpi slt, %add3A, %sign3A_3 : i32
    %sign3A_5 = arith.extui %sign3A_4 : i1 to i32
    %sign3A_6 = arith.subi %sign3A_2, %sign3A_5 : i32
    %sign3A_7 = arith.constant 0 : i32
    %sign3A_8 = arith.cmpi sgt, %jit3A, %sign3A_7 : i32
    %sign3A_9 = arith.extui %sign3A_8 : i1 to i32
    %sign3A_10 = arith.constant 0 : i32
    %sign3A_11 = arith.cmpi slt, %jit3A, %sign3A_10 : i32
    %sign3A_12 = arith.extui %sign3A_11 : i1 to i32
    %sign3A_13 = arith.subi %sign3A_9, %sign3A_12 : i32
    %ne3A = arith.cmpi ne, %sign3A_6, %sign3A_13 : i32
    %rem3A = arith.remsi %add3A, %jit3A : i32
    %ne3A_14 = arith.constant 0 : i32
    %ne3A_15 = arith.cmpi ne, %rem3A, %ne3A_14 : i32
    %and3A = arith.andi %ne3A, %ne3A_15 : i1
    %sub3A = arith.constant 1 : i32
    %sub3A_16 = arith.subi %div3A, %sub3A : i32
    %select_n3A = arith.select %and3A, %sub3A_16, %div3A : i32
    %jit3A_17 = arith.constant 4 : i32
    %eq3A = arith.constant 0 : i32
    %eq3A_18 = arith.cmpi eq, %jit3A_17, %eq3A : i32
    %jit3A_19 = arith.constant 1 : i32
    %select_n3A_20 = arith.select %eq3A_18, %jit3A_19, %jit3A_17 : i32
    %rem3A_21 = arith.remsi %add3A, %select_n3A_20 : i32
    %ne3A_22 = arith.constant 0 : i32
    %ne3A_23 = arith.cmpi ne, %rem3A_21, %ne3A_22 : i32
    %lt3A = arith.constant 0 : i32
    %lt3A_24 = arith.cmpi slt, %rem3A_21, %lt3A : i32
    %lt3A_25 = arith.constant 0 : i32
    %lt3A_26 = arith.cmpi slt, %select_n3A_20, %lt3A_25 : i32
    %ne3A_27 = arith.xori %lt3A_24, %lt3A_26 : i1
    %and3A_28 = arith.andi %ne3A_27, %ne3A_23 : i1
    %add3A_29 = arith.addi %rem3A_21, %select_n3A_20 : i32
    %select_n3A_30 = arith.select %and3A_28, %add3A_29, %rem3A_21 : i32
    %mul3A_31 = arith.constant 128 : i32
    %mul3A_32 = arith.muli %select_n3A_30, %mul3A_31 : i32
    %iota3A = tpu.iota {dimensions = array<i32: 0>} : vector<16xi32>
    %mul3A_33 = arith.constant 1024 : i32
    %mul3A_34 = vector.broadcast %mul3A_33 : i32 to vector<16xi32>
    %mul3A_35 = arith.muli %iota3A, %mul3A_34 : vector<16xi32>
    %broadcast_in_dim3A = arith.constant 1.000000e+00 : f32
    %broadcast_in_dim3A_36 = vector.broadcast %broadcast_in_dim3A : f32 to vector<16xf32>
    %broadcast_in_dim3A_37 = arith.constant 0.000000e+00 : f32
    %broadcast_in_dim3A_38 = vector.broadcast %broadcast_in_dim3A_37 : f32 to vector<16xf32>
    %parallel_loop3A = arith.constant 0 : i32
    %parallel_loop3A_39 = arith.constant 3072 : i32
    %parallel_loop3A_40 = arith.constant 1 : i32
    scf.for %parallel_loop3A_128 = %parallel_loop3A to %parallel_loop3A_39 step %parallel_loop3A_40  : i32 {
      %parallel_loop3A_129 = arith.constant 16 : i32
      %parallel_loop3A_130 = arith.muli %parallel_loop3A_128, %parallel_loop3A_129 : i32
      %parallel_loop3A_131 = arith.index_cast %parallel_loop3A_130 : i32 to index
      %parallel_loop3A_132 = tpu.vector_load %arg7[%parallel_loop3A_131] {strides = array<i32>} : memref<49152xf32, #tpu.memory_space<vmem>>, vector<16xf32>,
      tpu.vector_store %arg7[%parallel_loop3A_131], %broadcast_in_dim3A_38 {strides = array<i32>} : memref<49152xf32, #tpu.memory_space<vmem>>, vector<16xf32>,
    } {sc.loop_unroll_factor = 8 : i64, sc.parallel_access}
    %add3A_41 = arith.constant 0 : i32
    %add3A_42 = arith.addi %mul3A_32, %add3A_41 : i32
    %dma_start3A = arith.constant 0 : i32
    %dma_start3A_43 = arith.constant 0 : i32
    %dma_start3A_44 = tpu.memref_slice %arg5[%dma_start3A, %dma_start3A_43] : memref<32x512xi32, #tpu.memory_space<vmem>> -> memref<16x512xi32, #tpu.memory_space<vmem>>
    %dma_start3A_45 = arith.constant 0 : i32
    %dma_start3A_46 = tpu.memref_slice %arg3[%select_n3A, %add3A_42, %dma_start3A_45] : memref<8x512x512xi32, #tpu.memory_space<hbm>> -> memref<1x16x512xi32, #tpu.memory_space<hbm>>
    %dma_start3A_47 = tpu.memref_squeeze %dma_start3A_46 : memref<1x16x512xi32, #tpu.memory_space<hbm>> -> memref<16x512xi32, #tpu.memory_space<hbm>>
    %dma_start3A_48 = arith.constant 0 : i32
    %dma_start3A_49 = arith.constant 0 : i32
    %dma_start3A_50 = tpu.memref_slice %arg5[%dma_start3A_48, %dma_start3A_49] : memref<32x512xi32, #tpu.memory_space<vmem>> -> memref<16x512xi32, #tpu.memory_space<vmem>>
    %dma_start3A_51 = arith.constant 0 : i32
    %dma_start3A_52 = tpu.memref_slice %arg3[%select_n3A, %add3A_42, %dma_start3A_51] : memref<8x512x512xi32, #tpu.memory_space<hbm>> -> memref<1x16x512xi32, #tpu.memory_space<hbm>>
    %dma_start3A_53 = tpu.memref_squeeze %dma_start3A_52 : memref<1x16x512xi32, #tpu.memory_space<hbm>> -> memref<16x512xi32, #tpu.memory_space<hbm>>
    tpu.enqueue_dma source(%dma_start3A_53 : memref<16x512xi32, #tpu.memory_space<hbm>>) target(%dma_start3A_50 : memref<16x512xi32, #tpu.memory_space<vmem>>) target_semaphore(%arg9 : memref<!tpu.dma_semaphore, #tpu.memory_space<semaphore_mem>>)
    %mul3A_54 = arith.constant 4 : i32
    %mul3A_55 = arith.muli %select_n3A, %mul3A_54 : i32
    %add3A_56 = arith.constant 0 : i32
    %add3A_57 = arith.addi %mul3A_55, %add3A_56 : i32
    %add3A_58 = arith.constant 1 : i32
    %add3A_59 = arith.addi %add3A_57, %add3A_58 : i32
    %dma_start3A_60 = arith.constant 0 : i32
    %dma_start3A_61 = arith.constant 0 : i32
    %dma_start3A_62 = tpu.memref_slice %arg6[%dma_start3A_60, %dma_start3A_61] : memref<96x512xf32, #tpu.memory_space<vmem>> -> memref<16x512xf32, #tpu.memory_space<vmem>>
    %dma_start3A_63 = arith.constant 0 : i32
    %dma_start3A_64 = tpu.memref_slice %arg2[%add3A_59, %add3A_42, %dma_start3A_63] : memref<32x512x512xf32, #tpu.memory_space<hbm>> -> memref<1x16x512xf32, #tpu.memory_space<hbm>>
    %dma_start3A_65 = tpu.memref_squeeze %dma_start3A_64 : memref<1x16x512xf32, #tpu.memory_space<hbm>> -> memref<16x512xf32, #tpu.memory_space<hbm>>
    %dma_start3A_66 = arith.constant 0 : i32
    %dma_start3A_67 = arith.constant 0 : i32
    %dma_start3A_68 = tpu.memref_slice %arg6[%dma_start3A_66, %dma_start3A_67] : memref<96x512xf32, #tpu.memory_space<vmem>> -> memref<16x512xf32, #tpu.memory_space<vmem>>
    %dma_start3A_69 = arith.constant 0 : i32
    %dma_start3A_70 = tpu.memref_slice %arg2[%add3A_59, %add3A_42, %dma_start3A_69] : memref<32x512x512xf32, #tpu.memory_space<hbm>> -> memref<1x16x512xf32, #tpu.memory_space<hbm>>
    %dma_start3A_71 = tpu.memref_squeeze %dma_start3A_70 : memref<1x16x512xf32, #tpu.memory_space<hbm>> -> memref<16x512xf32, #tpu.memory_space<hbm>>
    tpu.enqueue_dma source(%dma_start3A_71 : memref<16x512xf32, #tpu.memory_space<hbm>>) target(%dma_start3A_68 : memref<16x512xf32, #tpu.memory_space<vmem>>) target_semaphore(%arg9 : memref<!tpu.dma_semaphore, #tpu.memory_space<semaphore_mem>>)
    %mul3A_72 = arith.constant 4 : i32
    %mul3A_73 = arith.muli %select_n3A, %mul3A_72 : i32
    %add3A_74 = arith.constant 1 : i32
    %add3A_75 = arith.addi %mul3A_73, %add3A_74 : i32
    %add3A_76 = arith.constant 1 : i32
    %add3A_77 = arith.addi %add3A_75, %add3A_76 : i32
    %dma_start3A_78 = arith.constant 16 : i32
    %dma_start3A_79 = arith.constant 0 : i32
    %dma_start3A_80 = tpu.memref_slice %arg6[%dma_start3A_78, %dma_start3A_79] : memref<96x512xf32, #tpu.memory_space<vmem>> -> memref<16x512xf32, #tpu.memory_space<vmem>>
    %dma_start3A_81 = arith.constant 0 : i32
    %dma_start3A_82 = tpu.memref_slice %arg2[%add3A_77, %add3A_42, %dma_start3A_81] : memref<32x512x512xf32, #tpu.memory_space<hbm>> -> memref<1x16x512xf32, #tpu.memory_space<hbm>>
    %dma_start3A_83 = tpu.memref_squeeze %dma_start3A_82 : memref<1x16x512xf32, #tpu.memory_space<hbm>> -> memref<16x512xf32, #tpu.memory_space<hbm>>
    %dma_start3A_84 = arith.constant 16 : i32
    %dma_start3A_85 = arith.constant 0 : i32
    %dma_start3A_86 = tpu.memref_slice %arg6[%dma_start3A_84, %dma_start3A_85] : memref<96x512xf32, #tpu.memory_space<vmem>> -> memref<16x512xf32, #tpu.memory_space<vmem>>
    %dma_start3A_87 = arith.constant 0 : i32
    %dma_start3A_88 = tpu.memref_slice %arg2[%add3A_77, %add3A_42, %dma_start3A_87] : memref<32x512x512xf32, #tpu.memory_space<hbm>> -> memref<1x16x512xf32, #tpu.memory_space<hbm>>
    %dma_start3A_89 = tpu.memref_squeeze %dma_start3A_88 : memref<1x16x512xf32, #tpu.memory_space<hbm>> -> memref<16x512xf32, #tpu.memory_space<hbm>>
    tpu.enqueue_dma source(%dma_start3A_89 : memref<16x512xf32, #tpu.memory_space<hbm>>) target(%dma_start3A_86 : memref<16x512xf32, #tpu.memory_space<vmem>>) target_semaphore(%arg9 : memref<!tpu.dma_semaphore, #tpu.memory_space<semaphore_mem>>)
    %mul3A_90 = arith.constant 4 : i32
    %mul3A_91 = arith.muli %select_n3A, %mul3A_90 : i32
    %add3A_92 = arith.constant 2 : i32
    %add3A_93 = arith.addi %mul3A_91, %add3A_92 : i32
    %add3A_94 = arith.constant 1 : i32
    %add3A_95 = arith.addi %add3A_93, %add3A_94 : i32
    %dma_start3A_96 = arith.constant 32 : i32
    %dma_start3A_97 = arith.constant 0 : i32
    %dma_start3A_98 = tpu.memref_slice %arg6[%dma_start3A_96, %dma_start3A_97] : memref<96x512xf32, #tpu.memory_space<vmem>> -> memref<16x512xf32, #tpu.memory_space<vmem>>
    %dma_start3A_99 = arith.constant 0 : i32
    %dma_start3A_100 = tpu.memref_slice %arg2[%add3A_95, %add3A_42, %dma_start3A_99] : memref<32x512x512xf32, #tpu.memory_space<hbm>> -> memref<1x16x512xf32, #tpu.memory_space<hbm>>
    %dma_start3A_101 = tpu.memref_squeeze %dma_start3A_100 : memref<1x16x512xf32, #tpu.memory_space<hbm>> -> memref<16x512xf32, #tpu.memory_space<hbm>>
    %dma_start3A_102 = arith.constant 32 : i32
    %dma_start3A_103 = arith.constant 0 : i32
    %dma_start3A_104 = tpu.memref_slice %arg6[%dma_start3A_102, %dma_start3A_103] : memref<96x512xf32, #tpu.memory_space<vmem>> -> memref<16x512xf32, #tpu.memory_space<vmem>>
    %dma_start3A_105 = arith.constant 0 : i32
    %dma_start3A_106 = tpu.memref_slice %arg2[%add3A_95, %add3A_42, %dma_start3A_105] : memref<32x512x512xf32, #tpu.memory_space<hbm>> -> memref<1x16x512xf32, #tpu.memory_space<hbm>>
    %dma_start3A_107 = tpu.memref_squeeze %dma_start3A_106 : memref<1x16x512xf32, #tpu.memory_space<hbm>> -> memref<16x512xf32, #tpu.memory_space<hbm>>
    tpu.enqueue_dma source(%dma_start3A_107 : memref<16x512xf32, #tpu.memory_space<hbm>>) target(%dma_start3A_104 : memref<16x512xf32, #tpu.memory_space<vmem>>) target_semaphore(%arg9 : memref<!tpu.dma_semaphore, #tpu.memory_space<semaphore_mem>>)
    %scan3A = arith.constant 0 : i32
    %scan3A_108 = arith.constant 0 : i32
    %scan3A_109 = arith.constant 8 : i32
    %scan3A_110 = arith.addi %scan3A_108, %scan3A_109 : i32
    %scan3A_111 = arith.constant 1 : i32
    %scan3A_112 = scf.for %scan3A_128 = %scan3A_108 to %scan3A_110 step %scan3A_111 iter_args(%scan3A_129 = %scan3A) -> (i32)  : i32 {
      %add3A_130 = arith.constant 1 : i32
      %add3A_131 = arith.addi %scan3A_128, %add3A_130 : i32
      %lt3A_132 = arith.constant 8 : i32
      %lt3A_133 = arith.cmpi slt, %add3A_131, %lt3A_132 : i32
      %convert_element_type3A = arith.extui %lt3A_133 : i1 to i32
      %cond3A = arith.constant 0 : i32
      %cond3A_134 = arith.cmpi ne, %convert_element_type3A, %cond3A : i32
      scf.if %cond3A_134 {
        %add3A_277 = arith.constant 1 : i32
        %add3A_278 = arith.addi %scan3A_128, %add3A_277 : i32
        %jit3A_279 = arith.constant 2 : i32
        %eq3A_280 = arith.constant 0 : i32
        %eq3A_281 = arith.cmpi eq, %jit3A_279, %eq3A_280 : i32
        %jit3A_282 = arith.constant 1 : i32
        %select_n3A_283 = arith.select %eq3A_281, %jit3A_282, %jit3A_279 : i32
        %rem3A_284 = arith.remsi %add3A_278, %select_n3A_283 : i32
        %ne3A_285 = arith.constant 0 : i32
        %ne3A_286 = arith.cmpi ne, %rem3A_284, %ne3A_285 : i32
        %lt3A_287 = arith.constant 0 : i32
        %lt3A_288 = arith.cmpi slt, %rem3A_284, %lt3A_287 : i32
        %lt3A_289 = arith.constant 0 : i32
        %lt3A_290 = arith.cmpi slt, %select_n3A_283, %lt3A_289 : i32
        %ne3A_291 = arith.xori %lt3A_288, %lt3A_290 : i1
        %and3A_292 = arith.andi %ne3A_291, %ne3A_286 : i1
        %add3A_293 = arith.addi %rem3A_284, %select_n3A_283 : i32
        %select_n3A_294 = arith.select %and3A_292, %add3A_293, %rem3A_284 : i32
        %mul3A_295 = arith.constant 48 : i32
        %mul3A_296 = arith.muli %select_n3A_294, %mul3A_295 : i32
        %mul3A_297 = arith.constant 16 : i32
        %mul3A_298 = arith.muli %add3A_278, %mul3A_297 : i32
        %add3A_299 = arith.addi %mul3A_32, %mul3A_298 : i32
        %jit3A_300 = arith.constant 2 : i32
        %eq3A_301 = arith.constant 0 : i32
        %eq3A_302 = arith.cmpi eq, %jit3A_300, %eq3A_301 : i32
        %jit3A_303 = arith.constant 1 : i32
        %select_n3A_304 = arith.select %eq3A_302, %jit3A_303, %jit3A_300 : i32
        %rem3A_305 = arith.remsi %add3A_278, %select_n3A_304 : i32
        %ne3A_306 = arith.constant 0 : i32
        %ne3A_307 = arith.cmpi ne, %rem3A_305, %ne3A_306 : i32
        %lt3A_308 = arith.constant 0 : i32
        %lt3A_309 = arith.cmpi slt, %rem3A_305, %lt3A_308 : i32
        %lt3A_310 = arith.constant 0 : i32
        %lt3A_311 = arith.cmpi slt, %select_n3A_304, %lt3A_310 : i32
        %ne3A_312 = arith.xori %lt3A_309, %lt3A_311 : i1
        %and3A_313 = arith.andi %ne3A_312, %ne3A_307 : i1
        %add3A_314 = arith.addi %rem3A_305, %select_n3A_304 : i32
        %select_n3A_315 = arith.select %and3A_313, %add3A_314, %rem3A_305 : i32
        %mul3A_316 = arith.constant 16 : i32
        %mul3A_317 = arith.muli %select_n3A_315, %mul3A_316 : i32
        %dma_start3A_318 = arith.constant 0 : i32
        %dma_start3A_319 = tpu.memref_slice %arg5[%mul3A_317, %dma_start3A_318] : memref<32x512xi32, #tpu.memory_space<vmem>> -> memref<16x512xi32, #tpu.memory_space<vmem>>
        %dma_start3A_320 = arith.constant 0 : i32
        %dma_start3A_321 = tpu.memref_slice %arg3[%select_n3A, %add3A_299, %dma_start3A_320] : memref<8x512x512xi32, #tpu.memory_space<hbm>> -> memref<1x16x512xi32, #tpu.memory_space<hbm>>
        %dma_start3A_322 = tpu.memref_squeeze %dma_start3A_321 : memref<1x16x512xi32, #tpu.memory_space<hbm>> -> memref<16x512xi32, #tpu.memory_space<hbm>>
        %dma_start3A_323 = arith.constant 0 : i32
        %dma_start3A_324 = tpu.memref_slice %arg5[%mul3A_317, %dma_start3A_323] : memref<32x512xi32, #tpu.memory_space<vmem>> -> memref<16x512xi32, #tpu.memory_space<vmem>>
        %dma_start3A_325 = arith.constant 0 : i32
        %dma_start3A_326 = tpu.memref_slice %arg3[%select_n3A, %add3A_299, %dma_start3A_325] : memref<8x512x512xi32, #tpu.memory_space<hbm>> -> memref<1x16x512xi32, #tpu.memory_space<hbm>>
        %dma_start3A_327 = tpu.memref_squeeze %dma_start3A_326 : memref<1x16x512xi32, #tpu.memory_space<hbm>> -> memref<16x512xi32, #tpu.memory_space<hbm>>
        tpu.enqueue_dma source(%dma_start3A_327 : memref<16x512xi32, #tpu.memory_space<hbm>>) target(%dma_start3A_324 : memref<16x512xi32, #tpu.memory_space<vmem>>) target_semaphore(%arg9 : memref<!tpu.dma_semaphore, #tpu.memory_space<semaphore_mem>>)
        %mul3A_328 = arith.constant 4 : i32
        %mul3A_329 = arith.muli %select_n3A, %mul3A_328 : i32
        %add3A_330 = arith.constant 0 : i32
        %add3A_331 = arith.addi %mul3A_329, %add3A_330 : i32
        %add3A_332 = arith.constant 1 : i32
        %add3A_333 = arith.addi %add3A_331, %add3A_332 : i32
        %add3A_334 = arith.constant 0 : i32
        %add3A_335 = arith.addi %mul3A_296, %add3A_334 : i32
        %dma_start3A_336 = arith.constant 0 : i32
        %dma_start3A_337 = tpu.memref_slice %arg6[%add3A_335, %dma_start3A_336] : memref<96x512xf32, #tpu.memory_space<vmem>> -> memref<16x512xf32, #tpu.memory_space<vmem>>
        %dma_start3A_338 = arith.constant 0 : i32
        %dma_start3A_339 = tpu.memref_slice %arg2[%add3A_333, %add3A_299, %dma_start3A_338] : memref<32x512x512xf32, #tpu.memory_space<hbm>> -> memref<1x16x512xf32, #tpu.memory_space<hbm>>
        %dma_start3A_340 = tpu.memref_squeeze %dma_start3A_339 : memref<1x16x512xf32, #tpu.memory_space<hbm>> -> memref<16x512xf32, #tpu.memory_space<hbm>>
        %dma_start3A_341 = arith.constant 0 : i32
        %dma_start3A_342 = tpu.memref_slice %arg6[%add3A_335, %dma_start3A_341] : memref<96x512xf32, #tpu.memory_space<vmem>> -> memref<16x512xf32, #tpu.memory_space<vmem>>
        %dma_start3A_343 = arith.constant 0 : i32
        %dma_start3A_344 = tpu.memref_slice %arg2[%add3A_333, %add3A_299, %dma_start3A_343] : memref<32x512x512xf32, #tpu.memory_space<hbm>> -> memref<1x16x512xf32, #tpu.memory_space<hbm>>
        %dma_start3A_345 = tpu.memref_squeeze %dma_start3A_344 : memref<1x16x512xf32, #tpu.memory_space<hbm>> -> memref<16x512xf32, #tpu.memory_space<hbm>>
        tpu.enqueue_dma source(%dma_start3A_345 : memref<16x512xf32, #tpu.memory_space<hbm>>) target(%dma_start3A_342 : memref<16x512xf32, #tpu.memory_space<vmem>>) target_semaphore(%arg9 : memref<!tpu.dma_semaphore, #tpu.memory_space<semaphore_mem>>)
        %mul3A_346 = arith.constant 4 : i32
        %mul3A_347 = arith.muli %select_n3A, %mul3A_346 : i32
        %add3A_348 = arith.constant 1 : i32
        %add3A_349 = arith.addi %mul3A_347, %add3A_348 : i32
        %add3A_350 = arith.constant 1 : i32
        %add3A_351 = arith.addi %add3A_349, %add3A_350 : i32
        %add3A_352 = arith.constant 16 : i32
        %add3A_353 = arith.addi %mul3A_296, %add3A_352 : i32
        %dma_start3A_354 = arith.constant 0 : i32
        %dma_start3A_355 = tpu.memref_slice %arg6[%add3A_353, %dma_start3A_354] : memref<96x512xf32, #tpu.memory_space<vmem>> -> memref<16x512xf32, #tpu.memory_space<vmem>>
        %dma_start3A_356 = arith.constant 0 : i32
        %dma_start3A_357 = tpu.memref_slice %arg2[%add3A_351, %add3A_299, %dma_start3A_356] : memref<32x512x512xf32, #tpu.memory_space<hbm>> -> memref<1x16x512xf32, #tpu.memory_space<hbm>>
        %dma_start3A_358 = tpu.memref_squeeze %dma_start3A_357 : memref<1x16x512xf32, #tpu.memory_space<hbm>> -> memref<16x512xf32, #tpu.memory_space<hbm>>
        %dma_start3A_359 = arith.constant 0 : i32
        %dma_start3A_360 = tpu.memref_slice %arg6[%add3A_353, %dma_start3A_359] : memref<96x512xf32, #tpu.memory_space<vmem>> -> memref<16x512xf32, #tpu.memory_space<vmem>>
        %dma_start3A_361 = arith.constant 0 : i32
        %dma_start3A_362 = tpu.memref_slice %arg2[%add3A_351, %add3A_299, %dma_start3A_361] : memref<32x512x512xf32, #tpu.memory_space<hbm>> -> memref<1x16x512xf32, #tpu.memory_space<hbm>>
        %dma_start3A_363 = tpu.memref_squeeze %dma_start3A_362 : memref<1x16x512xf32, #tpu.memory_space<hbm>> -> memref<16x512xf32, #tpu.memory_space<hbm>>
        tpu.enqueue_dma source(%dma_start3A_363 : memref<16x512xf32, #tpu.memory_space<hbm>>) target(%dma_start3A_360 : memref<16x512xf32, #tpu.memory_space<vmem>>) target_semaphore(%arg9 : memref<!tpu.dma_semaphore, #tpu.memory_space<semaphore_mem>>)
        %mul3A_364 = arith.constant 4 : i32
        %mul3A_365 = arith.muli %select_n3A, %mul3A_364 : i32
        %add3A_366 = arith.constant 2 : i32
        %add3A_367 = arith.addi %mul3A_365, %add3A_366 : i32
        %add3A_368 = arith.constant 1 : i32
        %add3A_369 = arith.addi %add3A_367, %add3A_368 : i32
        %add3A_370 = arith.constant 32 : i32
        %add3A_371 = arith.addi %mul3A_296, %add3A_370 : i32
        %dma_start3A_372 = arith.constant 0 : i32
        %dma_start3A_373 = tpu.memref_slice %arg6[%add3A_371, %dma_start3A_372] : memref<96x512xf32, #tpu.memory_space<vmem>> -> memref<16x512xf32, #tpu.memory_space<vmem>>
        %dma_start3A_374 = arith.constant 0 : i32
        %dma_start3A_375 = tpu.memref_slice %arg2[%add3A_369, %add3A_299, %dma_start3A_374] : memref<32x512x512xf32, #tpu.memory_space<hbm>> -> memref<1x16x512xf32, #tpu.memory_space<hbm>>
        %dma_start3A_376 = tpu.memref_squeeze %dma_start3A_375 : memref<1x16x512xf32, #tpu.memory_space<hbm>> -> memref<16x512xf32, #tpu.memory_space<hbm>>
        %dma_start3A_377 = arith.constant 0 : i32
        %dma_start3A_378 = tpu.memref_slice %arg6[%add3A_371, %dma_start3A_377] : memref<96x512xf32, #tpu.memory_space<vmem>> -> memref<16x512xf32, #tpu.memory_space<vmem>>
        %dma_start3A_379 = arith.constant 0 : i32
        %dma_start3A_380 = tpu.memref_slice %arg2[%add3A_369, %add3A_299, %dma_start3A_379] : memref<32x512x512xf32, #tpu.memory_space<hbm>> -> memref<1x16x512xf32, #tpu.memory_space<hbm>>
        %dma_start3A_381 = tpu.memref_squeeze %dma_start3A_380 : memref<1x16x512xf32, #tpu.memory_space<hbm>> -> memref<16x512xf32, #tpu.memory_space<hbm>>
        tpu.enqueue_dma source(%dma_start3A_381 : memref<16x512xf32, #tpu.memory_space<hbm>>) target(%dma_start3A_378 : memref<16x512xf32, #tpu.memory_space<vmem>>) target_semaphore(%arg9 : memref<!tpu.dma_semaphore, #tpu.memory_space<semaphore_mem>>)
      } else {
      }
      %jit3A_135 = arith.constant 2 : i32
      %eq3A_136 = arith.constant 0 : i32
      %eq3A_137 = arith.cmpi eq, %jit3A_135, %eq3A_136 : i32
      %jit3A_138 = arith.constant 1 : i32
      %select_n3A_139 = arith.select %eq3A_137, %jit3A_138, %jit3A_135 : i32
      %rem3A_140 = arith.remsi %scan3A_128, %select_n3A_139 : i32
      %ne3A_141 = arith.constant 0 : i32
      %ne3A_142 = arith.cmpi ne, %rem3A_140, %ne3A_141 : i32
      %lt3A_143 = arith.constant 0 : i32
      %lt3A_144 = arith.cmpi slt, %rem3A_140, %lt3A_143 : i32
      %lt3A_145 = arith.constant 0 : i32
      %lt3A_146 = arith.cmpi slt, %select_n3A_139, %lt3A_145 : i32
      %ne3A_147 = arith.xori %lt3A_144, %lt3A_146 : i1
      %and3A_148 = arith.andi %ne3A_147, %ne3A_142 : i1
      %add3A_149 = arith.addi %rem3A_140, %select_n3A_139 : i32
      %select_n3A_150 = arith.select %and3A_148, %add3A_149, %rem3A_140 : i32
      %mul3A_151 = arith.constant 48 : i32
      %mul3A_152 = arith.muli %select_n3A_150, %mul3A_151 : i32
      %mul3A_153 = arith.constant 16 : i32
      %mul3A_154 = arith.muli %scan3A_128, %mul3A_153 : i32
      %add3A_155 = arith.addi %mul3A_32, %mul3A_154 : i32
      %jit3A_156 = arith.constant 2 : i32
      %eq3A_157 = arith.constant 0 : i32
      %eq3A_158 = arith.cmpi eq, %jit3A_156, %eq3A_157 : i32
      %jit3A_159 = arith.constant 1 : i32
      %select_n3A_160 = arith.select %eq3A_158, %jit3A_159, %jit3A_156 : i32
      %rem3A_161 = arith.remsi %scan3A_128, %select_n3A_160 : i32
      %ne3A_162 = arith.constant 0 : i32
      %ne3A_163 = arith.cmpi ne, %rem3A_161, %ne3A_162 : i32
      %lt3A_164 = arith.constant 0 : i32
      %lt3A_165 = arith.cmpi slt, %rem3A_161, %lt3A_164 : i32
      %lt3A_166 = arith.constant 0 : i32
      %lt3A_167 = arith.cmpi slt, %select_n3A_160, %lt3A_166 : i32
      %ne3A_168 = arith.xori %lt3A_165, %lt3A_167 : i1
      %and3A_169 = arith.andi %ne3A_168, %ne3A_163 : i1
      %add3A_170 = arith.addi %rem3A_161, %select_n3A_160 : i32
      %select_n3A_171 = arith.select %and3A_169, %add3A_170, %rem3A_161 : i32
      %mul3A_172 = arith.constant 16 : i32
      %mul3A_173 = arith.muli %select_n3A_171, %mul3A_172 : i32
      %dma_wait3A = arith.constant 0 : i32
      %dma_wait3A_174 = tpu.memref_slice %arg5[%mul3A_173, %dma_wait3A] : memref<32x512xi32, #tpu.memory_space<vmem>> -> memref<16x512xi32, #tpu.memory_space<vmem>>
      %dma_wait3A_175 = arith.constant 0 : i32
      %dma_wait3A_176 = tpu.memref_slice %arg3[%select_n3A, %add3A_155, %dma_wait3A_175] : memref<8x512x512xi32, #tpu.memory_space<hbm>> -> memref<1x16x512xi32, #tpu.memory_space<hbm>>
      %dma_wait3A_177 = tpu.memref_squeeze %dma_wait3A_176 : memref<1x16x512xi32, #tpu.memory_space<hbm>> -> memref<16x512xi32, #tpu.memory_space<hbm>>
      %dma_wait3A_178 = arith.constant 0 : i32
      %dma_wait3A_179 = tpu.memref_slice %arg5[%mul3A_173, %dma_wait3A_178] : memref<32x512xi32, #tpu.memory_space<vmem>> -> memref<16x512xi32, #tpu.memory_space<vmem>>
      %dma_wait3A_180 = arith.constant 0 : i32
      %dma_wait3A_181 = tpu.memref_slice %arg3[%select_n3A, %add3A_155, %dma_wait3A_180] : memref<8x512x512xi32, #tpu.memory_space<hbm>> -> memref<1x16x512xi32, #tpu.memory_space<hbm>>
      %dma_wait3A_182 = tpu.memref_squeeze %dma_wait3A_181 : memref<1x16x512xi32, #tpu.memory_space<hbm>> -> memref<16x512xi32, #tpu.memory_space<hbm>>
      tpu.wait_dma2 semaphore(%arg9 : memref<!tpu.dma_semaphore, #tpu.memory_space<semaphore_mem>>) src(%dma_wait3A_182 : memref<16x512xi32, #tpu.memory_space<hbm>>) dst(%dma_wait3A_179 : memref<16x512xi32, #tpu.memory_space<vmem>>)
      %mul3A_183 = arith.constant 4 : i32
      %mul3A_184 = arith.muli %select_n3A, %mul3A_183 : i32
      %add3A_185 = arith.constant 0 : i32
      %add3A_186 = arith.addi %mul3A_184, %add3A_185 : i32
      %add3A_187 = arith.constant 1 : i32
      %add3A_188 = arith.addi %add3A_186, %add3A_187 : i32
      %add3A_189 = arith.constant 0 : i32
      %add3A_190 = arith.addi %mul3A_152, %add3A_189 : i32
      %dma_wait3A_191 = arith.constant 0 : i32
      %dma_wait3A_192 = tpu.memref_slice %arg6[%add3A_190, %dma_wait3A_191] : memref<96x512xf32, #tpu.memory_space<vmem>> -> memref<16x512xf32, #tpu.memory_space<vmem>>
      %dma_wait3A_193 = arith.constant 0 : i32
      %dma_wait3A_194 = tpu.memref_slice %arg2[%add3A_188, %add3A_155, %dma_wait3A_193] : memref<32x512x512xf32, #tpu.memory_space<hbm>> -> memref<1x16x512xf32, #tpu.memory_space<hbm>>
      %dma_wait3A_195 = tpu.memref_squeeze %dma_wait3A_194 : memref<1x16x512xf32, #tpu.memory_space<hbm>> -> memref<16x512xf32, #tpu.memory_space<hbm>>
      %dma_wait3A_196 = arith.constant 0 : i32
      %dma_wait3A_197 = tpu.memref_slice %arg6[%add3A_190, %dma_wait3A_196] : memref<96x512xf32, #tpu.memory_space<vmem>> -> memref<16x512xf32, #tpu.memory_space<vmem>>
      %dma_wait3A_198 = arith.constant 0 : i32
      %dma_wait3A_199 = tpu.memref_slice %arg2[%add3A_188, %add3A_155, %dma_wait3A_198] : memref<32x512x512xf32, #tpu.memory_space<hbm>> -> memref<1x16x512xf32, #tpu.memory_space<hbm>>
      %dma_wait3A_200 = tpu.memref_squeeze %dma_wait3A_199 : memref<1x16x512xf32, #tpu.memory_space<hbm>> -> memref<16x512xf32, #tpu.memory_space<hbm>>
      tpu.wait_dma2 semaphore(%arg9 : memref<!tpu.dma_semaphore, #tpu.memory_space<semaphore_mem>>) src(%dma_wait3A_200 : memref<16x512xf32, #tpu.memory_space<hbm>>) dst(%dma_wait3A_197 : memref<16x512xf32, #tpu.memory_space<vmem>>)
      %mul3A_201 = arith.constant 4 : i32
      %mul3A_202 = arith.muli %select_n3A, %mul3A_201 : i32
      %add3A_203 = arith.constant 1 : i32
      %add3A_204 = arith.addi %mul3A_202, %add3A_203 : i32
      %add3A_205 = arith.constant 1 : i32
      %add3A_206 = arith.addi %add3A_204, %add3A_205 : i32
      %add3A_207 = arith.constant 16 : i32
      %add3A_208 = arith.addi %mul3A_152, %add3A_207 : i32
      %dma_wait3A_209 = arith.constant 0 : i32
      %dma_wait3A_210 = tpu.memref_slice %arg6[%add3A_208, %dma_wait3A_209] : memref<96x512xf32, #tpu.memory_space<vmem>> -> memref<16x512xf32, #tpu.memory_space<vmem>>
      %dma_wait3A_211 = arith.constant 0 : i32
      %dma_wait3A_212 = tpu.memref_slice %arg2[%add3A_206, %add3A_155, %dma_wait3A_211] : memref<32x512x512xf32, #tpu.memory_space<hbm>> -> memref<1x16x512xf32, #tpu.memory_space<hbm>>
      %dma_wait3A_213 = tpu.memref_squeeze %dma_wait3A_212 : memref<1x16x512xf32, #tpu.memory_space<hbm>> -> memref<16x512xf32, #tpu.memory_space<hbm>>
      %dma_wait3A_214 = arith.constant 0 : i32
      %dma_wait3A_215 = tpu.memref_slice %arg6[%add3A_208, %dma_wait3A_214] : memref<96x512xf32, #tpu.memory_space<vmem>> -> memref<16x512xf32, #tpu.memory_space<vmem>>
      %dma_wait3A_216 = arith.constant 0 : i32
      %dma_wait3A_217 = tpu.memref_slice %arg2[%add3A_206, %add3A_155, %dma_wait3A_216] : memref<32x512x512xf32, #tpu.memory_space<hbm>> -> memref<1x16x512xf32, #tpu.memory_space<hbm>>
      %dma_wait3A_218 = tpu.memref_squeeze %dma_wait3A_217 : memref<1x16x512xf32, #tpu.memory_space<hbm>> -> memref<16x512xf32, #tpu.memory_space<hbm>>
      tpu.wait_dma2 semaphore(%arg9 : memref<!tpu.dma_semaphore, #tpu.memory_space<semaphore_mem>>) src(%dma_wait3A_218 : memref<16x512xf32, #tpu.memory_space<hbm>>) dst(%dma_wait3A_215 : memref<16x512xf32, #tpu.memory_space<vmem>>)
      %mul3A_219 = arith.constant 4 : i32
      %mul3A_220 = arith.muli %select_n3A, %mul3A_219 : i32
      %add3A_221 = arith.constant 2 : i32
      %add3A_222 = arith.addi %mul3A_220, %add3A_221 : i32
      %add3A_223 = arith.constant 1 : i32
      %add3A_224 = arith.addi %add3A_222, %add3A_223 : i32
      %add3A_225 = arith.constant 32 : i32
      %add3A_226 = arith.addi %mul3A_152, %add3A_225 : i32
      %dma_wait3A_227 = arith.constant 0 : i32
      %dma_wait3A_228 = tpu.memref_slice %arg6[%add3A_226, %dma_wait3A_227] : memref<96x512xf32, #tpu.memory_space<vmem>> -> memref<16x512xf32, #tpu.memory_space<vmem>>
      %dma_wait3A_229 = arith.constant 0 : i32
      %dma_wait3A_230 = tpu.memref_slice %arg2[%add3A_224, %add3A_155, %dma_wait3A_229] : memref<32x512x512xf32, #tpu.memory_space<hbm>> -> memref<1x16x512xf32, #tpu.memory_space<hbm>>
      %dma_wait3A_231 = tpu.memref_squeeze %dma_wait3A_230 : memref<1x16x512xf32, #tpu.memory_space<hbm>> -> memref<16x512xf32, #tpu.memory_space<hbm>>
      %dma_wait3A_232 = arith.constant 0 : i32
      %dma_wait3A_233 = tpu.memref_slice %arg6[%add3A_226, %dma_wait3A_232] : memref<96x512xf32, #tpu.memory_space<vmem>> -> memref<16x512xf32, #tpu.memory_space<vmem>>
      %dma_wait3A_234 = arith.constant 0 : i32
      %dma_wait3A_235 = tpu.memref_slice %arg2[%add3A_224, %add3A_155, %dma_wait3A_234] : memref<32x512x512xf32, #tpu.memory_space<hbm>> -> memref<1x16x512xf32, #tpu.memory_space<hbm>>
      %dma_wait3A_236 = tpu.memref_squeeze %dma_wait3A_235 : memref<1x16x512xf32, #tpu.memory_space<hbm>> -> memref<16x512xf32, #tpu.memory_space<hbm>>
      tpu.wait_dma2 semaphore(%arg9 : memref<!tpu.dma_semaphore, #tpu.memory_space<semaphore_mem>>) src(%dma_wait3A_236 : memref<16x512xf32, #tpu.memory_space<hbm>>) dst(%dma_wait3A_233 : memref<16x512xf32, #tpu.memory_space<vmem>>)
      %jit3A_237 = arith.constant 2 : i32
      %eq3A_238 = arith.constant 0 : i32
      %eq3A_239 = arith.cmpi eq, %jit3A_237, %eq3A_238 : i32
      %jit3A_240 = arith.constant 1 : i32
      %select_n3A_241 = arith.select %eq3A_239, %jit3A_240, %jit3A_237 : i32
      %rem3A_242 = arith.remsi %scan3A_128, %select_n3A_241 : i32
      %ne3A_243 = arith.constant 0 : i32
      %ne3A_244 = arith.cmpi ne, %rem3A_242, %ne3A_243 : i32
      %lt3A_245 = arith.constant 0 : i32
      %lt3A_246 = arith.cmpi slt, %rem3A_242, %lt3A_245 : i32
      %lt3A_247 = arith.constant 0 : i32
      %lt3A_248 = arith.cmpi slt, %select_n3A_241, %lt3A_247 : i32
      %ne3A_249 = arith.xori %lt3A_246, %lt3A_248 : i1
      %and3A_250 = arith.andi %ne3A_249, %ne3A_244 : i1
      %add3A_251 = arith.addi %rem3A_242, %select_n3A_241 : i32
      %select_n3A_252 = arith.select %and3A_250, %add3A_251, %rem3A_242 : i32
      %mul3A_253 = arith.constant 48 : i32
      %mul3A_254 = arith.muli %select_n3A_252, %mul3A_253 : i32
      %jit3A_255 = arith.constant 2 : i32
      %eq3A_256 = arith.constant 0 : i32
      %eq3A_257 = arith.cmpi eq, %jit3A_255, %eq3A_256 : i32
      %jit3A_258 = arith.constant 1 : i32
      %select_n3A_259 = arith.select %eq3A_257, %jit3A_258, %jit3A_255 : i32
      %rem3A_260 = arith.remsi %scan3A_128, %select_n3A_259 : i32
      %ne3A_261 = arith.constant 0 : i32
      %ne3A_262 = arith.cmpi ne, %rem3A_260, %ne3A_261 : i32
      %lt3A_263 = arith.constant 0 : i32
      %lt3A_264 = arith.cmpi slt, %rem3A_260, %lt3A_263 : i32
      %lt3A_265 = arith.constant 0 : i32
      %lt3A_266 = arith.cmpi slt, %select_n3A_259, %lt3A_265 : i32
      %ne3A_267 = arith.xori %lt3A_264, %lt3A_266 : i1
      %and3A_268 = arith.andi %ne3A_267, %ne3A_262 : i1
      %add3A_269 = arith.addi %rem3A_260, %select_n3A_259 : i32
      %select_n3A_270 = arith.select %and3A_268, %add3A_269, %rem3A_260 : i32
      %mul3A_271 = arith.constant 16 : i32
      %mul3A_272 = arith.muli %select_n3A_270, %mul3A_271 : i32
      %parallel_loop3A_273 = arith.constant 0 : i32
      %parallel_loop3A_274 = arith.constant 512 : i32
      %parallel_loop3A_275 = arith.constant 1 : i32
      scf.for %parallel_loop3A_277 = %parallel_loop3A_273 to %parallel_loop3A_274 step %parallel_loop3A_275  : i32 {
        %parallel_loop3A_278 = arith.constant 5 : i32
        %parallel_loop3A_279 = arith.shrsi %parallel_loop3A_277, %parallel_loop3A_278 : i32
        %parallel_loop3A_280 = arith.constant 31 : i32
        %parallel_loop3A_281 = arith.andi %parallel_loop3A_277, %parallel_loop3A_280 : i32
        %parallel_loop3A_282 = arith.constant 16 : i32
        %parallel_loop3A_283 = arith.muli %parallel_loop3A_281, %parallel_loop3A_282 : i32
        %parallel_loop3A_284 = arith.addi %mul3A_272, %parallel_loop3A_279 : i32
        %parallel_loop3A_285 = arith.index_cast %parallel_loop3A_284 : i32 to index
        %parallel_loop3A_286 = arith.index_cast %parallel_loop3A_283 : i32 to index
        %parallel_loop3A_287 = tpu.vector_load %arg5[%parallel_loop3A_285, %parallel_loop3A_286] {strides = array<i32>} : memref<32x512xi32, #tpu.memory_space<vmem>>, vector<16xi32>,
        %parallel_loop3A_288 = arith.constant 0 : i32
        %parallel_loop3A_289 = arith.addi %mul3A_254, %parallel_loop3A_288 : i32
        %parallel_loop3A_290 = arith.addi %parallel_loop3A_289, %parallel_loop3A_279 : i32
        %parallel_loop3A_291 = arith.index_cast %parallel_loop3A_290 : i32 to index
        %parallel_loop3A_292 = arith.index_cast %parallel_loop3A_283 : i32 to index
        %parallel_loop3A_293 = tpu.vector_load %arg6[%parallel_loop3A_291, %parallel_loop3A_292] {strides = array<i32>} : memref<96x512xf32, #tpu.memory_space<vmem>>, vector<16xf32>,
        %parallel_loop3A_294 = arith.constant 27.5268822 : f32
        %parallel_loop3A_295 = vector.broadcast %parallel_loop3A_294 : f32 to vector<16xf32>
        %parallel_loop3A_296 = arith.mulf %parallel_loop3A_293, %parallel_loop3A_295 : vector<16xf32>
        %parallel_loop3A_297 = arith.constant 2.560000e+02 : f32
        %parallel_loop3A_298 = vector.broadcast %parallel_loop3A_297 : f32 to vector<16xf32>
        %parallel_loop3A_299 = arith.addf %parallel_loop3A_296, %parallel_loop3A_298 : vector<16xf32>
        %parallel_loop3A_300 = arith.fptosi %parallel_loop3A_299 : vector<16xf32> to vector<16xi32>
        %parallel_loop3A_301 = arith.constant 0 : i32
        %parallel_loop3A_302 = vector.broadcast %parallel_loop3A_301 : i32 to vector<16xi32>
        %parallel_loop3A_303 = arith.maxsi %parallel_loop3A_300, %parallel_loop3A_302 : vector<16xi32>
        %parallel_loop3A_304 = arith.constant 511 : i32
        %parallel_loop3A_305 = vector.broadcast %parallel_loop3A_304 : i32 to vector<16xi32>
        %parallel_loop3A_306 = arith.minsi %parallel_loop3A_303, %parallel_loop3A_305 : vector<16xi32>
        %parallel_loop3A_307 = arith.constant 1 : i32
        %parallel_loop3A_308 = vector.broadcast %parallel_loop3A_307 : i32 to vector<16xi32>
        %parallel_loop3A_309 = arith.cmpi eq, %parallel_loop3A_287, %parallel_loop3A_308 : vector<16xi32>
        %parallel_loop3A_310 = arith.constant 0 : i32
        %parallel_loop3A_311 = vector.broadcast %parallel_loop3A_310 : i32 to vector<16xi32>
        %parallel_loop3A_312 = arith.addi %mul3A_35, %parallel_loop3A_311 : vector<16xi32>
        %parallel_loop3A_313 = arith.constant 1023 : i32
        %parallel_loop3A_314 = vector.broadcast %parallel_loop3A_313 : i32 to vector<16xi32>
        %parallel_loop3A_315 = arith.subi %parallel_loop3A_314, %parallel_loop3A_306 : vector<16xi32>
        %parallel_loop3A_316 = arith.select %parallel_loop3A_309, %parallel_loop3A_315, %parallel_loop3A_306 : vector<16xi1>, vector<16xi32>
        %parallel_loop3A_317 = arith.addi %parallel_loop3A_312, %parallel_loop3A_316 : vector<16xi32>
        tpu.vector_store_idx %arg7[%parallel_loop3A_317], %broadcast_in_dim3A_36 {add = true} : memref<49152xf32, #tpu.memory_space<vmem>>[vector<16xi32>], vector<16xf32>,
        %parallel_loop3A_318 = arith.constant 16 : i32
        %parallel_loop3A_319 = arith.addi %mul3A_254, %parallel_loop3A_318 : i32
        %parallel_loop3A_320 = arith.addi %parallel_loop3A_319, %parallel_loop3A_279 : i32
        %parallel_loop3A_321 = arith.index_cast %parallel_loop3A_320 : i32 to index
        %parallel_loop3A_322 = arith.index_cast %parallel_loop3A_283 : i32 to index
        %parallel_loop3A_323 = tpu.vector_load %arg6[%parallel_loop3A_321, %parallel_loop3A_322] {strides = array<i32>} : memref<96x512xf32, #tpu.memory_space<vmem>>, vector<16xf32>,
        %parallel_loop3A_324 = arith.constant 27.5268822 : f32
        %parallel_loop3A_325 = vector.broadcast %parallel_loop3A_324 : f32 to vector<16xf32>
        %parallel_loop3A_326 = arith.mulf %parallel_loop3A_323, %parallel_loop3A_325 : vector<16xf32>
        %parallel_loop3A_327 = arith.constant 2.560000e+02 : f32
        %parallel_loop3A_328 = vector.broadcast %parallel_loop3A_327 : f32 to vector<16xf32>
        %parallel_loop3A_329 = arith.addf %parallel_loop3A_326, %parallel_loop3A_328 : vector<16xf32>
        %parallel_loop3A_330 = arith.fptosi %parallel_loop3A_329 : vector<16xf32> to vector<16xi32>
        %parallel_loop3A_331 = arith.constant 0 : i32
        %parallel_loop3A_332 = vector.broadcast %parallel_loop3A_331 : i32 to vector<16xi32>
        %parallel_loop3A_333 = arith.maxsi %parallel_loop3A_330, %parallel_loop3A_332 : vector<16xi32>
        %parallel_loop3A_334 = arith.constant 511 : i32
        %parallel_loop3A_335 = vector.broadcast %parallel_loop3A_334 : i32 to vector<16xi32>
        %parallel_loop3A_336 = arith.minsi %parallel_loop3A_333, %parallel_loop3A_335 : vector<16xi32>
        %parallel_loop3A_337 = arith.constant 2 : i32
        %parallel_loop3A_338 = vector.broadcast %parallel_loop3A_337 : i32 to vector<16xi32>
        %parallel_loop3A_339 = arith.cmpi eq, %parallel_loop3A_287, %parallel_loop3A_338 : vector<16xi32>
        %parallel_loop3A_340 = arith.constant 16384 : i32
        %parallel_loop3A_341 = vector.broadcast %parallel_loop3A_340 : i32 to vector<16xi32>
        %parallel_loop3A_342 = arith.addi %mul3A_35, %parallel_loop3A_341 : vector<16xi32>
        %parallel_loop3A_343 = arith.constant 1023 : i32
        %parallel_loop3A_344 = vector.broadcast %parallel_loop3A_343 : i32 to vector<16xi32>
        %parallel_loop3A_345 = arith.subi %parallel_loop3A_344, %parallel_loop3A_336 : vector<16xi32>
        %parallel_loop3A_346 = arith.select %parallel_loop3A_339, %parallel_loop3A_345, %parallel_loop3A_336 : vector<16xi1>, vector<16xi32>
        %parallel_loop3A_347 = arith.addi %parallel_loop3A_342, %parallel_loop3A_346 : vector<16xi32>
        tpu.vector_store_idx %arg7[%parallel_loop3A_347], %broadcast_in_dim3A_36 {add = true} : memref<49152xf32, #tpu.memory_space<vmem>>[vector<16xi32>], vector<16xf32>,
        %parallel_loop3A_348 = arith.constant 32 : i32
        %parallel_loop3A_349 = arith.addi %mul3A_254, %parallel_loop3A_348 : i32
        %parallel_loop3A_350 = arith.addi %parallel_loop3A_349, %parallel_loop3A_279 : i32
        %parallel_loop3A_351 = arith.index_cast %parallel_loop3A_350 : i32 to index
        %parallel_loop3A_352 = arith.index_cast %parallel_loop3A_283 : i32 to index
        %parallel_loop3A_353 = tpu.vector_load %arg6[%parallel_loop3A_351, %parallel_loop3A_352] {strides = array<i32>} : memref<96x512xf32, #tpu.memory_space<vmem>>, vector<16xf32>,
        %parallel_loop3A_354 = arith.constant 27.5268822 : f32
        %parallel_loop3A_355 = vector.broadcast %parallel_loop3A_354 : f32 to vector<16xf32>
        %parallel_loop3A_356 = arith.mulf %parallel_loop3A_353, %parallel_loop3A_355 : vector<16xf32>
        %parallel_loop3A_357 = arith.constant 2.560000e+02 : f32
        %parallel_loop3A_358 = vector.broadcast %parallel_loop3A_357 : f32 to vector<16xf32>
        %parallel_loop3A_359 = arith.addf %parallel_loop3A_356, %parallel_loop3A_358 : vector<16xf32>
        %parallel_loop3A_360 = arith.fptosi %parallel_loop3A_359 : vector<16xf32> to vector<16xi32>
        %parallel_loop3A_361 = arith.constant 0 : i32
        %parallel_loop3A_362 = vector.broadcast %parallel_loop3A_361 : i32 to vector<16xi32>
        %parallel_loop3A_363 = arith.maxsi %parallel_loop3A_360, %parallel_loop3A_362 : vector<16xi32>
        %parallel_loop3A_364 = arith.constant 511 : i32
        %parallel_loop3A_365 = vector.broadcast %parallel_loop3A_364 : i32 to vector<16xi32>
        %parallel_loop3A_366 = arith.minsi %parallel_loop3A_363, %parallel_loop3A_365 : vector<16xi32>
        %parallel_loop3A_367 = arith.constant 3 : i32
        %parallel_loop3A_368 = vector.broadcast %parallel_loop3A_367 : i32 to vector<16xi32>
        %parallel_loop3A_369 = arith.cmpi eq, %parallel_loop3A_287, %parallel_loop3A_368 : vector<16xi32>
        %parallel_loop3A_370 = arith.constant 32768 : i32
        %parallel_loop3A_371 = vector.broadcast %parallel_loop3A_370 : i32 to vector<16xi32>
        %parallel_loop3A_372 = arith.addi %mul3A_35, %parallel_loop3A_371 : vector<16xi32>
        %parallel_loop3A_373 = arith.constant 1023 : i32
        %parallel_loop3A_374 = vector.broadcast %parallel_loop3A_373 : i32 to vector<16xi32>
        %parallel_loop3A_375 = arith.subi %parallel_loop3A_374, %parallel_loop3A_366 : vector<16xi32>
        %parallel_loop3A_376 = arith.select %parallel_loop3A_369, %parallel_loop3A_375, %parallel_loop3A_366 : vector<16xi1>, vector<16xi32>
        %parallel_loop3A_377 = arith.addi %parallel_loop3A_372, %parallel_loop3A_376 : vector<16xi32>
        tpu.vector_store_idx %arg7[%parallel_loop3A_377], %broadcast_in_dim3A_36 {add = true} : memref<49152xf32, #tpu.memory_space<vmem>>[vector<16xi32>], vector<16xf32>,
      } {sc.loop_unroll_factor = 8 : i64, sc.parallel_access}
      %scan3A_276 = arith.constant 0 : i32
      scf.yield %scan3A_276 : i32
    }
    %scan3A_113 = arith.constant 8 : i32
    %parallel_loop3A_114 = arith.constant 0 : i32
    %parallel_loop3A_115 = arith.constant 64 : i32
    %parallel_loop3A_116 = arith.constant 1 : i32
    scf.for %parallel_loop3A_128 = %parallel_loop3A_114 to %parallel_loop3A_115 step %parallel_loop3A_116  : i32 {
      %parallel_loop3A_129 = arith.constant 16 : i32
      %parallel_loop3A_130 = arith.muli %parallel_loop3A_128, %parallel_loop3A_129 : i32
      %parallel_loop3A_131 = arith.constant 0 : i32
      %parallel_loop3A_132 = arith.addi %parallel_loop3A_131, %parallel_loop3A_130 : i32
      %parallel_loop3A_133 = arith.index_cast %parallel_loop3A_132 : i32 to index
      %parallel_loop3A_134 = tpu.vector_load %arg7[%parallel_loop3A_133] {strides = array<i32>} : memref<49152xf32, #tpu.memory_space<vmem>>, vector<16xf32>,
      %parallel_loop3A_135 = arith.constant 16 : i32
      %parallel_loop3A_136 = arith.muli %parallel_loop3A_128, %parallel_loop3A_135 : i32
      %parallel_loop3A_137 = arith.constant 1024 : i32
      %parallel_loop3A_138 = arith.addi %parallel_loop3A_137, %parallel_loop3A_136 : i32
      %parallel_loop3A_139 = arith.index_cast %parallel_loop3A_138 : i32 to index
      %parallel_loop3A_140 = tpu.vector_load %arg7[%parallel_loop3A_139] {strides = array<i32>} : memref<49152xf32, #tpu.memory_space<vmem>>, vector<16xf32>,
      %parallel_loop3A_141 = arith.addf %parallel_loop3A_134, %parallel_loop3A_140 : vector<16xf32>
      %parallel_loop3A_142 = arith.constant 16 : i32
      %parallel_loop3A_143 = arith.muli %parallel_loop3A_128, %parallel_loop3A_142 : i32
      %parallel_loop3A_144 = arith.constant 2048 : i32
      %parallel_loop3A_145 = arith.addi %parallel_loop3A_144, %parallel_loop3A_143 : i32
      %parallel_loop3A_146 = arith.index_cast %parallel_loop3A_145 : i32 to index
      %parallel_loop3A_147 = tpu.vector_load %arg7[%parallel_loop3A_146] {strides = array<i32>} : memref<49152xf32, #tpu.memory_space<vmem>>, vector<16xf32>,
      %parallel_loop3A_148 = arith.addf %parallel_loop3A_141, %parallel_loop3A_147 : vector<16xf32>
      %parallel_loop3A_149 = arith.constant 16 : i32
      %parallel_loop3A_150 = arith.muli %parallel_loop3A_128, %parallel_loop3A_149 : i32
      %parallel_loop3A_151 = arith.constant 3072 : i32
      %parallel_loop3A_152 = arith.addi %parallel_loop3A_151, %parallel_loop3A_150 : i32
      %parallel_loop3A_153 = arith.index_cast %parallel_loop3A_152 : i32 to index
      %parallel_loop3A_154 = tpu.vector_load %arg7[%parallel_loop3A_153] {strides = array<i32>} : memref<49152xf32, #tpu.memory_space<vmem>>, vector<16xf32>,
      %parallel_loop3A_155 = arith.addf %parallel_loop3A_148, %parallel_loop3A_154 : vector<16xf32>
      %parallel_loop3A_156 = arith.constant 16 : i32
      %parallel_loop3A_157 = arith.muli %parallel_loop3A_128, %parallel_loop3A_156 : i32
      %parallel_loop3A_158 = arith.constant 4096 : i32
      %parallel_loop3A_159 = arith.addi %parallel_loop3A_158, %parallel_loop3A_157 : i32
      %parallel_loop3A_160 = arith.index_cast %parallel_loop3A_159 : i32 to index
      %parallel_loop3A_161 = tpu.vector_load %arg7[%parallel_loop3A_160] {strides = array<i32>} : memref<49152xf32, #tpu.memory_space<vmem>>, vector<16xf32>,
      %parallel_loop3A_162 = arith.addf %parallel_loop3A_155, %parallel_loop3A_161 : vector<16xf32>
      %parallel_loop3A_163 = arith.constant 16 : i32
      %parallel_loop3A_164 = arith.muli %parallel_loop3A_128, %parallel_loop3A_163 : i32
      %parallel_loop3A_165 = arith.constant 5120 : i32
      %parallel_loop3A_166 = arith.addi %parallel_loop3A_165, %parallel_loop3A_164 : i32
      %parallel_loop3A_167 = arith.index_cast %parallel_loop3A_166 : i32 to index
      %parallel_loop3A_168 = tpu.vector_load %arg7[%parallel_loop3A_167] {strides = array<i32>} : memref<49152xf32, #tpu.memory_space<vmem>>, vector<16xf32>,
      %parallel_loop3A_169 = arith.addf %parallel_loop3A_162, %parallel_loop3A_168 : vector<16xf32>
      %parallel_loop3A_170 = arith.constant 16 : i32
      %parallel_loop3A_171 = arith.muli %parallel_loop3A_128, %parallel_loop3A_170 : i32
      %parallel_loop3A_172 = arith.constant 6144 : i32
      %parallel_loop3A_173 = arith.addi %parallel_loop3A_172, %parallel_loop3A_171 : i32
      %parallel_loop3A_174 = arith.index_cast %parallel_loop3A_173 : i32 to index
      %parallel_loop3A_175 = tpu.vector_load %arg7[%parallel_loop3A_174] {strides = array<i32>} : memref<49152xf32, #tpu.memory_space<vmem>>, vector<16xf32>,
      %parallel_loop3A_176 = arith.addf %parallel_loop3A_169, %parallel_loop3A_175 : vector<16xf32>
      %parallel_loop3A_177 = arith.constant 16 : i32
      %parallel_loop3A_178 = arith.muli %parallel_loop3A_128, %parallel_loop3A_177 : i32
      %parallel_loop3A_179 = arith.constant 7168 : i32
      %parallel_loop3A_180 = arith.addi %parallel_loop3A_179, %parallel_loop3A_178 : i32
      %parallel_loop3A_181 = arith.index_cast %parallel_loop3A_180 : i32 to index
      %parallel_loop3A_182 = tpu.vector_load %arg7[%parallel_loop3A_181] {strides = array<i32>} : memref<49152xf32, #tpu.memory_space<vmem>>, vector<16xf32>,
      %parallel_loop3A_183 = arith.addf %parallel_loop3A_176, %parallel_loop3A_182 : vector<16xf32>
      %parallel_loop3A_184 = arith.constant 16 : i32
      %parallel_loop3A_185 = arith.muli %parallel_loop3A_128, %parallel_loop3A_184 : i32
      %parallel_loop3A_186 = arith.constant 8192 : i32
      %parallel_loop3A_187 = arith.addi %parallel_loop3A_186, %parallel_loop3A_185 : i32
      %parallel_loop3A_188 = arith.index_cast %parallel_loop3A_187 : i32 to index
      %parallel_loop3A_189 = tpu.vector_load %arg7[%parallel_loop3A_188] {strides = array<i32>} : memref<49152xf32, #tpu.memory_space<vmem>>, vector<16xf32>,
      %parallel_loop3A_190 = arith.addf %parallel_loop3A_183, %parallel_loop3A_189 : vector<16xf32>
      %parallel_loop3A_191 = arith.constant 16 : i32
      %parallel_loop3A_192 = arith.muli %parallel_loop3A_128, %parallel_loop3A_191 : i32
      %parallel_loop3A_193 = arith.constant 9216 : i32
      %parallel_loop3A_194 = arith.addi %parallel_loop3A_193, %parallel_loop3A_192 : i32
      %parallel_loop3A_195 = arith.index_cast %parallel_loop3A_194 : i32 to index
      %parallel_loop3A_196 = tpu.vector_load %arg7[%parallel_loop3A_195] {strides = array<i32>} : memref<49152xf32, #tpu.memory_space<vmem>>, vector<16xf32>,
      %parallel_loop3A_197 = arith.addf %parallel_loop3A_190, %parallel_loop3A_196 : vector<16xf32>
      %parallel_loop3A_198 = arith.constant 16 : i32
      %parallel_loop3A_199 = arith.muli %parallel_loop3A_128, %parallel_loop3A_198 : i32
      %parallel_loop3A_200 = arith.constant 10240 : i32
      %parallel_loop3A_201 = arith.addi %parallel_loop3A_200, %parallel_loop3A_199 : i32
      %parallel_loop3A_202 = arith.index_cast %parallel_loop3A_201 : i32 to index
      %parallel_loop3A_203 = tpu.vector_load %arg7[%parallel_loop3A_202] {strides = array<i32>} : memref<49152xf32, #tpu.memory_space<vmem>>, vector<16xf32>,
      %parallel_loop3A_204 = arith.addf %parallel_loop3A_197, %parallel_loop3A_203 : vector<16xf32>
      %parallel_loop3A_205 = arith.constant 16 : i32
      %parallel_loop3A_206 = arith.muli %parallel_loop3A_128, %parallel_loop3A_205 : i32
      %parallel_loop3A_207 = arith.constant 11264 : i32
      %parallel_loop3A_208 = arith.addi %parallel_loop3A_207, %parallel_loop3A_206 : i32
      %parallel_loop3A_209 = arith.index_cast %parallel_loop3A_208 : i32 to index
      %parallel_loop3A_210 = tpu.vector_load %arg7[%parallel_loop3A_209] {strides = array<i32>} : memref<49152xf32, #tpu.memory_space<vmem>>, vector<16xf32>,
      %parallel_loop3A_211 = arith.addf %parallel_loop3A_204, %parallel_loop3A_210 : vector<16xf32>
      %parallel_loop3A_212 = arith.constant 16 : i32
      %parallel_loop3A_213 = arith.muli %parallel_loop3A_128, %parallel_loop3A_212 : i32
      %parallel_loop3A_214 = arith.constant 12288 : i32
      %parallel_loop3A_215 = arith.addi %parallel_loop3A_214, %parallel_loop3A_213 : i32
      %parallel_loop3A_216 = arith.index_cast %parallel_loop3A_215 : i32 to index
      %parallel_loop3A_217 = tpu.vector_load %arg7[%parallel_loop3A_216] {strides = array<i32>} : memref<49152xf32, #tpu.memory_space<vmem>>, vector<16xf32>,
      %parallel_loop3A_218 = arith.addf %parallel_loop3A_211, %parallel_loop3A_217 : vector<16xf32>
      %parallel_loop3A_219 = arith.constant 16 : i32
      %parallel_loop3A_220 = arith.muli %parallel_loop3A_128, %parallel_loop3A_219 : i32
      %parallel_loop3A_221 = arith.constant 13312 : i32
      %parallel_loop3A_222 = arith.addi %parallel_loop3A_221, %parallel_loop3A_220 : i32
      %parallel_loop3A_223 = arith.index_cast %parallel_loop3A_222 : i32 to index
      %parallel_loop3A_224 = tpu.vector_load %arg7[%parallel_loop3A_223] {strides = array<i32>} : memref<49152xf32, #tpu.memory_space<vmem>>, vector<16xf32>,
      %parallel_loop3A_225 = arith.addf %parallel_loop3A_218, %parallel_loop3A_224 : vector<16xf32>
      %parallel_loop3A_226 = arith.constant 16 : i32
      %parallel_loop3A_227 = arith.muli %parallel_loop3A_128, %parallel_loop3A_226 : i32
      %parallel_loop3A_228 = arith.constant 14336 : i32
      %parallel_loop3A_229 = arith.addi %parallel_loop3A_228, %parallel_loop3A_227 : i32
      %parallel_loop3A_230 = arith.index_cast %parallel_loop3A_229 : i32 to index
      %parallel_loop3A_231 = tpu.vector_load %arg7[%parallel_loop3A_230] {strides = array<i32>} : memref<49152xf32, #tpu.memory_space<vmem>>, vector<16xf32>,
      %parallel_loop3A_232 = arith.addf %parallel_loop3A_225, %parallel_loop3A_231 : vector<16xf32>
      %parallel_loop3A_233 = arith.constant 16 : i32
      %parallel_loop3A_234 = arith.muli %parallel_loop3A_128, %parallel_loop3A_233 : i32
      %parallel_loop3A_235 = arith.constant 15360 : i32
      %parallel_loop3A_236 = arith.addi %parallel_loop3A_235, %parallel_loop3A_234 : i32
      %parallel_loop3A_237 = arith.index_cast %parallel_loop3A_236 : i32 to index
      %parallel_loop3A_238 = tpu.vector_load %arg7[%parallel_loop3A_237] {strides = array<i32>} : memref<49152xf32, #tpu.memory_space<vmem>>, vector<16xf32>,
      %parallel_loop3A_239 = arith.addf %parallel_loop3A_232, %parallel_loop3A_238 : vector<16xf32>
      %parallel_loop3A_240 = arith.constant 16 : i32
      %parallel_loop3A_241 = arith.muli %parallel_loop3A_128, %parallel_loop3A_240 : i32
      %parallel_loop3A_242 = arith.index_cast %parallel_loop3A_241 : i32 to index
      %parallel_loop3A_243 = tpu.vector_load %arg8[%parallel_loop3A_242] {strides = array<i32>} : memref<1024xf32, #tpu.memory_space<vmem>>, vector<16xf32>,
      tpu.vector_store %arg8[%parallel_loop3A_242], %parallel_loop3A_239 {strides = array<i32>} : memref<1024xf32, #tpu.memory_space<vmem>>, vector<16xf32>,
    } {sc.loop_unroll_factor = 2 : i64, sc.parallel_access}
    %run_scoped3A = arith.constant 0 : i32
    "tpu.region"() ({
      %run_scoped3A_128 = tpu.sem_alloc : memref<!tpu.dma_semaphore, #tpu.memory_space<semaphore_mem>>
      %dma_start3A_129 = arith.constant 0 : i32
      %dma_start3A_130 = tpu.memref_slice %arg8[%dma_start3A_129] : memref<1024xf32, #tpu.memory_space<vmem>> -> memref<512xf32, #tpu.memory_space<vmem>>
      %dma_start3A_131 = arith.constant 0 : i32
      %dma_start3A_132 = tpu.memref_slice %arg4[%run_scoped3A, %add3A, %dma_start3A_131] : memref<6x32x512xf32, #tpu.memory_space<hbm>> -> memref<1x1x512xf32, #tpu.memory_space<hbm>>
      %dma_start3A_133 = tpu.memref_squeeze %dma_start3A_132 : memref<1x1x512xf32, #tpu.memory_space<hbm>> -> memref<512xf32, #tpu.memory_space<hbm>>
      %dma_start3A_134 = arith.constant 0 : i32
      %dma_start3A_135 = tpu.memref_slice %arg4[%run_scoped3A, %add3A, %dma_start3A_134] : memref<6x32x512xf32, #tpu.memory_space<hbm>> -> memref<1x1x512xf32, #tpu.memory_space<hbm>>
      %dma_start3A_136 = tpu.memref_squeeze %dma_start3A_135 : memref<1x1x512xf32, #tpu.memory_space<hbm>> -> memref<512xf32, #tpu.memory_space<hbm>>
      %dma_start3A_137 = arith.constant 0 : i32
      %dma_start3A_138 = tpu.memref_slice %arg8[%dma_start3A_137] : memref<1024xf32, #tpu.memory_space<vmem>> -> memref<512xf32, #tpu.memory_space<vmem>>
      tpu.enqueue_dma source(%dma_start3A_138 : memref<512xf32, #tpu.memory_space<vmem>>) target(%dma_start3A_136 : memref<512xf32, #tpu.memory_space<hbm>>) target_semaphore(%run_scoped3A_128 : memref<!tpu.dma_semaphore, #tpu.memory_space<semaphore_mem>>)
      %dma_wait3A = arith.constant 0 : i32
      %dma_wait3A_139 = tpu.memref_slice %arg8[%dma_wait3A] : memref<1024xf32, #tpu.memory_space<vmem>> -> memref<512xf32, #tpu.memory_space<vmem>>
      %dma_wait3A_140 = arith.constant 0 : i32
      %dma_wait3A_141 = tpu.memref_slice %arg4[%run_scoped3A, %add3A, %dma_wait3A_140] : memref<6x32x512xf32, #tpu.memory_space<hbm>> -> memref<1x1x512xf32, #tpu.memory_space<hbm>>
      %dma_wait3A_142 = tpu.memref_squeeze %dma_wait3A_141 : memref<1x1x512xf32, #tpu.memory_space<hbm>> -> memref<512xf32, #tpu.memory_space<hbm>>
      %dma_wait3A_143 = arith.constant 0 : i32
      %dma_wait3A_144 = tpu.memref_slice %arg4[%run_scoped3A, %add3A, %dma_wait3A_143] : memref<6x32x512xf32, #tpu.memory_space<hbm>> -> memref<1x1x512xf32, #tpu.memory_space<hbm>>
      %dma_wait3A_145 = tpu.memref_squeeze %dma_wait3A_144 : memref<1x1x512xf32, #tpu.memory_space<hbm>> -> memref<512xf32, #tpu.memory_space<hbm>>
      %dma_wait3A_146 = arith.constant 0 : i32
      %dma_wait3A_147 = tpu.memref_slice %arg8[%dma_wait3A_146] : memref<1024xf32, #tpu.memory_space<vmem>> -> memref<512xf32, #tpu.memory_space<vmem>>
      tpu.wait_dma2 semaphore(%run_scoped3A_128 : memref<!tpu.dma_semaphore, #tpu.memory_space<semaphore_mem>>) src(%dma_wait3A_147 : memref<512xf32, #tpu.memory_space<vmem>>) dst(%dma_wait3A_145 : memref<512xf32, #tpu.memory_space<hbm>>)
      tpu.yield
    }) : () -> ()
    %run_scoped3A_117 = arith.constant 1 : i32
    "tpu.region"() ({
      %run_scoped3A_128 = tpu.sem_alloc : memref<!tpu.dma_semaphore, #tpu.memory_space<semaphore_mem>>
      %dma_start3A_129 = arith.constant 512 : i32
      %dma_start3A_130 = tpu.memref_slice %arg8[%dma_start3A_129] : memref<1024xf32, #tpu.memory_space<vmem>> -> memref<512xf32, #tpu.memory_space<vmem>>
      %dma_start3A_131 = arith.constant 0 : i32
      %dma_start3A_132 = tpu.memref_slice %arg4[%run_scoped3A_117, %add3A, %dma_start3A_131] : memref<6x32x512xf32, #tpu.memory_space<hbm>> -> memref<1x1x512xf32, #tpu.memory_space<hbm>>
      %dma_start3A_133 = tpu.memref_squeeze %dma_start3A_132 : memref<1x1x512xf32, #tpu.memory_space<hbm>> -> memref<512xf32, #tpu.memory_space<hbm>>
      %dma_start3A_134 = arith.constant 0 : i32
      %dma_start3A_135 = tpu.memref_slice %arg4[%run_scoped3A_117, %add3A, %dma_start3A_134] : memref<6x32x512xf32, #tpu.memory_space<hbm>> -> memref<1x1x512xf32, #tpu.memory_space<hbm>>
      %dma_start3A_136 = tpu.memref_squeeze %dma_start3A_135 : memref<1x1x512xf32, #tpu.memory_space<hbm>> -> memref<512xf32, #tpu.memory_space<hbm>>
      %dma_start3A_137 = arith.constant 512 : i32
      %dma_start3A_138 = tpu.memref_slice %arg8[%dma_start3A_137] : memref<1024xf32, #tpu.memory_space<vmem>> -> memref<512xf32, #tpu.memory_space<vmem>>
      tpu.enqueue_dma source(%dma_start3A_138 : memref<512xf32, #tpu.memory_space<vmem>>) target(%dma_start3A_136 : memref<512xf32, #tpu.memory_space<hbm>>) target_semaphore(%run_scoped3A_128 : memref<!tpu.dma_semaphore, #tpu.memory_space<semaphore_mem>>)
      %dma_wait3A = arith.constant 512 : i32
      %dma_wait3A_139 = tpu.memref_slice %arg8[%dma_wait3A] : memref<1024xf32, #tpu.memory_space<vmem>> -> memref<512xf32, #tpu.memory_space<vmem>>
      %dma_wait3A_140 = arith.constant 0 : i32
      %dma_wait3A_141 = tpu.memref_slice %arg4[%run_scoped3A_117, %add3A, %dma_wait3A_140] : memref<6x32x512xf32, #tpu.memory_space<hbm>> -> memref<1x1x512xf32, #tpu.memory_space<hbm>>
      %dma_wait3A_142 = tpu.memref_squeeze %dma_wait3A_141 : memref<1x1x512xf32, #tpu.memory_space<hbm>> -> memref<512xf32, #tpu.memory_space<hbm>>
      %dma_wait3A_143 = arith.constant 0 : i32
      %dma_wait3A_144 = tpu.memref_slice %arg4[%run_scoped3A_117, %add3A, %dma_wait3A_143] : memref<6x32x512xf32, #tpu.memory_space<hbm>> -> memref<1x1x512xf32, #tpu.memory_space<hbm>>
      %dma_wait3A_145 = tpu.memref_squeeze %dma_wait3A_144 : memref<1x1x512xf32, #tpu.memory_space<hbm>> -> memref<512xf32, #tpu.memory_space<hbm>>
      %dma_wait3A_146 = arith.constant 512 : i32
      %dma_wait3A_147 = tpu.memref_slice %arg8[%dma_wait3A_146] : memref<1024xf32, #tpu.memory_space<vmem>> -> memref<512xf32, #tpu.memory_space<vmem>>
      tpu.wait_dma2 semaphore(%run_scoped3A_128 : memref<!tpu.dma_semaphore, #tpu.memory_space<semaphore_mem>>) src(%dma_wait3A_147 : memref<512xf32, #tpu.memory_space<vmem>>) dst(%dma_wait3A_145 : memref<512xf32, #tpu.memory_space<hbm>>)
      tpu.yield
    }) : () -> ()
    %parallel_loop3A_118 = arith.constant 0 : i32
    %parallel_loop3A_119 = arith.constant 64 : i32
    %parallel_loop3A_120 = arith.constant 1 : i32
    scf.for %parallel_loop3A_128 = %parallel_loop3A_118 to %parallel_loop3A_119 step %parallel_loop3A_120  : i32 {
      %parallel_loop3A_129 = arith.constant 16 : i32
      %parallel_loop3A_130 = arith.muli %parallel_loop3A_128, %parallel_loop3A_129 : i32
      %parallel_loop3A_131 = arith.constant 16384 : i32
      %parallel_loop3A_132 = arith.addi %parallel_loop3A_131, %parallel_loop3A_130 : i32
      %parallel_loop3A_133 = arith.index_cast %parallel_loop3A_132 : i32 to index
      %parallel_loop3A_134 = tpu.vector_load %arg7[%parallel_loop3A_133] {strides = array<i32>} : memref<49152xf32, #tpu.memory_space<vmem>>, vector<16xf32>,
      %parallel_loop3A_135 = arith.constant 16 : i32
      %parallel_loop3A_136 = arith.muli %parallel_loop3A_128, %parallel_loop3A_135 : i32
      %parallel_loop3A_137 = arith.constant 17408 : i32
      %parallel_loop3A_138 = arith.addi %parallel_loop3A_137, %parallel_loop3A_136 : i32
      %parallel_loop3A_139 = arith.index_cast %parallel_loop3A_138 : i32 to index
      %parallel_loop3A_140 = tpu.vector_load %arg7[%parallel_loop3A_139] {strides = array<i32>} : memref<49152xf32, #tpu.memory_space<vmem>>, vector<16xf32>,
      %parallel_loop3A_141 = arith.addf %parallel_loop3A_134, %parallel_loop3A_140 : vector<16xf32>
      %parallel_loop3A_142 = arith.constant 16 : i32
      %parallel_loop3A_143 = arith.muli %parallel_loop3A_128, %parallel_loop3A_142 : i32
      %parallel_loop3A_144 = arith.constant 18432 : i32
      %parallel_loop3A_145 = arith.addi %parallel_loop3A_144, %parallel_loop3A_143 : i32
      %parallel_loop3A_146 = arith.index_cast %parallel_loop3A_145 : i32 to index
      %parallel_loop3A_147 = tpu.vector_load %arg7[%parallel_loop3A_146] {strides = array<i32>} : memref<49152xf32, #tpu.memory_space<vmem>>, vector<16xf32>,
      %parallel_loop3A_148 = arith.addf %parallel_loop3A_141, %parallel_loop3A_147 : vector<16xf32>
      %parallel_loop3A_149 = arith.constant 16 : i32
      %parallel_loop3A_150 = arith.muli %parallel_loop3A_128, %parallel_loop3A_149 : i32
      %parallel_loop3A_151 = arith.constant 19456 : i32
      %parallel_loop3A_152 = arith.addi %parallel_loop3A_151, %parallel_loop3A_150 : i32
      %parallel_loop3A_153 = arith.index_cast %parallel_loop3A_152 : i32 to index
      %parallel_loop3A_154 = tpu.vector_load %arg7[%parallel_loop3A_153] {strides = array<i32>} : memref<49152xf32, #tpu.memory_space<vmem>>, vector<16xf32>,
      %parallel_loop3A_155 = arith.addf %parallel_loop3A_148, %parallel_loop3A_154 : vector<16xf32>
      %parallel_loop3A_156 = arith.constant 16 : i32
      %parallel_loop3A_157 = arith.muli %parallel_loop3A_128, %parallel_loop3A_156 : i32
      %parallel_loop3A_158 = arith.constant 20480 : i32
      %parallel_loop3A_159 = arith.addi %parallel_loop3A_158, %parallel_loop3A_157 : i32
      %parallel_loop3A_160 = arith.index_cast %parallel_loop3A_159 : i32 to index
      %parallel_loop3A_161 = tpu.vector_load %arg7[%parallel_loop3A_160] {strides = array<i32>} : memref<49152xf32, #tpu.memory_space<vmem>>, vector<16xf32>,
      %parallel_loop3A_162 = arith.addf %parallel_loop3A_155, %parallel_loop3A_161 : vector<16xf32>
      %parallel_loop3A_163 = arith.constant 16 : i32
      %parallel_loop3A_164 = arith.muli %parallel_loop3A_128, %parallel_loop3A_163 : i32
      %parallel_loop3A_165 = arith.constant 21504 : i32
      %parallel_loop3A_166 = arith.addi %parallel_loop3A_165, %parallel_loop3A_164 : i32
      %parallel_loop3A_167 = arith.index_cast %parallel_loop3A_166 : i32 to index
      %parallel_loop3A_168 = tpu.vector_load %arg7[%parallel_loop3A_167] {strides = array<i32>} : memref<49152xf32, #tpu.memory_space<vmem>>, vector<16xf32>,
      %parallel_loop3A_169 = arith.addf %parallel_loop3A_162, %parallel_loop3A_168 : vector<16xf32>
      %parallel_loop3A_170 = arith.constant 16 : i32
      %parallel_loop3A_171 = arith.muli %parallel_loop3A_128, %parallel_loop3A_170 : i32
      %parallel_loop3A_172 = arith.constant 22528 : i32
      %parallel_loop3A_173 = arith.addi %parallel_loop3A_172, %parallel_loop3A_171 : i32
      %parallel_loop3A_174 = arith.index_cast %parallel_loop3A_173 : i32 to index
      %parallel_loop3A_175 = tpu.vector_load %arg7[%parallel_loop3A_174] {strides = array<i32>} : memref<49152xf32, #tpu.memory_space<vmem>>, vector<16xf32>,
      %parallel_loop3A_176 = arith.addf %parallel_loop3A_169, %parallel_loop3A_175 : vector<16xf32>
      %parallel_loop3A_177 = arith.constant 16 : i32
      %parallel_loop3A_178 = arith.muli %parallel_loop3A_128, %parallel_loop3A_177 : i32
      %parallel_loop3A_179 = arith.constant 23552 : i32
      %parallel_loop3A_180 = arith.addi %parallel_loop3A_179, %parallel_loop3A_178 : i32
      %parallel_loop3A_181 = arith.index_cast %parallel_loop3A_180 : i32 to index
      %parallel_loop3A_182 = tpu.vector_load %arg7[%parallel_loop3A_181] {strides = array<i32>} : memref<49152xf32, #tpu.memory_space<vmem>>, vector<16xf32>,
      %parallel_loop3A_183 = arith.addf %parallel_loop3A_176, %parallel_loop3A_182 : vector<16xf32>
      %parallel_loop3A_184 = arith.constant 16 : i32
      %parallel_loop3A_185 = arith.muli %parallel_loop3A_128, %parallel_loop3A_184 : i32
      %parallel_loop3A_186 = arith.constant 24576 : i32
      %parallel_loop3A_187 = arith.addi %parallel_loop3A_186, %parallel_loop3A_185 : i32
      %parallel_loop3A_188 = arith.index_cast %parallel_loop3A_187 : i32 to index
      %parallel_loop3A_189 = tpu.vector_load %arg7[%parallel_loop3A_188] {strides = array<i32>} : memref<49152xf32, #tpu.memory_space<vmem>>, vector<16xf32>,
      %parallel_loop3A_190 = arith.addf %parallel_loop3A_183, %parallel_loop3A_189 : vector<16xf32>
      %parallel_loop3A_191 = arith.constant 16 : i32
      %parallel_loop3A_192 = arith.muli %parallel_loop3A_128, %parallel_loop3A_191 : i32
      %parallel_loop3A_193 = arith.constant 25600 : i32
      %parallel_loop3A_194 = arith.addi %parallel_loop3A_193, %parallel_loop3A_192 : i32
      %parallel_loop3A_195 = arith.index_cast %parallel_loop3A_194 : i32 to index
      %parallel_loop3A_196 = tpu.vector_load %arg7[%parallel_loop3A_195] {strides = array<i32>} : memref<49152xf32, #tpu.memory_space<vmem>>, vector<16xf32>,
      %parallel_loop3A_197 = arith.addf %parallel_loop3A_190, %parallel_loop3A_196 : vector<16xf32>
      %parallel_loop3A_198 = arith.constant 16 : i32
      %parallel_loop3A_199 = arith.muli %parallel_loop3A_128, %parallel_loop3A_198 : i32
      %parallel_loop3A_200 = arith.constant 26624 : i32
      %parallel_loop3A_201 = arith.addi %parallel_loop3A_200, %parallel_loop3A_199 : i32
      %parallel_loop3A_202 = arith.index_cast %parallel_loop3A_201 : i32 to index
      %parallel_loop3A_203 = tpu.vector_load %arg7[%parallel_loop3A_202] {strides = array<i32>} : memref<49152xf32, #tpu.memory_space<vmem>>, vector<16xf32>,
      %parallel_loop3A_204 = arith.addf %parallel_loop3A_197, %parallel_loop3A_203 : vector<16xf32>
      %parallel_loop3A_205 = arith.constant 16 : i32
      %parallel_loop3A_206 = arith.muli %parallel_loop3A_128, %parallel_loop3A_205 : i32
      %parallel_loop3A_207 = arith.constant 27648 : i32
      %parallel_loop3A_208 = arith.addi %parallel_loop3A_207, %parallel_loop3A_206 : i32
      %parallel_loop3A_209 = arith.index_cast %parallel_loop3A_208 : i32 to index
      %parallel_loop3A_210 = tpu.vector_load %arg7[%parallel_loop3A_209] {strides = array<i32>} : memref<49152xf32, #tpu.memory_space<vmem>>, vector<16xf32>,
      %parallel_loop3A_211 = arith.addf %parallel_loop3A_204, %parallel_loop3A_210 : vector<16xf32>
      %parallel_loop3A_212 = arith.constant 16 : i32
      %parallel_loop3A_213 = arith.muli %parallel_loop3A_128, %parallel_loop3A_212 : i32
      %parallel_loop3A_214 = arith.constant 28672 : i32
      %parallel_loop3A_215 = arith.addi %parallel_loop3A_214, %parallel_loop3A_213 : i32
      %parallel_loop3A_216 = arith.index_cast %parallel_loop3A_215 : i32 to index
      %parallel_loop3A_217 = tpu.vector_load %arg7[%parallel_loop3A_216] {strides = array<i32>} : memref<49152xf32, #tpu.memory_space<vmem>>, vector<16xf32>,
      %parallel_loop3A_218 = arith.addf %parallel_loop3A_211, %parallel_loop3A_217 : vector<16xf32>
      %parallel_loop3A_219 = arith.constant 16 : i32
      %parallel_loop3A_220 = arith.muli %parallel_loop3A_128, %parallel_loop3A_219 : i32
      %parallel_loop3A_221 = arith.constant 29696 : i32
      %parallel_loop3A_222 = arith.addi %parallel_loop3A_221, %parallel_loop3A_220 : i32
      %parallel_loop3A_223 = arith.index_cast %parallel_loop3A_222 : i32 to index
      %parallel_loop3A_224 = tpu.vector_load %arg7[%parallel_loop3A_223] {strides = array<i32>} : memref<49152xf32, #tpu.memory_space<vmem>>, vector<16xf32>,
      %parallel_loop3A_225 = arith.addf %parallel_loop3A_218, %parallel_loop3A_224 : vector<16xf32>
      %parallel_loop3A_226 = arith.constant 16 : i32
      %parallel_loop3A_227 = arith.muli %parallel_loop3A_128, %parallel_loop3A_226 : i32
      %parallel_loop3A_228 = arith.constant 30720 : i32
      %parallel_loop3A_229 = arith.addi %parallel_loop3A_228, %parallel_loop3A_227 : i32
      %parallel_loop3A_230 = arith.index_cast %parallel_loop3A_229 : i32 to index
      %parallel_loop3A_231 = tpu.vector_load %arg7[%parallel_loop3A_230] {strides = array<i32>} : memref<49152xf32, #tpu.memory_space<vmem>>, vector<16xf32>,
      %parallel_loop3A_232 = arith.addf %parallel_loop3A_225, %parallel_loop3A_231 : vector<16xf32>
      %parallel_loop3A_233 = arith.constant 16 : i32
      %parallel_loop3A_234 = arith.muli %parallel_loop3A_128, %parallel_loop3A_233 : i32
      %parallel_loop3A_235 = arith.constant 31744 : i32
      %parallel_loop3A_236 = arith.addi %parallel_loop3A_235, %parallel_loop3A_234 : i32
      %parallel_loop3A_237 = arith.index_cast %parallel_loop3A_236 : i32 to index
      %parallel_loop3A_238 = tpu.vector_load %arg7[%parallel_loop3A_237] {strides = array<i32>} : memref<49152xf32, #tpu.memory_space<vmem>>, vector<16xf32>,
      %parallel_loop3A_239 = arith.addf %parallel_loop3A_232, %parallel_loop3A_238 : vector<16xf32>
      %parallel_loop3A_240 = arith.constant 16 : i32
      %parallel_loop3A_241 = arith.muli %parallel_loop3A_128, %parallel_loop3A_240 : i32
      %parallel_loop3A_242 = arith.index_cast %parallel_loop3A_241 : i32 to index
      %parallel_loop3A_243 = tpu.vector_load %arg8[%parallel_loop3A_242] {strides = array<i32>} : memref<1024xf32, #tpu.memory_space<vmem>>, vector<16xf32>,
      tpu.vector_store %arg8[%parallel_loop3A_242], %parallel_loop3A_239 {strides = array<i32>} : memref<1024xf32, #tpu.memory_space<vmem>>, vector<16xf32>,
    } {sc.loop_unroll_factor = 2 : i64, sc.parallel_access}
    %run_scoped3A_121 = arith.constant 2 : i32
    "tpu.region"() ({
      %run_scoped3A_128 = tpu.sem_alloc : memref<!tpu.dma_semaphore, #tpu.memory_space<semaphore_mem>>
      %dma_start3A_129 = arith.constant 0 : i32
      %dma_start3A_130 = tpu.memref_slice %arg8[%dma_start3A_129] : memref<1024xf32, #tpu.memory_space<vmem>> -> memref<512xf32, #tpu.memory_space<vmem>>
      %dma_start3A_131 = arith.constant 0 : i32
      %dma_start3A_132 = tpu.memref_slice %arg4[%run_scoped3A_121, %add3A, %dma_start3A_131] : memref<6x32x512xf32, #tpu.memory_space<hbm>> -> memref<1x1x512xf32, #tpu.memory_space<hbm>>
      %dma_start3A_133 = tpu.memref_squeeze %dma_start3A_132 : memref<1x1x512xf32, #tpu.memory_space<hbm>> -> memref<512xf32, #tpu.memory_space<hbm>>
      %dma_start3A_134 = arith.constant 0 : i32
      %dma_start3A_135 = tpu.memref_slice %arg4[%run_scoped3A_121, %add3A, %dma_start3A_134] : memref<6x32x512xf32, #tpu.memory_space<hbm>> -> memref<1x1x512xf32, #tpu.memory_space<hbm>>
      %dma_start3A_136 = tpu.memref_squeeze %dma_start3A_135 : memref<1x1x512xf32, #tpu.memory_space<hbm>> -> memref<512xf32, #tpu.memory_space<hbm>>
      %dma_start3A_137 = arith.constant 0 : i32
      %dma_start3A_138 = tpu.memref_slice %arg8[%dma_start3A_137] : memref<1024xf32, #tpu.memory_space<vmem>> -> memref<512xf32, #tpu.memory_space<vmem>>
      tpu.enqueue_dma source(%dma_start3A_138 : memref<512xf32, #tpu.memory_space<vmem>>) target(%dma_start3A_136 : memref<512xf32, #tpu.memory_space<hbm>>) target_semaphore(%run_scoped3A_128 : memref<!tpu.dma_semaphore, #tpu.memory_space<semaphore_mem>>)
      %dma_wait3A = arith.constant 0 : i32
      %dma_wait3A_139 = tpu.memref_slice %arg8[%dma_wait3A] : memref<1024xf32, #tpu.memory_space<vmem>> -> memref<512xf32, #tpu.memory_space<vmem>>
      %dma_wait3A_140 = arith.constant 0 : i32
      %dma_wait3A_141 = tpu.memref_slice %arg4[%run_scoped3A_121, %add3A, %dma_wait3A_140] : memref<6x32x512xf32, #tpu.memory_space<hbm>> -> memref<1x1x512xf32, #tpu.memory_space<hbm>>
      %dma_wait3A_142 = tpu.memref_squeeze %dma_wait3A_141 : memref<1x1x512xf32, #tpu.memory_space<hbm>> -> memref<512xf32, #tpu.memory_space<hbm>>
      %dma_wait3A_143 = arith.constant 0 : i32
      %dma_wait3A_144 = tpu.memref_slice %arg4[%run_scoped3A_121, %add3A, %dma_wait3A_143] : memref<6x32x512xf32, #tpu.memory_space<hbm>> -> memref<1x1x512xf32, #tpu.memory_space<hbm>>
      %dma_wait3A_145 = tpu.memref_squeeze %dma_wait3A_144 : memref<1x1x512xf32, #tpu.memory_space<hbm>> -> memref<512xf32, #tpu.memory_space<hbm>>
      %dma_wait3A_146 = arith.constant 0 : i32
      %dma_wait3A_147 = tpu.memref_slice %arg8[%dma_wait3A_146] : memref<1024xf32, #tpu.memory_space<vmem>> -> memref<512xf32, #tpu.memory_space<vmem>>
      tpu.wait_dma2 semaphore(%run_scoped3A_128 : memref<!tpu.dma_semaphore, #tpu.memory_space<semaphore_mem>>) src(%dma_wait3A_147 : memref<512xf32, #tpu.memory_space<vmem>>) dst(%dma_wait3A_145 : memref<512xf32, #tpu.memory_space<hbm>>)
      tpu.yield
    }) : () -> ()
    %run_scoped3A_122 = arith.constant 3 : i32
    "tpu.region"() ({
      %run_scoped3A_128 = tpu.sem_alloc : memref<!tpu.dma_semaphore, #tpu.memory_space<semaphore_mem>>
      %dma_start3A_129 = arith.constant 512 : i32
      %dma_start3A_130 = tpu.memref_slice %arg8[%dma_start3A_129] : memref<1024xf32, #tpu.memory_space<vmem>> -> memref<512xf32, #tpu.memory_space<vmem>>
      %dma_start3A_131 = arith.constant 0 : i32
      %dma_start3A_132 = tpu.memref_slice %arg4[%run_scoped3A_122, %add3A, %dma_start3A_131] : memref<6x32x512xf32, #tpu.memory_space<hbm>> -> memref<1x1x512xf32, #tpu.memory_space<hbm>>
      %dma_start3A_133 = tpu.memref_squeeze %dma_start3A_132 : memref<1x1x512xf32, #tpu.memory_space<hbm>> -> memref<512xf32, #tpu.memory_space<hbm>>
      %dma_start3A_134 = arith.constant 0 : i32
      %dma_start3A_135 = tpu.memref_slice %arg4[%run_scoped3A_122, %add3A, %dma_start3A_134] : memref<6x32x512xf32, #tpu.memory_space<hbm>> -> memref<1x1x512xf32, #tpu.memory_space<hbm>>
      %dma_start3A_136 = tpu.memref_squeeze %dma_start3A_135 : memref<1x1x512xf32, #tpu.memory_space<hbm>> -> memref<512xf32, #tpu.memory_space<hbm>>
      %dma_start3A_137 = arith.constant 512 : i32
      %dma_start3A_138 = tpu.memref_slice %arg8[%dma_start3A_137] : memref<1024xf32, #tpu.memory_space<vmem>> -> memref<512xf32, #tpu.memory_space<vmem>>
      tpu.enqueue_dma source(%dma_start3A_138 : memref<512xf32, #tpu.memory_space<vmem>>) target(%dma_start3A_136 : memref<512xf32, #tpu.memory_space<hbm>>) target_semaphore(%run_scoped3A_128 : memref<!tpu.dma_semaphore, #tpu.memory_space<semaphore_mem>>)
      %dma_wait3A = arith.constant 512 : i32
      %dma_wait3A_139 = tpu.memref_slice %arg8[%dma_wait3A] : memref<1024xf32, #tpu.memory_space<vmem>> -> memref<512xf32, #tpu.memory_space<vmem>>
      %dma_wait3A_140 = arith.constant 0 : i32
      %dma_wait3A_141 = tpu.memref_slice %arg4[%run_scoped3A_122, %add3A, %dma_wait3A_140] : memref<6x32x512xf32, #tpu.memory_space<hbm>> -> memref<1x1x512xf32, #tpu.memory_space<hbm>>
      %dma_wait3A_142 = tpu.memref_squeeze %dma_wait3A_141 : memref<1x1x512xf32, #tpu.memory_space<hbm>> -> memref<512xf32, #tpu.memory_space<hbm>>
      %dma_wait3A_143 = arith.constant 0 : i32
      %dma_wait3A_144 = tpu.memref_slice %arg4[%run_scoped3A_122, %add3A, %dma_wait3A_143] : memref<6x32x512xf32, #tpu.memory_space<hbm>> -> memref<1x1x512xf32, #tpu.memory_space<hbm>>
      %dma_wait3A_145 = tpu.memref_squeeze %dma_wait3A_144 : memref<1x1x512xf32, #tpu.memory_space<hbm>> -> memref<512xf32, #tpu.memory_space<hbm>>
      %dma_wait3A_146 = arith.constant 512 : i32
      %dma_wait3A_147 = tpu.memref_slice %arg8[%dma_wait3A_146] : memref<1024xf32, #tpu.memory_space<vmem>> -> memref<512xf32, #tpu.memory_space<vmem>>
      tpu.wait_dma2 semaphore(%run_scoped3A_128 : memref<!tpu.dma_semaphore, #tpu.memory_space<semaphore_mem>>) src(%dma_wait3A_147 : memref<512xf32, #tpu.memory_space<vmem>>) dst(%dma_wait3A_145 : memref<512xf32, #tpu.memory_space<hbm>>)
      tpu.yield
    }) : () -> ()
    %parallel_loop3A_123 = arith.constant 0 : i32
    %parallel_loop3A_124 = arith.constant 64 : i32
    %parallel_loop3A_125 = arith.constant 1 : i32
    scf.for %parallel_loop3A_128 = %parallel_loop3A_123 to %parallel_loop3A_124 step %parallel_loop3A_125  : i32 {
      %parallel_loop3A_129 = arith.constant 16 : i32
      %parallel_loop3A_130 = arith.muli %parallel_loop3A_128, %parallel_loop3A_129 : i32
      %parallel_loop3A_131 = arith.constant 32768 : i32
      %parallel_loop3A_132 = arith.addi %parallel_loop3A_131, %parallel_loop3A_130 : i32
      %parallel_loop3A_133 = arith.index_cast %parallel_loop3A_132 : i32 to index
      %parallel_loop3A_134 = tpu.vector_load %arg7[%parallel_loop3A_133] {strides = array<i32>} : memref<49152xf32, #tpu.memory_space<vmem>>, vector<16xf32>,
      %parallel_loop3A_135 = arith.constant 16 : i32
      %parallel_loop3A_136 = arith.muli %parallel_loop3A_128, %parallel_loop3A_135 : i32
      %parallel_loop3A_137 = arith.constant 33792 : i32
      %parallel_loop3A_138 = arith.addi %parallel_loop3A_137, %parallel_loop3A_136 : i32
      %parallel_loop3A_139 = arith.index_cast %parallel_loop3A_138 : i32 to index
      %parallel_loop3A_140 = tpu.vector_load %arg7[%parallel_loop3A_139] {strides = array<i32>} : memref<49152xf32, #tpu.memory_space<vmem>>, vector<16xf32>,
      %parallel_loop3A_141 = arith.addf %parallel_loop3A_134, %parallel_loop3A_140 : vector<16xf32>
      %parallel_loop3A_142 = arith.constant 16 : i32
      %parallel_loop3A_143 = arith.muli %parallel_loop3A_128, %parallel_loop3A_142 : i32
      %parallel_loop3A_144 = arith.constant 34816 : i32
      %parallel_loop3A_145 = arith.addi %parallel_loop3A_144, %parallel_loop3A_143 : i32
      %parallel_loop3A_146 = arith.index_cast %parallel_loop3A_145 : i32 to index
      %parallel_loop3A_147 = tpu.vector_load %arg7[%parallel_loop3A_146] {strides = array<i32>} : memref<49152xf32, #tpu.memory_space<vmem>>, vector<16xf32>,
      %parallel_loop3A_148 = arith.addf %parallel_loop3A_141, %parallel_loop3A_147 : vector<16xf32>
      %parallel_loop3A_149 = arith.constant 16 : i32
      %parallel_loop3A_150 = arith.muli %parallel_loop3A_128, %parallel_loop3A_149 : i32
      %parallel_loop3A_151 = arith.constant 35840 : i32
      %parallel_loop3A_152 = arith.addi %parallel_loop3A_151, %parallel_loop3A_150 : i32
      %parallel_loop3A_153 = arith.index_cast %parallel_loop3A_152 : i32 to index
      %parallel_loop3A_154 = tpu.vector_load %arg7[%parallel_loop3A_153] {strides = array<i32>} : memref<49152xf32, #tpu.memory_space<vmem>>, vector<16xf32>,
      %parallel_loop3A_155 = arith.addf %parallel_loop3A_148, %parallel_loop3A_154 : vector<16xf32>
      %parallel_loop3A_156 = arith.constant 16 : i32
      %parallel_loop3A_157 = arith.muli %parallel_loop3A_128, %parallel_loop3A_156 : i32
      %parallel_loop3A_158 = arith.constant 36864 : i32
      %parallel_loop3A_159 = arith.addi %parallel_loop3A_158, %parallel_loop3A_157 : i32
      %parallel_loop3A_160 = arith.index_cast %parallel_loop3A_159 : i32 to index
      %parallel_loop3A_161 = tpu.vector_load %arg7[%parallel_loop3A_160] {strides = array<i32>} : memref<49152xf32, #tpu.memory_space<vmem>>, vector<16xf32>,
      %parallel_loop3A_162 = arith.addf %parallel_loop3A_155, %parallel_loop3A_161 : vector<16xf32>
      %parallel_loop3A_163 = arith.constant 16 : i32
      %parallel_loop3A_164 = arith.muli %parallel_loop3A_128, %parallel_loop3A_163 : i32
      %parallel_loop3A_165 = arith.constant 37888 : i32
      %parallel_loop3A_166 = arith.addi %parallel_loop3A_165, %parallel_loop3A_164 : i32
      %parallel_loop3A_167 = arith.index_cast %parallel_loop3A_166 : i32 to index
      %parallel_loop3A_168 = tpu.vector_load %arg7[%parallel_loop3A_167] {strides = array<i32>} : memref<49152xf32, #tpu.memory_space<vmem>>, vector<16xf32>,
      %parallel_loop3A_169 = arith.addf %parallel_loop3A_162, %parallel_loop3A_168 : vector<16xf32>
      %parallel_loop3A_170 = arith.constant 16 : i32
      %parallel_loop3A_171 = arith.muli %parallel_loop3A_128, %parallel_loop3A_170 : i32
      %parallel_loop3A_172 = arith.constant 38912 : i32
      %parallel_loop3A_173 = arith.addi %parallel_loop3A_172, %parallel_loop3A_171 : i32
      %parallel_loop3A_174 = arith.index_cast %parallel_loop3A_173 : i32 to index
      %parallel_loop3A_175 = tpu.vector_load %arg7[%parallel_loop3A_174] {strides = array<i32>} : memref<49152xf32, #tpu.memory_space<vmem>>, vector<16xf32>,
      %parallel_loop3A_176 = arith.addf %parallel_loop3A_169, %parallel_loop3A_175 : vector<16xf32>
      %parallel_loop3A_177 = arith.constant 16 : i32
      %parallel_loop3A_178 = arith.muli %parallel_loop3A_128, %parallel_loop3A_177 : i32
      %parallel_loop3A_179 = arith.constant 39936 : i32
      %parallel_loop3A_180 = arith.addi %parallel_loop3A_179, %parallel_loop3A_178 : i32
      %parallel_loop3A_181 = arith.index_cast %parallel_loop3A_180 : i32 to index
      %parallel_loop3A_182 = tpu.vector_load %arg7[%parallel_loop3A_181] {strides = array<i32>} : memref<49152xf32, #tpu.memory_space<vmem>>, vector<16xf32>,
      %parallel_loop3A_183 = arith.addf %parallel_loop3A_176, %parallel_loop3A_182 : vector<16xf32>
      %parallel_loop3A_184 = arith.constant 16 : i32
      %parallel_loop3A_185 = arith.muli %parallel_loop3A_128, %parallel_loop3A_184 : i32
      %parallel_loop3A_186 = arith.constant 40960 : i32
      %parallel_loop3A_187 = arith.addi %parallel_loop3A_186, %parallel_loop3A_185 : i32
      %parallel_loop3A_188 = arith.index_cast %parallel_loop3A_187 : i32 to index
      %parallel_loop3A_189 = tpu.vector_load %arg7[%parallel_loop3A_188] {strides = array<i32>} : memref<49152xf32, #tpu.memory_space<vmem>>, vector<16xf32>,
      %parallel_loop3A_190 = arith.addf %parallel_loop3A_183, %parallel_loop3A_189 : vector<16xf32>
      %parallel_loop3A_191 = arith.constant 16 : i32
      %parallel_loop3A_192 = arith.muli %parallel_loop3A_128, %parallel_loop3A_191 : i32
      %parallel_loop3A_193 = arith.constant 41984 : i32
      %parallel_loop3A_194 = arith.addi %parallel_loop3A_193, %parallel_loop3A_192 : i32
      %parallel_loop3A_195 = arith.index_cast %parallel_loop3A_194 : i32 to index
      %parallel_loop3A_196 = tpu.vector_load %arg7[%parallel_loop3A_195] {strides = array<i32>} : memref<49152xf32, #tpu.memory_space<vmem>>, vector<16xf32>,
      %parallel_loop3A_197 = arith.addf %parallel_loop3A_190, %parallel_loop3A_196 : vector<16xf32>
      %parallel_loop3A_198 = arith.constant 16 : i32
      %parallel_loop3A_199 = arith.muli %parallel_loop3A_128, %parallel_loop3A_198 : i32
      %parallel_loop3A_200 = arith.constant 43008 : i32
      %parallel_loop3A_201 = arith.addi %parallel_loop3A_200, %parallel_loop3A_199 : i32
      %parallel_loop3A_202 = arith.index_cast %parallel_loop3A_201 : i32 to index
      %parallel_loop3A_203 = tpu.vector_load %arg7[%parallel_loop3A_202] {strides = array<i32>} : memref<49152xf32, #tpu.memory_space<vmem>>, vector<16xf32>,
      %parallel_loop3A_204 = arith.addf %parallel_loop3A_197, %parallel_loop3A_203 : vector<16xf32>
      %parallel_loop3A_205 = arith.constant 16 : i32
      %parallel_loop3A_206 = arith.muli %parallel_loop3A_128, %parallel_loop3A_205 : i32
      %parallel_loop3A_207 = arith.constant 44032 : i32
      %parallel_loop3A_208 = arith.addi %parallel_loop3A_207, %parallel_loop3A_206 : i32
      %parallel_loop3A_209 = arith.index_cast %parallel_loop3A_208 : i32 to index
      %parallel_loop3A_210 = tpu.vector_load %arg7[%parallel_loop3A_209] {strides = array<i32>} : memref<49152xf32, #tpu.memory_space<vmem>>, vector<16xf32>,
      %parallel_loop3A_211 = arith.addf %parallel_loop3A_204, %parallel_loop3A_210 : vector<16xf32>
      %parallel_loop3A_212 = arith.constant 16 : i32
      %parallel_loop3A_213 = arith.muli %parallel_loop3A_128, %parallel_loop3A_212 : i32
      %parallel_loop3A_214 = arith.constant 45056 : i32
      %parallel_loop3A_215 = arith.addi %parallel_loop3A_214, %parallel_loop3A_213 : i32
      %parallel_loop3A_216 = arith.index_cast %parallel_loop3A_215 : i32 to index
      %parallel_loop3A_217 = tpu.vector_load %arg7[%parallel_loop3A_216] {strides = array<i32>} : memref<49152xf32, #tpu.memory_space<vmem>>, vector<16xf32>,
      %parallel_loop3A_218 = arith.addf %parallel_loop3A_211, %parallel_loop3A_217 : vector<16xf32>
      %parallel_loop3A_219 = arith.constant 16 : i32
      %parallel_loop3A_220 = arith.muli %parallel_loop3A_128, %parallel_loop3A_219 : i32
      %parallel_loop3A_221 = arith.constant 46080 : i32
      %parallel_loop3A_222 = arith.addi %parallel_loop3A_221, %parallel_loop3A_220 : i32
      %parallel_loop3A_223 = arith.index_cast %parallel_loop3A_222 : i32 to index
      %parallel_loop3A_224 = tpu.vector_load %arg7[%parallel_loop3A_223] {strides = array<i32>} : memref<49152xf32, #tpu.memory_space<vmem>>, vector<16xf32>,
      %parallel_loop3A_225 = arith.addf %parallel_loop3A_218, %parallel_loop3A_224 : vector<16xf32>
      %parallel_loop3A_226 = arith.constant 16 : i32
      %parallel_loop3A_227 = arith.muli %parallel_loop3A_128, %parallel_loop3A_226 : i32
      %parallel_loop3A_228 = arith.constant 47104 : i32
      %parallel_loop3A_229 = arith.addi %parallel_loop3A_228, %parallel_loop3A_227 : i32
      %parallel_loop3A_230 = arith.index_cast %parallel_loop3A_229 : i32 to index
      %parallel_loop3A_231 = tpu.vector_load %arg7[%parallel_loop3A_230] {strides = array<i32>} : memref<49152xf32, #tpu.memory_space<vmem>>, vector<16xf32>,
      %parallel_loop3A_232 = arith.addf %parallel_loop3A_225, %parallel_loop3A_231 : vector<16xf32>
      %parallel_loop3A_233 = arith.constant 16 : i32
      %parallel_loop3A_234 = arith.muli %parallel_loop3A_128, %parallel_loop3A_233 : i32
      %parallel_loop3A_235 = arith.constant 48128 : i32
      %parallel_loop3A_236 = arith.addi %parallel_loop3A_235, %parallel_loop3A_234 : i32
      %parallel_loop3A_237 = arith.index_cast %parallel_loop3A_236 : i32 to index
      %parallel_loop3A_238 = tpu.vector_load %arg7[%parallel_loop3A_237] {strides = array<i32>} : memref<49152xf32, #tpu.memory_space<vmem>>, vector<16xf32>,
      %parallel_loop3A_239 = arith.addf %parallel_loop3A_232, %parallel_loop3A_238 : vector<16xf32>
      %parallel_loop3A_240 = arith.constant 16 : i32
      %parallel_loop3A_241 = arith.muli %parallel_loop3A_128, %parallel_loop3A_240 : i32
      %parallel_loop3A_242 = arith.index_cast %parallel_loop3A_241 : i32 to index
      %parallel_loop3A_243 = tpu.vector_load %arg8[%parallel_loop3A_242] {strides = array<i32>} : memref<1024xf32, #tpu.memory_space<vmem>>, vector<16xf32>,
      tpu.vector_store %arg8[%parallel_loop3A_242], %parallel_loop3A_239 {strides = array<i32>} : memref<1024xf32, #tpu.memory_space<vmem>>, vector<16xf32>,
    } {sc.loop_unroll_factor = 2 : i64, sc.parallel_access}
    %run_scoped3A_126 = arith.constant 4 : i32
    "tpu.region"() ({
      %run_scoped3A_128 = tpu.sem_alloc : memref<!tpu.dma_semaphore, #tpu.memory_space<semaphore_mem>>
      %dma_start3A_129 = arith.constant 0 : i32
      %dma_start3A_130 = tpu.memref_slice %arg8[%dma_start3A_129] : memref<1024xf32, #tpu.memory_space<vmem>> -> memref<512xf32, #tpu.memory_space<vmem>>
      %dma_start3A_131 = arith.constant 0 : i32
      %dma_start3A_132 = tpu.memref_slice %arg4[%run_scoped3A_126, %add3A, %dma_start3A_131] : memref<6x32x512xf32, #tpu.memory_space<hbm>> -> memref<1x1x512xf32, #tpu.memory_space<hbm>>
      %dma_start3A_133 = tpu.memref_squeeze %dma_start3A_132 : memref<1x1x512xf32, #tpu.memory_space<hbm>> -> memref<512xf32, #tpu.memory_space<hbm>>
      %dma_start3A_134 = arith.constant 0 : i32
      %dma_start3A_135 = tpu.memref_slice %arg4[%run_scoped3A_126, %add3A, %dma_start3A_134] : memref<6x32x512xf32, #tpu.memory_space<hbm>> -> memref<1x1x512xf32, #tpu.memory_space<hbm>>
      %dma_start3A_136 = tpu.memref_squeeze %dma_start3A_135 : memref<1x1x512xf32, #tpu.memory_space<hbm>> -> memref<512xf32, #tpu.memory_space<hbm>>
      %dma_start3A_137 = arith.constant 0 : i32
      %dma_start3A_138 = tpu.memref_slice %arg8[%dma_start3A_137] : memref<1024xf32, #tpu.memory_space<vmem>> -> memref<512xf32, #tpu.memory_space<vmem>>
      tpu.enqueue_dma source(%dma_start3A_138 : memref<512xf32, #tpu.memory_space<vmem>>) target(%dma_start3A_136 : memref<512xf32, #tpu.memory_space<hbm>>) target_semaphore(%run_scoped3A_128 : memref<!tpu.dma_semaphore, #tpu.memory_space<semaphore_mem>>)
      %dma_wait3A = arith.constant 0 : i32
      %dma_wait3A_139 = tpu.memref_slice %arg8[%dma_wait3A] : memref<1024xf32, #tpu.memory_space<vmem>> -> memref<512xf32, #tpu.memory_space<vmem>>
      %dma_wait3A_140 = arith.constant 0 : i32
      %dma_wait3A_141 = tpu.memref_slice %arg4[%run_scoped3A_126, %add3A, %dma_wait3A_140] : memref<6x32x512xf32, #tpu.memory_space<hbm>> -> memref<1x1x512xf32, #tpu.memory_space<hbm>>
      %dma_wait3A_142 = tpu.memref_squeeze %dma_wait3A_141 : memref<1x1x512xf32, #tpu.memory_space<hbm>> -> memref<512xf32, #tpu.memory_space<hbm>>
      %dma_wait3A_143 = arith.constant 0 : i32
      %dma_wait3A_144 = tpu.memref_slice %arg4[%run_scoped3A_126, %add3A, %dma_wait3A_143] : memref<6x32x512xf32, #tpu.memory_space<hbm>> -> memref<1x1x512xf32, #tpu.memory_space<hbm>>
      %dma_wait3A_145 = tpu.memref_squeeze %dma_wait3A_144 : memref<1x1x512xf32, #tpu.memory_space<hbm>> -> memref<512xf32, #tpu.memory_space<hbm>>
      %dma_wait3A_146 = arith.constant 0 : i32
      %dma_wait3A_147 = tpu.memref_slice %arg8[%dma_wait3A_146] : memref<1024xf32, #tpu.memory_space<vmem>> -> memref<512xf32, #tpu.memory_space<vmem>>
      tpu.wait_dma2 semaphore(%run_scoped3A_128 : memref<!tpu.dma_semaphore, #tpu.memory_space<semaphore_mem>>) src(%dma_wait3A_147 : memref<512xf32, #tpu.memory_space<vmem>>) dst(%dma_wait3A_145 : memref<512xf32, #tpu.memory_space<hbm>>)
      tpu.yield
    }) : () -> ()
    %run_scoped3A_127 = arith.constant 5 : i32
    "tpu.region"() ({
      %run_scoped3A_128 = tpu.sem_alloc : memref<!tpu.dma_semaphore, #tpu.memory_space<semaphore_mem>>
      %dma_start3A_129 = arith.constant 512 : i32
      %dma_start3A_130 = tpu.memref_slice %arg8[%dma_start3A_129] : memref<1024xf32, #tpu.memory_space<vmem>> -> memref<512xf32, #tpu.memory_space<vmem>>
      %dma_start3A_131 = arith.constant 0 : i32
      %dma_start3A_132 = tpu.memref_slice %arg4[%run_scoped3A_127, %add3A, %dma_start3A_131] : memref<6x32x512xf32, #tpu.memory_space<hbm>> -> memref<1x1x512xf32, #tpu.memory_space<hbm>>
      %dma_start3A_133 = tpu.memref_squeeze %dma_start3A_132 : memref<1x1x512xf32, #tpu.memory_space<hbm>> -> memref<512xf32, #tpu.memory_space<hbm>>
      %dma_start3A_134 = arith.constant 0 : i32
      %dma_start3A_135 = tpu.memref_slice %arg4[%run_scoped3A_127, %add3A, %dma_start3A_134] : memref<6x32x512xf32, #tpu.memory_space<hbm>> -> memref<1x1x512xf32, #tpu.memory_space<hbm>>
      %dma_start3A_136 = tpu.memref_squeeze %dma_start3A_135 : memref<1x1x512xf32, #tpu.memory_space<hbm>> -> memref<512xf32, #tpu.memory_space<hbm>>
      %dma_start3A_137 = arith.constant 512 : i32
      %dma_start3A_138 = tpu.memref_slice %arg8[%dma_start3A_137] : memref<1024xf32, #tpu.memory_space<vmem>> -> memref<512xf32, #tpu.memory_space<vmem>>
      tpu.enqueue_dma source(%dma_start3A_138 : memref<512xf32, #tpu.memory_space<vmem>>) target(%dma_start3A_136 : memref<512xf32, #tpu.memory_space<hbm>>) target_semaphore(%run_scoped3A_128 : memref<!tpu.dma_semaphore, #tpu.memory_space<semaphore_mem>>)
      %dma_wait3A = arith.constant 512 : i32
      %dma_wait3A_139 = tpu.memref_slice %arg8[%dma_wait3A] : memref<1024xf32, #tpu.memory_space<vmem>> -> memref<512xf32, #tpu.memory_space<vmem>>
      %dma_wait3A_140 = arith.constant 0 : i32
      %dma_wait3A_141 = tpu.memref_slice %arg4[%run_scoped3A_127, %add3A, %dma_wait3A_140] : memref<6x32x512xf32, #tpu.memory_space<hbm>> -> memref<1x1x512xf32, #tpu.memory_space<hbm>>
      %dma_wait3A_142 = tpu.memref_squeeze %dma_wait3A_141 : memref<1x1x512xf32, #tpu.memory_space<hbm>> -> memref<512xf32, #tpu.memory_space<hbm>>
      %dma_wait3A_143 = arith.constant 0 : i32
      %dma_wait3A_144 = tpu.memref_slice %arg4[%run_scoped3A_127, %add3A, %dma_wait3A_143] : memref<6x32x512xf32, #tpu.memory_space<hbm>> -> memref<1x1x512xf32, #tpu.memory_space<hbm>>
      %dma_wait3A_145 = tpu.memref_squeeze %dma_wait3A_144 : memref<1x1x512xf32, #tpu.memory_space<hbm>> -> memref<512xf32, #tpu.memory_space<hbm>>
      %dma_wait3A_146 = arith.constant 512 : i32
      %dma_wait3A_147 = tpu.memref_slice %arg8[%dma_wait3A_146] : memref<1024xf32, #tpu.memory_space<vmem>> -> memref<512xf32, #tpu.memory_space<vmem>>
      tpu.wait_dma2 semaphore(%run_scoped3A_128 : memref<!tpu.dma_semaphore, #tpu.memory_space<semaphore_mem>>) src(%dma_wait3A_147 : memref<512xf32, #tpu.memory_space<vmem>>) dst(%dma_wait3A_145 : memref<512xf32, #tpu.memory_space<hbm>>)
      tpu.yield
    }) : () -> ()
    return
  }
}

module attributes {stable_mosaic.version = 14 : i64} {
  func.func @_tc_body(%arg0: memref<192x512xf32, #tpu.memory_space<vmem>>, %arg1: memref<1x1xf32, #tpu.memory_space<vmem>>) attributes {dimension_semantics = [], scalar_prefetch = 0 : i64, scratch_operands = 0 : i64, tpu.core_type = #tpu.core_type<tc>} {
    %get3A = arith.constant 0 : index
    %get3A_0 = arith.constant 0 : index
    %get3A_1 = vector.load %arg0[%get3A, %get3A_0] : memref<192x512xf32, #tpu.memory_space<vmem>>, vector<192x512xf32>
    %iota3A = tpu.iota {dimensions = array<i32: 1>} : vector<1x512xi32>
    %convert_element_type3A = arith.sitofp %iota3A : vector<1x512xi32> to vector<1x512xf32>
    %mul3A = arith.constant 0.0363281257 : f32
    %mul3A_2 = vector.broadcast %mul3A : f32 to vector<1x512xf32>
    %mul3A_3 = arith.mulf %convert_element_type3A, %mul3A_2 : vector<1x512xf32>
    %add3A = arith.constant -9.300000e+00 : f32
    %add3A_4 = vector.broadcast %add3A : f32 to vector<1x512xf32>
    %add3A_5 = arith.addf %add3A_4, %mul3A_3 : vector<1x512xf32>
    %add3A_6 = arith.constant 0.0363281257 : f32
    %add3A_7 = vector.broadcast %add3A_6 : f32 to vector<1x512xf32>
    %add3A_8 = arith.addf %add3A_5, %add3A_7 : vector<1x512xf32>
    %neg3A = arith.constant 0.000000e+00 : f32
    %neg3A_9 = vector.broadcast %neg3A : f32 to vector<1x512xf32>
    %neg3A_10 = arith.subf %neg3A_9, %add3A_5 : vector<1x512xf32>
    %exp3A = math.exp %neg3A_10 : vector<1x512xf32>
    %add3A_11 = arith.constant 1.000000e+00 : f32
    %add3A_12 = vector.broadcast %add3A_11 : f32 to vector<1x512xf32>
    %add3A_13 = arith.addf %add3A_12, %exp3A : vector<1x512xf32>
    %div3A = arith.constant 1.000000e+00 : f32
    %div3A_14 = vector.broadcast %div3A : f32 to vector<1x512xf32>
    %div3A_15 = arith.divf %div3A_14, %add3A_13 : vector<1x512xf32>
    %jit3A = arith.constant 9.99999974E-5 : f32
    %jit3A_16 = arith.constant 0.999899983 : f32
    %max3A = vector.broadcast %jit3A : f32 to vector<1x512xf32>
    %max3A_17 = arith.maximumf %max3A, %div3A_15 : vector<1x512xf32>
    %min3A = vector.broadcast %jit3A_16 : f32 to vector<1x512xf32>
    %min3A_18 = arith.minimumf %min3A, %max3A_17 : vector<1x512xf32>
    %neg3A_19 = arith.constant 0.000000e+00 : f32
    %neg3A_20 = vector.broadcast %neg3A_19 : f32 to vector<1x512xf32>
    %neg3A_21 = arith.subf %neg3A_20, %add3A_8 : vector<1x512xf32>
    %exp3A_22 = math.exp %neg3A_21 : vector<1x512xf32>
    %add3A_23 = arith.constant 1.000000e+00 : f32
    %add3A_24 = vector.broadcast %add3A_23 : f32 to vector<1x512xf32>
    %add3A_25 = arith.addf %add3A_24, %exp3A_22 : vector<1x512xf32>
    %div3A_26 = arith.constant 1.000000e+00 : f32
    %div3A_27 = vector.broadcast %div3A_26 : f32 to vector<1x512xf32>
    %div3A_28 = arith.divf %div3A_27, %add3A_25 : vector<1x512xf32>
    %jit3A_29 = arith.constant 9.99999974E-5 : f32
    %jit3A_30 = arith.constant 0.999899983 : f32
    %max3A_31 = vector.broadcast %jit3A_29 : f32 to vector<1x512xf32>
    %max3A_32 = arith.maximumf %max3A_31, %div3A_28 : vector<1x512xf32>
    %min3A_33 = vector.broadcast %jit3A_30 : f32 to vector<1x512xf32>
    %min3A_34 = arith.minimumf %min3A_33, %max3A_32 : vector<1x512xf32>
    %slice3A = vector.extract_strided_slice %get3A_1 {offsets = [0, 0], sizes = [32, 512], strides = [1, 1]} : vector<192x512xf32> to vector<32x512xf32>
    %reduce_sum3A = arith.constant dense<0.000000e+00> : vector<512xf32>
    %reduce_sum3A_35 = vector.multi_reduction <add>, %slice3A, %reduce_sum3A [0] : vector<32x512xf32> to vector<512xf32>
    %broadcast_in_dim3A = vector.shape_cast %reduce_sum3A_35 : vector<512xf32> to vector<1x512xf32>
    %slice3A_36 = vector.extract_strided_slice %get3A_1 {offsets = [32, 0], sizes = [32, 512], strides = [1, 1]} : vector<192x512xf32> to vector<32x512xf32>
    %reduce_sum3A_37 = arith.constant dense<0.000000e+00> : vector<512xf32>
    %reduce_sum3A_38 = vector.multi_reduction <add>, %slice3A_36, %reduce_sum3A_37 [0] : vector<32x512xf32> to vector<512xf32>
    %broadcast_in_dim3A_39 = vector.shape_cast %reduce_sum3A_38 : vector<512xf32> to vector<1x512xf32>
    %add3A_40 = arith.addf %broadcast_in_dim3A, %broadcast_in_dim3A_39 : vector<1x512xf32>
    %broadcast_in_dim3A_41 = arith.constant 0.000000e+00 : f32
    %broadcast_in_dim3A_42 = vector.broadcast %broadcast_in_dim3A_41 : f32 to vector<1x1xf32>
    %slice3A_43 = vector.extract_strided_slice %add3A_40 {offsets = [0, 0], sizes = [1, 511], strides = [1, 1]} : vector<1x512xf32> to vector<1x511xf32>
    %concatenate3A = tpu.concatenate %broadcast_in_dim3A_42, %slice3A_43 in 1 : vector<1x1xf32>, vector<1x511xf32> -> vector<1x512xf32>
    %add3A_44 = arith.addf %add3A_40, %concatenate3A : vector<1x512xf32>
    %broadcast_in_dim3A_45 = arith.constant 0.000000e+00 : f32
    %broadcast_in_dim3A_46 = vector.broadcast %broadcast_in_dim3A_45 : f32 to vector<1x2xf32>
    %slice3A_47 = vector.extract_strided_slice %add3A_44 {offsets = [0, 0], sizes = [1, 510], strides = [1, 1]} : vector<1x512xf32> to vector<1x510xf32>
    %concatenate3A_48 = tpu.concatenate %broadcast_in_dim3A_46, %slice3A_47 in 1 : vector<1x2xf32>, vector<1x510xf32> -> vector<1x512xf32>
    %add3A_49 = arith.addf %add3A_44, %concatenate3A_48 : vector<1x512xf32>
    %broadcast_in_dim3A_50 = arith.constant 0.000000e+00 : f32
    %broadcast_in_dim3A_51 = vector.broadcast %broadcast_in_dim3A_50 : f32 to vector<1x4xf32>
    %slice3A_52 = vector.extract_strided_slice %add3A_49 {offsets = [0, 0], sizes = [1, 508], strides = [1, 1]} : vector<1x512xf32> to vector<1x508xf32>
    %concatenate3A_53 = tpu.concatenate %broadcast_in_dim3A_51, %slice3A_52 in 1 : vector<1x4xf32>, vector<1x508xf32> -> vector<1x512xf32>
    %add3A_54 = arith.addf %add3A_49, %concatenate3A_53 : vector<1x512xf32>
    %broadcast_in_dim3A_55 = arith.constant 0.000000e+00 : f32
    %broadcast_in_dim3A_56 = vector.broadcast %broadcast_in_dim3A_55 : f32 to vector<1x8xf32>
    %slice3A_57 = vector.extract_strided_slice %add3A_54 {offsets = [0, 0], sizes = [1, 504], strides = [1, 1]} : vector<1x512xf32> to vector<1x504xf32>
    %concatenate3A_58 = tpu.concatenate %broadcast_in_dim3A_56, %slice3A_57 in 1 : vector<1x8xf32>, vector<1x504xf32> -> vector<1x512xf32>
    %add3A_59 = arith.addf %add3A_54, %concatenate3A_58 : vector<1x512xf32>
    %broadcast_in_dim3A_60 = arith.constant 0.000000e+00 : f32
    %broadcast_in_dim3A_61 = vector.broadcast %broadcast_in_dim3A_60 : f32 to vector<1x16xf32>
    %slice3A_62 = vector.extract_strided_slice %add3A_59 {offsets = [0, 0], sizes = [1, 496], strides = [1, 1]} : vector<1x512xf32> to vector<1x496xf32>
    %concatenate3A_63 = tpu.concatenate %broadcast_in_dim3A_61, %slice3A_62 in 1 : vector<1x16xf32>, vector<1x496xf32> -> vector<1x512xf32>
    %add3A_64 = arith.addf %add3A_59, %concatenate3A_63 : vector<1x512xf32>
    %broadcast_in_dim3A_65 = arith.constant 0.000000e+00 : f32
    %broadcast_in_dim3A_66 = vector.broadcast %broadcast_in_dim3A_65 : f32 to vector<1x32xf32>
    %slice3A_67 = vector.extract_strided_slice %add3A_64 {offsets = [0, 0], sizes = [1, 480], strides = [1, 1]} : vector<1x512xf32> to vector<1x480xf32>
    %concatenate3A_68 = tpu.concatenate %broadcast_in_dim3A_66, %slice3A_67 in 1 : vector<1x32xf32>, vector<1x480xf32> -> vector<1x512xf32>
    %add3A_69 = arith.addf %add3A_64, %concatenate3A_68 : vector<1x512xf32>
    %broadcast_in_dim3A_70 = arith.constant 0.000000e+00 : f32
    %broadcast_in_dim3A_71 = vector.broadcast %broadcast_in_dim3A_70 : f32 to vector<1x64xf32>
    %slice3A_72 = vector.extract_strided_slice %add3A_69 {offsets = [0, 0], sizes = [1, 448], strides = [1, 1]} : vector<1x512xf32> to vector<1x448xf32>
    %concatenate3A_73 = tpu.concatenate %broadcast_in_dim3A_71, %slice3A_72 in 1 : vector<1x64xf32>, vector<1x448xf32> -> vector<1x512xf32>
    %add3A_74 = arith.addf %add3A_69, %concatenate3A_73 : vector<1x512xf32>
    %broadcast_in_dim3A_75 = arith.constant 0.000000e+00 : f32
    %broadcast_in_dim3A_76 = vector.broadcast %broadcast_in_dim3A_75 : f32 to vector<1x128xf32>
    %slice3A_77 = vector.extract_strided_slice %add3A_74 {offsets = [0, 0], sizes = [1, 384], strides = [1, 1]} : vector<1x512xf32> to vector<1x384xf32>
    %concatenate3A_78 = tpu.concatenate %broadcast_in_dim3A_76, %slice3A_77 in 1 : vector<1x128xf32>, vector<1x384xf32> -> vector<1x512xf32>
    %add3A_79 = arith.addf %add3A_74, %concatenate3A_78 : vector<1x512xf32>
    %broadcast_in_dim3A_80 = arith.constant 0.000000e+00 : f32
    %broadcast_in_dim3A_81 = vector.broadcast %broadcast_in_dim3A_80 : f32 to vector<1x256xf32>
    %slice3A_82 = vector.extract_strided_slice %add3A_79 {offsets = [0, 0], sizes = [1, 256], strides = [1, 1]} : vector<1x512xf32> to vector<1x256xf32>
    %concatenate3A_83 = tpu.concatenate %broadcast_in_dim3A_81, %slice3A_82 in 1 : vector<1x256xf32>, vector<1x256xf32> -> vector<1x512xf32>
    %add3A_84 = arith.addf %add3A_79, %concatenate3A_83 : vector<1x512xf32>
    %broadcast_in_dim3A_85 = arith.constant 0.000000e+00 : f32
    %broadcast_in_dim3A_86 = vector.broadcast %broadcast_in_dim3A_85 : f32 to vector<1x1xf32>
    %slice3A_87 = vector.extract_strided_slice %broadcast_in_dim3A_39 {offsets = [0, 0], sizes = [1, 511], strides = [1, 1]} : vector<1x512xf32> to vector<1x511xf32>
    %concatenate3A_88 = tpu.concatenate %broadcast_in_dim3A_86, %slice3A_87 in 1 : vector<1x1xf32>, vector<1x511xf32> -> vector<1x512xf32>
    %add3A_89 = arith.addf %broadcast_in_dim3A_39, %concatenate3A_88 : vector<1x512xf32>
    %broadcast_in_dim3A_90 = arith.constant 0.000000e+00 : f32
    %broadcast_in_dim3A_91 = vector.broadcast %broadcast_in_dim3A_90 : f32 to vector<1x2xf32>
    %slice3A_92 = vector.extract_strided_slice %add3A_89 {offsets = [0, 0], sizes = [1, 510], strides = [1, 1]} : vector<1x512xf32> to vector<1x510xf32>
    %concatenate3A_93 = tpu.concatenate %broadcast_in_dim3A_91, %slice3A_92 in 1 : vector<1x2xf32>, vector<1x510xf32> -> vector<1x512xf32>
    %add3A_94 = arith.addf %add3A_89, %concatenate3A_93 : vector<1x512xf32>
    %broadcast_in_dim3A_95 = arith.constant 0.000000e+00 : f32
    %broadcast_in_dim3A_96 = vector.broadcast %broadcast_in_dim3A_95 : f32 to vector<1x4xf32>
    %slice3A_97 = vector.extract_strided_slice %add3A_94 {offsets = [0, 0], sizes = [1, 508], strides = [1, 1]} : vector<1x512xf32> to vector<1x508xf32>
    %concatenate3A_98 = tpu.concatenate %broadcast_in_dim3A_96, %slice3A_97 in 1 : vector<1x4xf32>, vector<1x508xf32> -> vector<1x512xf32>
    %add3A_99 = arith.addf %add3A_94, %concatenate3A_98 : vector<1x512xf32>
    %broadcast_in_dim3A_100 = arith.constant 0.000000e+00 : f32
    %broadcast_in_dim3A_101 = vector.broadcast %broadcast_in_dim3A_100 : f32 to vector<1x8xf32>
    %slice3A_102 = vector.extract_strided_slice %add3A_99 {offsets = [0, 0], sizes = [1, 504], strides = [1, 1]} : vector<1x512xf32> to vector<1x504xf32>
    %concatenate3A_103 = tpu.concatenate %broadcast_in_dim3A_101, %slice3A_102 in 1 : vector<1x8xf32>, vector<1x504xf32> -> vector<1x512xf32>
    %add3A_104 = arith.addf %add3A_99, %concatenate3A_103 : vector<1x512xf32>
    %broadcast_in_dim3A_105 = arith.constant 0.000000e+00 : f32
    %broadcast_in_dim3A_106 = vector.broadcast %broadcast_in_dim3A_105 : f32 to vector<1x16xf32>
    %slice3A_107 = vector.extract_strided_slice %add3A_104 {offsets = [0, 0], sizes = [1, 496], strides = [1, 1]} : vector<1x512xf32> to vector<1x496xf32>
    %concatenate3A_108 = tpu.concatenate %broadcast_in_dim3A_106, %slice3A_107 in 1 : vector<1x16xf32>, vector<1x496xf32> -> vector<1x512xf32>
    %add3A_109 = arith.addf %add3A_104, %concatenate3A_108 : vector<1x512xf32>
    %broadcast_in_dim3A_110 = arith.constant 0.000000e+00 : f32
    %broadcast_in_dim3A_111 = vector.broadcast %broadcast_in_dim3A_110 : f32 to vector<1x32xf32>
    %slice3A_112 = vector.extract_strided_slice %add3A_109 {offsets = [0, 0], sizes = [1, 480], strides = [1, 1]} : vector<1x512xf32> to vector<1x480xf32>
    %concatenate3A_113 = tpu.concatenate %broadcast_in_dim3A_111, %slice3A_112 in 1 : vector<1x32xf32>, vector<1x480xf32> -> vector<1x512xf32>
    %add3A_114 = arith.addf %add3A_109, %concatenate3A_113 : vector<1x512xf32>
    %broadcast_in_dim3A_115 = arith.constant 0.000000e+00 : f32
    %broadcast_in_dim3A_116 = vector.broadcast %broadcast_in_dim3A_115 : f32 to vector<1x64xf32>
    %slice3A_117 = vector.extract_strided_slice %add3A_114 {offsets = [0, 0], sizes = [1, 448], strides = [1, 1]} : vector<1x512xf32> to vector<1x448xf32>
    %concatenate3A_118 = tpu.concatenate %broadcast_in_dim3A_116, %slice3A_117 in 1 : vector<1x64xf32>, vector<1x448xf32> -> vector<1x512xf32>
    %add3A_119 = arith.addf %add3A_114, %concatenate3A_118 : vector<1x512xf32>
    %broadcast_in_dim3A_120 = arith.constant 0.000000e+00 : f32
    %broadcast_in_dim3A_121 = vector.broadcast %broadcast_in_dim3A_120 : f32 to vector<1x128xf32>
    %slice3A_122 = vector.extract_strided_slice %add3A_119 {offsets = [0, 0], sizes = [1, 384], strides = [1, 1]} : vector<1x512xf32> to vector<1x384xf32>
    %concatenate3A_123 = tpu.concatenate %broadcast_in_dim3A_121, %slice3A_122 in 1 : vector<1x128xf32>, vector<1x384xf32> -> vector<1x512xf32>
    %add3A_124 = arith.addf %add3A_119, %concatenate3A_123 : vector<1x512xf32>
    %broadcast_in_dim3A_125 = arith.constant 0.000000e+00 : f32
    %broadcast_in_dim3A_126 = vector.broadcast %broadcast_in_dim3A_125 : f32 to vector<1x256xf32>
    %slice3A_127 = vector.extract_strided_slice %add3A_124 {offsets = [0, 0], sizes = [1, 256], strides = [1, 1]} : vector<1x512xf32> to vector<1x256xf32>
    %concatenate3A_128 = tpu.concatenate %broadcast_in_dim3A_126, %slice3A_127 in 1 : vector<1x256xf32>, vector<1x256xf32> -> vector<1x512xf32>
    %add3A_129 = arith.addf %add3A_124, %concatenate3A_128 : vector<1x512xf32>
    %slice3A_130 = vector.extract_strided_slice %add3A_84 {offsets = [0, 511], sizes = [1, 1], strides = [1, 1]} : vector<1x512xf32> to vector<1x1xf32>
    %squeeze3A = vector.extract %slice3A_130[0, 0] : f32 from vector<1x1xf32>
    %slice3A_131 = vector.extract_strided_slice %add3A_129 {offsets = [0, 511], sizes = [1, 1], strides = [1, 1]} : vector<1x512xf32> to vector<1x1xf32>
    %squeeze3A_132 = vector.extract %slice3A_131[0, 0] : f32 from vector<1x1xf32>
    %sub3A = vector.broadcast %squeeze3A : f32 to vector<1x512xf32>
    %sub3A_133 = arith.subf %sub3A, %add3A_84 : vector<1x512xf32>
    %add3A_134 = arith.addf %sub3A_133, %add3A_40 : vector<1x512xf32>
    %sub3A_135 = vector.broadcast %squeeze3A : f32 to vector<1x512xf32>
    %sub3A_136 = arith.subf %sub3A_135, %add3A_84 : vector<1x512xf32>
    %sub3A_137 = vector.broadcast %squeeze3A_132 : f32 to vector<1x512xf32>
    %sub3A_138 = arith.subf %sub3A_137, %add3A_129 : vector<1x512xf32>
    %add3A_139 = arith.addf %sub3A_138, %broadcast_in_dim3A_39 : vector<1x512xf32>
    %sub3A_140 = vector.broadcast %squeeze3A_132 : f32 to vector<1x512xf32>
    %sub3A_141 = arith.subf %sub3A_140, %add3A_129 : vector<1x512xf32>
    %sub3A_142 = vector.broadcast %squeeze3A_132 : f32 to vector<1x512xf32>
    %sub3A_143 = arith.subf %sub3A_142, %add3A_139 : vector<1x512xf32>
    %add3A_144 = vector.broadcast %squeeze3A_132 : f32 to vector<1x512xf32>
    %add3A_145 = arith.addf %add3A_144, %add3A_134 : vector<1x512xf32>
    %sub3A_146 = arith.subf %add3A_145, %add3A_139 : vector<1x512xf32>
    %max3A_147 = arith.constant 1.000000e+00 : f32
    %max3A_148 = vector.broadcast %max3A_147 : f32 to vector<1x512xf32>
    %max3A_149 = arith.maximumf %sub3A_146, %max3A_148 : vector<1x512xf32>
    %div3A_150 = arith.divf %sub3A_143, %max3A_149 : vector<1x512xf32>
    %sub3A_151 = arith.constant 1.000000e+00 : f32
    %sub3A_152 = vector.broadcast %sub3A_151 : f32 to vector<1x512xf32>
    %sub3A_153 = arith.subf %sub3A_152, %div3A_150 : vector<1x512xf32>
    %sub3A_154 = vector.broadcast %squeeze3A_132 : f32 to vector<1x512xf32>
    %sub3A_155 = arith.subf %sub3A_154, %sub3A_141 : vector<1x512xf32>
    %add3A_156 = vector.broadcast %squeeze3A_132 : f32 to vector<1x512xf32>
    %add3A_157 = arith.addf %add3A_156, %sub3A_136 : vector<1x512xf32>
    %sub3A_158 = arith.subf %add3A_157, %sub3A_141 : vector<1x512xf32>
    %max3A_159 = arith.constant 1.000000e+00 : f32
    %max3A_160 = vector.broadcast %max3A_159 : f32 to vector<1x512xf32>
    %max3A_161 = arith.maximumf %sub3A_158, %max3A_160 : vector<1x512xf32>
    %div3A_162 = arith.divf %sub3A_155, %max3A_161 : vector<1x512xf32>
    %sub3A_163 = arith.constant 1.000000e+00 : f32
    %sub3A_164 = vector.broadcast %sub3A_163 : f32 to vector<1x512xf32>
    %sub3A_165 = arith.subf %sub3A_164, %div3A_162 : vector<1x512xf32>
    %sub3A_166 = arith.subf %min3A_34, %min3A_18 : vector<1x512xf32>
    %add3A_167 = arith.addf %sub3A_153, %sub3A_165 : vector<1x512xf32>
    %mul3A_168 = arith.mulf %sub3A_166, %add3A_167 : vector<1x512xf32>
    %mul3A_169 = arith.constant 5.000000e-01 : f32
    %mul3A_170 = vector.broadcast %mul3A_169 : f32 to vector<1x512xf32>
    %mul3A_171 = arith.mulf %mul3A_168, %mul3A_170 : vector<1x512xf32>
    %reduce_sum3A_172 = vector.shape_cast %mul3A_171 : vector<1x512xf32> to vector<1x1x512xf32>
    %reduce_sum3A_173 = arith.constant dense<0.000000e+00> : vector<1xf32>
    %reduce_sum3A_174 = vector.multi_reduction <add>, %reduce_sum3A_172, %reduce_sum3A_173 [1, 2] : vector<1x1x512xf32> to vector<1xf32>
    %reduce_sum3A_175 = vector.shape_cast %reduce_sum3A_174 : vector<1xf32> to vector<1x1x1xf32>
    %reduce_sum3A_176 = vector.extract %reduce_sum3A_175[0, 0, 0] : f32 from vector<1x1x1xf32>
    %gt3A = arith.constant 0.000000e+00 : f32
    %gt3A_177 = arith.cmpf ogt, %squeeze3A_132, %gt3A : f32
    %convert_element_type3A_178 = arith.extui %gt3A_177 : i1 to i32
    %convert_element_type3A_179 = arith.sitofp %convert_element_type3A_178 : i32 to f32
    %mul3A_180 = arith.mulf %convert_element_type3A_179, %reduce_sum3A_176 : f32
    %add3A_181 = arith.constant 0.000000e+00 : f32
    %add3A_182 = arith.addf %add3A_181, %mul3A_180 : f32
    %add3A_183 = arith.constant 0.000000e+00 : f32
    %add3A_184 = arith.addf %add3A_183, %convert_element_type3A_179 : f32
    %slice3A_185 = vector.extract_strided_slice %get3A_1 {offsets = [64, 0], sizes = [32, 512], strides = [1, 1]} : vector<192x512xf32> to vector<32x512xf32>
    %reduce_sum3A_186 = arith.constant dense<0.000000e+00> : vector<512xf32>
    %reduce_sum3A_187 = vector.multi_reduction <add>, %slice3A_185, %reduce_sum3A_186 [0] : vector<32x512xf32> to vector<512xf32>
    %broadcast_in_dim3A_188 = vector.shape_cast %reduce_sum3A_187 : vector<512xf32> to vector<1x512xf32>
    %slice3A_189 = vector.extract_strided_slice %get3A_1 {offsets = [96, 0], sizes = [32, 512], strides = [1, 1]} : vector<192x512xf32> to vector<32x512xf32>
    %reduce_sum3A_190 = arith.constant dense<0.000000e+00> : vector<512xf32>
    %reduce_sum3A_191 = vector.multi_reduction <add>, %slice3A_189, %reduce_sum3A_190 [0] : vector<32x512xf32> to vector<512xf32>
    %broadcast_in_dim3A_192 = vector.shape_cast %reduce_sum3A_191 : vector<512xf32> to vector<1x512xf32>
    %add3A_193 = arith.addf %broadcast_in_dim3A_188, %broadcast_in_dim3A_192 : vector<1x512xf32>
    %broadcast_in_dim3A_194 = arith.constant 0.000000e+00 : f32
    %broadcast_in_dim3A_195 = vector.broadcast %broadcast_in_dim3A_194 : f32 to vector<1x1xf32>
    %slice3A_196 = vector.extract_strided_slice %add3A_193 {offsets = [0, 0], sizes = [1, 511], strides = [1, 1]} : vector<1x512xf32> to vector<1x511xf32>
    %concatenate3A_197 = tpu.concatenate %broadcast_in_dim3A_195, %slice3A_196 in 1 : vector<1x1xf32>, vector<1x511xf32> -> vector<1x512xf32>
    %add3A_198 = arith.addf %add3A_193, %concatenate3A_197 : vector<1x512xf32>
    %broadcast_in_dim3A_199 = arith.constant 0.000000e+00 : f32
    %broadcast_in_dim3A_200 = vector.broadcast %broadcast_in_dim3A_199 : f32 to vector<1x2xf32>
    %slice3A_201 = vector.extract_strided_slice %add3A_198 {offsets = [0, 0], sizes = [1, 510], strides = [1, 1]} : vector<1x512xf32> to vector<1x510xf32>
    %concatenate3A_202 = tpu.concatenate %broadcast_in_dim3A_200, %slice3A_201 in 1 : vector<1x2xf32>, vector<1x510xf32> -> vector<1x512xf32>
    %add3A_203 = arith.addf %add3A_198, %concatenate3A_202 : vector<1x512xf32>
    %broadcast_in_dim3A_204 = arith.constant 0.000000e+00 : f32
    %broadcast_in_dim3A_205 = vector.broadcast %broadcast_in_dim3A_204 : f32 to vector<1x4xf32>
    %slice3A_206 = vector.extract_strided_slice %add3A_203 {offsets = [0, 0], sizes = [1, 508], strides = [1, 1]} : vector<1x512xf32> to vector<1x508xf32>
    %concatenate3A_207 = tpu.concatenate %broadcast_in_dim3A_205, %slice3A_206 in 1 : vector<1x4xf32>, vector<1x508xf32> -> vector<1x512xf32>
    %add3A_208 = arith.addf %add3A_203, %concatenate3A_207 : vector<1x512xf32>
    %broadcast_in_dim3A_209 = arith.constant 0.000000e+00 : f32
    %broadcast_in_dim3A_210 = vector.broadcast %broadcast_in_dim3A_209 : f32 to vector<1x8xf32>
    %slice3A_211 = vector.extract_strided_slice %add3A_208 {offsets = [0, 0], sizes = [1, 504], strides = [1, 1]} : vector<1x512xf32> to vector<1x504xf32>
    %concatenate3A_212 = tpu.concatenate %broadcast_in_dim3A_210, %slice3A_211 in 1 : vector<1x8xf32>, vector<1x504xf32> -> vector<1x512xf32>
    %add3A_213 = arith.addf %add3A_208, %concatenate3A_212 : vector<1x512xf32>
    %broadcast_in_dim3A_214 = arith.constant 0.000000e+00 : f32
    %broadcast_in_dim3A_215 = vector.broadcast %broadcast_in_dim3A_214 : f32 to vector<1x16xf32>
    %slice3A_216 = vector.extract_strided_slice %add3A_213 {offsets = [0, 0], sizes = [1, 496], strides = [1, 1]} : vector<1x512xf32> to vector<1x496xf32>
    %concatenate3A_217 = tpu.concatenate %broadcast_in_dim3A_215, %slice3A_216 in 1 : vector<1x16xf32>, vector<1x496xf32> -> vector<1x512xf32>
    %add3A_218 = arith.addf %add3A_213, %concatenate3A_217 : vector<1x512xf32>
    %broadcast_in_dim3A_219 = arith.constant 0.000000e+00 : f32
    %broadcast_in_dim3A_220 = vector.broadcast %broadcast_in_dim3A_219 : f32 to vector<1x32xf32>
    %slice3A_221 = vector.extract_strided_slice %add3A_218 {offsets = [0, 0], sizes = [1, 480], strides = [1, 1]} : vector<1x512xf32> to vector<1x480xf32>
    %concatenate3A_222 = tpu.concatenate %broadcast_in_dim3A_220, %slice3A_221 in 1 : vector<1x32xf32>, vector<1x480xf32> -> vector<1x512xf32>
    %add3A_223 = arith.addf %add3A_218, %concatenate3A_222 : vector<1x512xf32>
    %broadcast_in_dim3A_224 = arith.constant 0.000000e+00 : f32
    %broadcast_in_dim3A_225 = vector.broadcast %broadcast_in_dim3A_224 : f32 to vector<1x64xf32>
    %slice3A_226 = vector.extract_strided_slice %add3A_223 {offsets = [0, 0], sizes = [1, 448], strides = [1, 1]} : vector<1x512xf32> to vector<1x448xf32>
    %concatenate3A_227 = tpu.concatenate %broadcast_in_dim3A_225, %slice3A_226 in 1 : vector<1x64xf32>, vector<1x448xf32> -> vector<1x512xf32>
    %add3A_228 = arith.addf %add3A_223, %concatenate3A_227 : vector<1x512xf32>
    %broadcast_in_dim3A_229 = arith.constant 0.000000e+00 : f32
    %broadcast_in_dim3A_230 = vector.broadcast %broadcast_in_dim3A_229 : f32 to vector<1x128xf32>
    %slice3A_231 = vector.extract_strided_slice %add3A_228 {offsets = [0, 0], sizes = [1, 384], strides = [1, 1]} : vector<1x512xf32> to vector<1x384xf32>
    %concatenate3A_232 = tpu.concatenate %broadcast_in_dim3A_230, %slice3A_231 in 1 : vector<1x128xf32>, vector<1x384xf32> -> vector<1x512xf32>
    %add3A_233 = arith.addf %add3A_228, %concatenate3A_232 : vector<1x512xf32>
    %broadcast_in_dim3A_234 = arith.constant 0.000000e+00 : f32
    %broadcast_in_dim3A_235 = vector.broadcast %broadcast_in_dim3A_234 : f32 to vector<1x256xf32>
    %slice3A_236 = vector.extract_strided_slice %add3A_233 {offsets = [0, 0], sizes = [1, 256], strides = [1, 1]} : vector<1x512xf32> to vector<1x256xf32>
    %concatenate3A_237 = tpu.concatenate %broadcast_in_dim3A_235, %slice3A_236 in 1 : vector<1x256xf32>, vector<1x256xf32> -> vector<1x512xf32>
    %add3A_238 = arith.addf %add3A_233, %concatenate3A_237 : vector<1x512xf32>
    %broadcast_in_dim3A_239 = arith.constant 0.000000e+00 : f32
    %broadcast_in_dim3A_240 = vector.broadcast %broadcast_in_dim3A_239 : f32 to vector<1x1xf32>
    %slice3A_241 = vector.extract_strided_slice %broadcast_in_dim3A_192 {offsets = [0, 0], sizes = [1, 511], strides = [1, 1]} : vector<1x512xf32> to vector<1x511xf32>
    %concatenate3A_242 = tpu.concatenate %broadcast_in_dim3A_240, %slice3A_241 in 1 : vector<1x1xf32>, vector<1x511xf32> -> vector<1x512xf32>
    %add3A_243 = arith.addf %broadcast_in_dim3A_192, %concatenate3A_242 : vector<1x512xf32>
    %broadcast_in_dim3A_244 = arith.constant 0.000000e+00 : f32
    %broadcast_in_dim3A_245 = vector.broadcast %broadcast_in_dim3A_244 : f32 to vector<1x2xf32>
    %slice3A_246 = vector.extract_strided_slice %add3A_243 {offsets = [0, 0], sizes = [1, 510], strides = [1, 1]} : vector<1x512xf32> to vector<1x510xf32>
    %concatenate3A_247 = tpu.concatenate %broadcast_in_dim3A_245, %slice3A_246 in 1 : vector<1x2xf32>, vector<1x510xf32> -> vector<1x512xf32>
    %add3A_248 = arith.addf %add3A_243, %concatenate3A_247 : vector<1x512xf32>
    %broadcast_in_dim3A_249 = arith.constant 0.000000e+00 : f32
    %broadcast_in_dim3A_250 = vector.broadcast %broadcast_in_dim3A_249 : f32 to vector<1x4xf32>
    %slice3A_251 = vector.extract_strided_slice %add3A_248 {offsets = [0, 0], sizes = [1, 508], strides = [1, 1]} : vector<1x512xf32> to vector<1x508xf32>
    %concatenate3A_252 = tpu.concatenate %broadcast_in_dim3A_250, %slice3A_251 in 1 : vector<1x4xf32>, vector<1x508xf32> -> vector<1x512xf32>
    %add3A_253 = arith.addf %add3A_248, %concatenate3A_252 : vector<1x512xf32>
    %broadcast_in_dim3A_254 = arith.constant 0.000000e+00 : f32
    %broadcast_in_dim3A_255 = vector.broadcast %broadcast_in_dim3A_254 : f32 to vector<1x8xf32>
    %slice3A_256 = vector.extract_strided_slice %add3A_253 {offsets = [0, 0], sizes = [1, 504], strides = [1, 1]} : vector<1x512xf32> to vector<1x504xf32>
    %concatenate3A_257 = tpu.concatenate %broadcast_in_dim3A_255, %slice3A_256 in 1 : vector<1x8xf32>, vector<1x504xf32> -> vector<1x512xf32>
    %add3A_258 = arith.addf %add3A_253, %concatenate3A_257 : vector<1x512xf32>
    %broadcast_in_dim3A_259 = arith.constant 0.000000e+00 : f32
    %broadcast_in_dim3A_260 = vector.broadcast %broadcast_in_dim3A_259 : f32 to vector<1x16xf32>
    %slice3A_261 = vector.extract_strided_slice %add3A_258 {offsets = [0, 0], sizes = [1, 496], strides = [1, 1]} : vector<1x512xf32> to vector<1x496xf32>
    %concatenate3A_262 = tpu.concatenate %broadcast_in_dim3A_260, %slice3A_261 in 1 : vector<1x16xf32>, vector<1x496xf32> -> vector<1x512xf32>
    %add3A_263 = arith.addf %add3A_258, %concatenate3A_262 : vector<1x512xf32>
    %broadcast_in_dim3A_264 = arith.constant 0.000000e+00 : f32
    %broadcast_in_dim3A_265 = vector.broadcast %broadcast_in_dim3A_264 : f32 to vector<1x32xf32>
    %slice3A_266 = vector.extract_strided_slice %add3A_263 {offsets = [0, 0], sizes = [1, 480], strides = [1, 1]} : vector<1x512xf32> to vector<1x480xf32>
    %concatenate3A_267 = tpu.concatenate %broadcast_in_dim3A_265, %slice3A_266 in 1 : vector<1x32xf32>, vector<1x480xf32> -> vector<1x512xf32>
    %add3A_268 = arith.addf %add3A_263, %concatenate3A_267 : vector<1x512xf32>
    %broadcast_in_dim3A_269 = arith.constant 0.000000e+00 : f32
    %broadcast_in_dim3A_270 = vector.broadcast %broadcast_in_dim3A_269 : f32 to vector<1x64xf32>
    %slice3A_271 = vector.extract_strided_slice %add3A_268 {offsets = [0, 0], sizes = [1, 448], strides = [1, 1]} : vector<1x512xf32> to vector<1x448xf32>
    %concatenate3A_272 = tpu.concatenate %broadcast_in_dim3A_270, %slice3A_271 in 1 : vector<1x64xf32>, vector<1x448xf32> -> vector<1x512xf32>
    %add3A_273 = arith.addf %add3A_268, %concatenate3A_272 : vector<1x512xf32>
    %broadcast_in_dim3A_274 = arith.constant 0.000000e+00 : f32
    %broadcast_in_dim3A_275 = vector.broadcast %broadcast_in_dim3A_274 : f32 to vector<1x128xf32>
    %slice3A_276 = vector.extract_strided_slice %add3A_273 {offsets = [0, 0], sizes = [1, 384], strides = [1, 1]} : vector<1x512xf32> to vector<1x384xf32>
    %concatenate3A_277 = tpu.concatenate %broadcast_in_dim3A_275, %slice3A_276 in 1 : vector<1x128xf32>, vector<1x384xf32> -> vector<1x512xf32>
    %add3A_278 = arith.addf %add3A_273, %concatenate3A_277 : vector<1x512xf32>
    %broadcast_in_dim3A_279 = arith.constant 0.000000e+00 : f32
    %broadcast_in_dim3A_280 = vector.broadcast %broadcast_in_dim3A_279 : f32 to vector<1x256xf32>
    %slice3A_281 = vector.extract_strided_slice %add3A_278 {offsets = [0, 0], sizes = [1, 256], strides = [1, 1]} : vector<1x512xf32> to vector<1x256xf32>
    %concatenate3A_282 = tpu.concatenate %broadcast_in_dim3A_280, %slice3A_281 in 1 : vector<1x256xf32>, vector<1x256xf32> -> vector<1x512xf32>
    %add3A_283 = arith.addf %add3A_278, %concatenate3A_282 : vector<1x512xf32>
    %slice3A_284 = vector.extract_strided_slice %add3A_238 {offsets = [0, 511], sizes = [1, 1], strides = [1, 1]} : vector<1x512xf32> to vector<1x1xf32>
    %squeeze3A_285 = vector.extract %slice3A_284[0, 0] : f32 from vector<1x1xf32>
    %slice3A_286 = vector.extract_strided_slice %add3A_283 {offsets = [0, 511], sizes = [1, 1], strides = [1, 1]} : vector<1x512xf32> to vector<1x1xf32>
    %squeeze3A_287 = vector.extract %slice3A_286[0, 0] : f32 from vector<1x1xf32>
    %sub3A_288 = vector.broadcast %squeeze3A_285 : f32 to vector<1x512xf32>
    %sub3A_289 = arith.subf %sub3A_288, %add3A_238 : vector<1x512xf32>
    %add3A_290 = arith.addf %sub3A_289, %add3A_193 : vector<1x512xf32>
    %sub3A_291 = vector.broadcast %squeeze3A_285 : f32 to vector<1x512xf32>
    %sub3A_292 = arith.subf %sub3A_291, %add3A_238 : vector<1x512xf32>
    %sub3A_293 = vector.broadcast %squeeze3A_287 : f32 to vector<1x512xf32>
    %sub3A_294 = arith.subf %sub3A_293, %add3A_283 : vector<1x512xf32>
    %add3A_295 = arith.addf %sub3A_294, %broadcast_in_dim3A_192 : vector<1x512xf32>
    %sub3A_296 = vector.broadcast %squeeze3A_287 : f32 to vector<1x512xf32>
    %sub3A_297 = arith.subf %sub3A_296, %add3A_283 : vector<1x512xf32>
    %sub3A_298 = vector.broadcast %squeeze3A_287 : f32 to vector<1x512xf32>
    %sub3A_299 = arith.subf %sub3A_298, %add3A_295 : vector<1x512xf32>
    %add3A_300 = vector.broadcast %squeeze3A_287 : f32 to vector<1x512xf32>
    %add3A_301 = arith.addf %add3A_300, %add3A_290 : vector<1x512xf32>
    %sub3A_302 = arith.subf %add3A_301, %add3A_295 : vector<1x512xf32>
    %max3A_303 = arith.constant 1.000000e+00 : f32
    %max3A_304 = vector.broadcast %max3A_303 : f32 to vector<1x512xf32>
    %max3A_305 = arith.maximumf %sub3A_302, %max3A_304 : vector<1x512xf32>
    %div3A_306 = arith.divf %sub3A_299, %max3A_305 : vector<1x512xf32>
    %sub3A_307 = arith.constant 1.000000e+00 : f32
    %sub3A_308 = vector.broadcast %sub3A_307 : f32 to vector<1x512xf32>
    %sub3A_309 = arith.subf %sub3A_308, %div3A_306 : vector<1x512xf32>
    %sub3A_310 = vector.broadcast %squeeze3A_287 : f32 to vector<1x512xf32>
    %sub3A_311 = arith.subf %sub3A_310, %sub3A_297 : vector<1x512xf32>
    %add3A_312 = vector.broadcast %squeeze3A_287 : f32 to vector<1x512xf32>
    %add3A_313 = arith.addf %add3A_312, %sub3A_292 : vector<1x512xf32>
    %sub3A_314 = arith.subf %add3A_313, %sub3A_297 : vector<1x512xf32>
    %max3A_315 = arith.constant 1.000000e+00 : f32
    %max3A_316 = vector.broadcast %max3A_315 : f32 to vector<1x512xf32>
    %max3A_317 = arith.maximumf %sub3A_314, %max3A_316 : vector<1x512xf32>
    %div3A_318 = arith.divf %sub3A_311, %max3A_317 : vector<1x512xf32>
    %sub3A_319 = arith.constant 1.000000e+00 : f32
    %sub3A_320 = vector.broadcast %sub3A_319 : f32 to vector<1x512xf32>
    %sub3A_321 = arith.subf %sub3A_320, %div3A_318 : vector<1x512xf32>
    %sub3A_322 = arith.subf %min3A_34, %min3A_18 : vector<1x512xf32>
    %add3A_323 = arith.addf %sub3A_309, %sub3A_321 : vector<1x512xf32>
    %mul3A_324 = arith.mulf %sub3A_322, %add3A_323 : vector<1x512xf32>
    %mul3A_325 = arith.constant 5.000000e-01 : f32
    %mul3A_326 = vector.broadcast %mul3A_325 : f32 to vector<1x512xf32>
    %mul3A_327 = arith.mulf %mul3A_324, %mul3A_326 : vector<1x512xf32>
    %reduce_sum3A_328 = vector.shape_cast %mul3A_327 : vector<1x512xf32> to vector<1x1x512xf32>
    %reduce_sum3A_329 = arith.constant dense<0.000000e+00> : vector<1xf32>
    %reduce_sum3A_330 = vector.multi_reduction <add>, %reduce_sum3A_328, %reduce_sum3A_329 [1, 2] : vector<1x1x512xf32> to vector<1xf32>
    %reduce_sum3A_331 = vector.shape_cast %reduce_sum3A_330 : vector<1xf32> to vector<1x1x1xf32>
    %reduce_sum3A_332 = vector.extract %reduce_sum3A_331[0, 0, 0] : f32 from vector<1x1x1xf32>
    %gt3A_333 = arith.constant 0.000000e+00 : f32
    %gt3A_334 = arith.cmpf ogt, %squeeze3A_287, %gt3A_333 : f32
    %convert_element_type3A_335 = arith.extui %gt3A_334 : i1 to i32
    %convert_element_type3A_336 = arith.sitofp %convert_element_type3A_335 : i32 to f32
    %mul3A_337 = arith.mulf %convert_element_type3A_336, %reduce_sum3A_332 : f32
    %add3A_338 = arith.addf %add3A_182, %mul3A_337 : f32
    %add3A_339 = arith.addf %add3A_184, %convert_element_type3A_336 : f32
    %slice3A_340 = vector.extract_strided_slice %get3A_1 {offsets = [128, 0], sizes = [32, 512], strides = [1, 1]} : vector<192x512xf32> to vector<32x512xf32>
    %reduce_sum3A_341 = arith.constant dense<0.000000e+00> : vector<512xf32>
    %reduce_sum3A_342 = vector.multi_reduction <add>, %slice3A_340, %reduce_sum3A_341 [0] : vector<32x512xf32> to vector<512xf32>
    %broadcast_in_dim3A_343 = vector.shape_cast %reduce_sum3A_342 : vector<512xf32> to vector<1x512xf32>
    %slice3A_344 = vector.extract_strided_slice %get3A_1 {offsets = [160, 0], sizes = [32, 512], strides = [1, 1]} : vector<192x512xf32> to vector<32x512xf32>
    %reduce_sum3A_345 = arith.constant dense<0.000000e+00> : vector<512xf32>
    %reduce_sum3A_346 = vector.multi_reduction <add>, %slice3A_344, %reduce_sum3A_345 [0] : vector<32x512xf32> to vector<512xf32>
    %broadcast_in_dim3A_347 = vector.shape_cast %reduce_sum3A_346 : vector<512xf32> to vector<1x512xf32>
    %add3A_348 = arith.addf %broadcast_in_dim3A_343, %broadcast_in_dim3A_347 : vector<1x512xf32>
    %broadcast_in_dim3A_349 = arith.constant 0.000000e+00 : f32
    %broadcast_in_dim3A_350 = vector.broadcast %broadcast_in_dim3A_349 : f32 to vector<1x1xf32>
    %slice3A_351 = vector.extract_strided_slice %add3A_348 {offsets = [0, 0], sizes = [1, 511], strides = [1, 1]} : vector<1x512xf32> to vector<1x511xf32>
    %concatenate3A_352 = tpu.concatenate %broadcast_in_dim3A_350, %slice3A_351 in 1 : vector<1x1xf32>, vector<1x511xf32> -> vector<1x512xf32>
    %add3A_353 = arith.addf %add3A_348, %concatenate3A_352 : vector<1x512xf32>
    %broadcast_in_dim3A_354 = arith.constant 0.000000e+00 : f32
    %broadcast_in_dim3A_355 = vector.broadcast %broadcast_in_dim3A_354 : f32 to vector<1x2xf32>
    %slice3A_356 = vector.extract_strided_slice %add3A_353 {offsets = [0, 0], sizes = [1, 510], strides = [1, 1]} : vector<1x512xf32> to vector<1x510xf32>
    %concatenate3A_357 = tpu.concatenate %broadcast_in_dim3A_355, %slice3A_356 in 1 : vector<1x2xf32>, vector<1x510xf32> -> vector<1x512xf32>
    %add3A_358 = arith.addf %add3A_353, %concatenate3A_357 : vector<1x512xf32>
    %broadcast_in_dim3A_359 = arith.constant 0.000000e+00 : f32
    %broadcast_in_dim3A_360 = vector.broadcast %broadcast_in_dim3A_359 : f32 to vector<1x4xf32>
    %slice3A_361 = vector.extract_strided_slice %add3A_358 {offsets = [0, 0], sizes = [1, 508], strides = [1, 1]} : vector<1x512xf32> to vector<1x508xf32>
    %concatenate3A_362 = tpu.concatenate %broadcast_in_dim3A_360, %slice3A_361 in 1 : vector<1x4xf32>, vector<1x508xf32> -> vector<1x512xf32>
    %add3A_363 = arith.addf %add3A_358, %concatenate3A_362 : vector<1x512xf32>
    %broadcast_in_dim3A_364 = arith.constant 0.000000e+00 : f32
    %broadcast_in_dim3A_365 = vector.broadcast %broadcast_in_dim3A_364 : f32 to vector<1x8xf32>
    %slice3A_366 = vector.extract_strided_slice %add3A_363 {offsets = [0, 0], sizes = [1, 504], strides = [1, 1]} : vector<1x512xf32> to vector<1x504xf32>
    %concatenate3A_367 = tpu.concatenate %broadcast_in_dim3A_365, %slice3A_366 in 1 : vector<1x8xf32>, vector<1x504xf32> -> vector<1x512xf32>
    %add3A_368 = arith.addf %add3A_363, %concatenate3A_367 : vector<1x512xf32>
    %broadcast_in_dim3A_369 = arith.constant 0.000000e+00 : f32
    %broadcast_in_dim3A_370 = vector.broadcast %broadcast_in_dim3A_369 : f32 to vector<1x16xf32>
    %slice3A_371 = vector.extract_strided_slice %add3A_368 {offsets = [0, 0], sizes = [1, 496], strides = [1, 1]} : vector<1x512xf32> to vector<1x496xf32>
    %concatenate3A_372 = tpu.concatenate %broadcast_in_dim3A_370, %slice3A_371 in 1 : vector<1x16xf32>, vector<1x496xf32> -> vector<1x512xf32>
    %add3A_373 = arith.addf %add3A_368, %concatenate3A_372 : vector<1x512xf32>
    %broadcast_in_dim3A_374 = arith.constant 0.000000e+00 : f32
    %broadcast_in_dim3A_375 = vector.broadcast %broadcast_in_dim3A_374 : f32 to vector<1x32xf32>
    %slice3A_376 = vector.extract_strided_slice %add3A_373 {offsets = [0, 0], sizes = [1, 480], strides = [1, 1]} : vector<1x512xf32> to vector<1x480xf32>
    %concatenate3A_377 = tpu.concatenate %broadcast_in_dim3A_375, %slice3A_376 in 1 : vector<1x32xf32>, vector<1x480xf32> -> vector<1x512xf32>
    %add3A_378 = arith.addf %add3A_373, %concatenate3A_377 : vector<1x512xf32>
    %broadcast_in_dim3A_379 = arith.constant 0.000000e+00 : f32
    %broadcast_in_dim3A_380 = vector.broadcast %broadcast_in_dim3A_379 : f32 to vector<1x64xf32>
    %slice3A_381 = vector.extract_strided_slice %add3A_378 {offsets = [0, 0], sizes = [1, 448], strides = [1, 1]} : vector<1x512xf32> to vector<1x448xf32>
    %concatenate3A_382 = tpu.concatenate %broadcast_in_dim3A_380, %slice3A_381 in 1 : vector<1x64xf32>, vector<1x448xf32> -> vector<1x512xf32>
    %add3A_383 = arith.addf %add3A_378, %concatenate3A_382 : vector<1x512xf32>
    %broadcast_in_dim3A_384 = arith.constant 0.000000e+00 : f32
    %broadcast_in_dim3A_385 = vector.broadcast %broadcast_in_dim3A_384 : f32 to vector<1x128xf32>
    %slice3A_386 = vector.extract_strided_slice %add3A_383 {offsets = [0, 0], sizes = [1, 384], strides = [1, 1]} : vector<1x512xf32> to vector<1x384xf32>
    %concatenate3A_387 = tpu.concatenate %broadcast_in_dim3A_385, %slice3A_386 in 1 : vector<1x128xf32>, vector<1x384xf32> -> vector<1x512xf32>
    %add3A_388 = arith.addf %add3A_383, %concatenate3A_387 : vector<1x512xf32>
    %broadcast_in_dim3A_389 = arith.constant 0.000000e+00 : f32
    %broadcast_in_dim3A_390 = vector.broadcast %broadcast_in_dim3A_389 : f32 to vector<1x256xf32>
    %slice3A_391 = vector.extract_strided_slice %add3A_388 {offsets = [0, 0], sizes = [1, 256], strides = [1, 1]} : vector<1x512xf32> to vector<1x256xf32>
    %concatenate3A_392 = tpu.concatenate %broadcast_in_dim3A_390, %slice3A_391 in 1 : vector<1x256xf32>, vector<1x256xf32> -> vector<1x512xf32>
    %add3A_393 = arith.addf %add3A_388, %concatenate3A_392 : vector<1x512xf32>
    %broadcast_in_dim3A_394 = arith.constant 0.000000e+00 : f32
    %broadcast_in_dim3A_395 = vector.broadcast %broadcast_in_dim3A_394 : f32 to vector<1x1xf32>
    %slice3A_396 = vector.extract_strided_slice %broadcast_in_dim3A_347 {offsets = [0, 0], sizes = [1, 511], strides = [1, 1]} : vector<1x512xf32> to vector<1x511xf32>
    %concatenate3A_397 = tpu.concatenate %broadcast_in_dim3A_395, %slice3A_396 in 1 : vector<1x1xf32>, vector<1x511xf32> -> vector<1x512xf32>
    %add3A_398 = arith.addf %broadcast_in_dim3A_347, %concatenate3A_397 : vector<1x512xf32>
    %broadcast_in_dim3A_399 = arith.constant 0.000000e+00 : f32
    %broadcast_in_dim3A_400 = vector.broadcast %broadcast_in_dim3A_399 : f32 to vector<1x2xf32>
    %slice3A_401 = vector.extract_strided_slice %add3A_398 {offsets = [0, 0], sizes = [1, 510], strides = [1, 1]} : vector<1x512xf32> to vector<1x510xf32>
    %concatenate3A_402 = tpu.concatenate %broadcast_in_dim3A_400, %slice3A_401 in 1 : vector<1x2xf32>, vector<1x510xf32> -> vector<1x512xf32>
    %add3A_403 = arith.addf %add3A_398, %concatenate3A_402 : vector<1x512xf32>
    %broadcast_in_dim3A_404 = arith.constant 0.000000e+00 : f32
    %broadcast_in_dim3A_405 = vector.broadcast %broadcast_in_dim3A_404 : f32 to vector<1x4xf32>
    %slice3A_406 = vector.extract_strided_slice %add3A_403 {offsets = [0, 0], sizes = [1, 508], strides = [1, 1]} : vector<1x512xf32> to vector<1x508xf32>
    %concatenate3A_407 = tpu.concatenate %broadcast_in_dim3A_405, %slice3A_406 in 1 : vector<1x4xf32>, vector<1x508xf32> -> vector<1x512xf32>
    %add3A_408 = arith.addf %add3A_403, %concatenate3A_407 : vector<1x512xf32>
    %broadcast_in_dim3A_409 = arith.constant 0.000000e+00 : f32
    %broadcast_in_dim3A_410 = vector.broadcast %broadcast_in_dim3A_409 : f32 to vector<1x8xf32>
    %slice3A_411 = vector.extract_strided_slice %add3A_408 {offsets = [0, 0], sizes = [1, 504], strides = [1, 1]} : vector<1x512xf32> to vector<1x504xf32>
    %concatenate3A_412 = tpu.concatenate %broadcast_in_dim3A_410, %slice3A_411 in 1 : vector<1x8xf32>, vector<1x504xf32> -> vector<1x512xf32>
    %add3A_413 = arith.addf %add3A_408, %concatenate3A_412 : vector<1x512xf32>
    %broadcast_in_dim3A_414 = arith.constant 0.000000e+00 : f32
    %broadcast_in_dim3A_415 = vector.broadcast %broadcast_in_dim3A_414 : f32 to vector<1x16xf32>
    %slice3A_416 = vector.extract_strided_slice %add3A_413 {offsets = [0, 0], sizes = [1, 496], strides = [1, 1]} : vector<1x512xf32> to vector<1x496xf32>
    %concatenate3A_417 = tpu.concatenate %broadcast_in_dim3A_415, %slice3A_416 in 1 : vector<1x16xf32>, vector<1x496xf32> -> vector<1x512xf32>
    %add3A_418 = arith.addf %add3A_413, %concatenate3A_417 : vector<1x512xf32>
    %broadcast_in_dim3A_419 = arith.constant 0.000000e+00 : f32
    %broadcast_in_dim3A_420 = vector.broadcast %broadcast_in_dim3A_419 : f32 to vector<1x32xf32>
    %slice3A_421 = vector.extract_strided_slice %add3A_418 {offsets = [0, 0], sizes = [1, 480], strides = [1, 1]} : vector<1x512xf32> to vector<1x480xf32>
    %concatenate3A_422 = tpu.concatenate %broadcast_in_dim3A_420, %slice3A_421 in 1 : vector<1x32xf32>, vector<1x480xf32> -> vector<1x512xf32>
    %add3A_423 = arith.addf %add3A_418, %concatenate3A_422 : vector<1x512xf32>
    %broadcast_in_dim3A_424 = arith.constant 0.000000e+00 : f32
    %broadcast_in_dim3A_425 = vector.broadcast %broadcast_in_dim3A_424 : f32 to vector<1x64xf32>
    %slice3A_426 = vector.extract_strided_slice %add3A_423 {offsets = [0, 0], sizes = [1, 448], strides = [1, 1]} : vector<1x512xf32> to vector<1x448xf32>
    %concatenate3A_427 = tpu.concatenate %broadcast_in_dim3A_425, %slice3A_426 in 1 : vector<1x64xf32>, vector<1x448xf32> -> vector<1x512xf32>
    %add3A_428 = arith.addf %add3A_423, %concatenate3A_427 : vector<1x512xf32>
    %broadcast_in_dim3A_429 = arith.constant 0.000000e+00 : f32
    %broadcast_in_dim3A_430 = vector.broadcast %broadcast_in_dim3A_429 : f32 to vector<1x128xf32>
    %slice3A_431 = vector.extract_strided_slice %add3A_428 {offsets = [0, 0], sizes = [1, 384], strides = [1, 1]} : vector<1x512xf32> to vector<1x384xf32>
    %concatenate3A_432 = tpu.concatenate %broadcast_in_dim3A_430, %slice3A_431 in 1 : vector<1x128xf32>, vector<1x384xf32> -> vector<1x512xf32>
    %add3A_433 = arith.addf %add3A_428, %concatenate3A_432 : vector<1x512xf32>
    %broadcast_in_dim3A_434 = arith.constant 0.000000e+00 : f32
    %broadcast_in_dim3A_435 = vector.broadcast %broadcast_in_dim3A_434 : f32 to vector<1x256xf32>
    %slice3A_436 = vector.extract_strided_slice %add3A_433 {offsets = [0, 0], sizes = [1, 256], strides = [1, 1]} : vector<1x512xf32> to vector<1x256xf32>
    %concatenate3A_437 = tpu.concatenate %broadcast_in_dim3A_435, %slice3A_436 in 1 : vector<1x256xf32>, vector<1x256xf32> -> vector<1x512xf32>
    %add3A_438 = arith.addf %add3A_433, %concatenate3A_437 : vector<1x512xf32>
    %slice3A_439 = vector.extract_strided_slice %add3A_393 {offsets = [0, 511], sizes = [1, 1], strides = [1, 1]} : vector<1x512xf32> to vector<1x1xf32>
    %squeeze3A_440 = vector.extract %slice3A_439[0, 0] : f32 from vector<1x1xf32>
    %slice3A_441 = vector.extract_strided_slice %add3A_438 {offsets = [0, 511], sizes = [1, 1], strides = [1, 1]} : vector<1x512xf32> to vector<1x1xf32>
    %squeeze3A_442 = vector.extract %slice3A_441[0, 0] : f32 from vector<1x1xf32>
    %sub3A_443 = vector.broadcast %squeeze3A_440 : f32 to vector<1x512xf32>
    %sub3A_444 = arith.subf %sub3A_443, %add3A_393 : vector<1x512xf32>
    %add3A_445 = arith.addf %sub3A_444, %add3A_348 : vector<1x512xf32>
    %sub3A_446 = vector.broadcast %squeeze3A_440 : f32 to vector<1x512xf32>
    %sub3A_447 = arith.subf %sub3A_446, %add3A_393 : vector<1x512xf32>
    %sub3A_448 = vector.broadcast %squeeze3A_442 : f32 to vector<1x512xf32>
    %sub3A_449 = arith.subf %sub3A_448, %add3A_438 : vector<1x512xf32>
    %add3A_450 = arith.addf %sub3A_449, %broadcast_in_dim3A_347 : vector<1x512xf32>
    %sub3A_451 = vector.broadcast %squeeze3A_442 : f32 to vector<1x512xf32>
    %sub3A_452 = arith.subf %sub3A_451, %add3A_438 : vector<1x512xf32>
    %sub3A_453 = vector.broadcast %squeeze3A_442 : f32 to vector<1x512xf32>
    %sub3A_454 = arith.subf %sub3A_453, %add3A_450 : vector<1x512xf32>
    %add3A_455 = vector.broadcast %squeeze3A_442 : f32 to vector<1x512xf32>
    %add3A_456 = arith.addf %add3A_455, %add3A_445 : vector<1x512xf32>
    %sub3A_457 = arith.subf %add3A_456, %add3A_450 : vector<1x512xf32>
    %max3A_458 = arith.constant 1.000000e+00 : f32
    %max3A_459 = vector.broadcast %max3A_458 : f32 to vector<1x512xf32>
    %max3A_460 = arith.maximumf %sub3A_457, %max3A_459 : vector<1x512xf32>
    %div3A_461 = arith.divf %sub3A_454, %max3A_460 : vector<1x512xf32>
    %sub3A_462 = arith.constant 1.000000e+00 : f32
    %sub3A_463 = vector.broadcast %sub3A_462 : f32 to vector<1x512xf32>
    %sub3A_464 = arith.subf %sub3A_463, %div3A_461 : vector<1x512xf32>
    %sub3A_465 = vector.broadcast %squeeze3A_442 : f32 to vector<1x512xf32>
    %sub3A_466 = arith.subf %sub3A_465, %sub3A_452 : vector<1x512xf32>
    %add3A_467 = vector.broadcast %squeeze3A_442 : f32 to vector<1x512xf32>
    %add3A_468 = arith.addf %add3A_467, %sub3A_447 : vector<1x512xf32>
    %sub3A_469 = arith.subf %add3A_468, %sub3A_452 : vector<1x512xf32>
    %max3A_470 = arith.constant 1.000000e+00 : f32
    %max3A_471 = vector.broadcast %max3A_470 : f32 to vector<1x512xf32>
    %max3A_472 = arith.maximumf %sub3A_469, %max3A_471 : vector<1x512xf32>
    %div3A_473 = arith.divf %sub3A_466, %max3A_472 : vector<1x512xf32>
    %sub3A_474 = arith.constant 1.000000e+00 : f32
    %sub3A_475 = vector.broadcast %sub3A_474 : f32 to vector<1x512xf32>
    %sub3A_476 = arith.subf %sub3A_475, %div3A_473 : vector<1x512xf32>
    %sub3A_477 = arith.subf %min3A_34, %min3A_18 : vector<1x512xf32>
    %add3A_478 = arith.addf %sub3A_464, %sub3A_476 : vector<1x512xf32>
    %mul3A_479 = arith.mulf %sub3A_477, %add3A_478 : vector<1x512xf32>
    %mul3A_480 = arith.constant 5.000000e-01 : f32
    %mul3A_481 = vector.broadcast %mul3A_480 : f32 to vector<1x512xf32>
    %mul3A_482 = arith.mulf %mul3A_479, %mul3A_481 : vector<1x512xf32>
    %reduce_sum3A_483 = vector.shape_cast %mul3A_482 : vector<1x512xf32> to vector<1x1x512xf32>
    %reduce_sum3A_484 = arith.constant dense<0.000000e+00> : vector<1xf32>
    %reduce_sum3A_485 = vector.multi_reduction <add>, %reduce_sum3A_483, %reduce_sum3A_484 [1, 2] : vector<1x1x512xf32> to vector<1xf32>
    %reduce_sum3A_486 = vector.shape_cast %reduce_sum3A_485 : vector<1xf32> to vector<1x1x1xf32>
    %reduce_sum3A_487 = vector.extract %reduce_sum3A_486[0, 0, 0] : f32 from vector<1x1x1xf32>
    %gt3A_488 = arith.constant 0.000000e+00 : f32
    %gt3A_489 = arith.cmpf ogt, %squeeze3A_442, %gt3A_488 : f32
    %convert_element_type3A_490 = arith.extui %gt3A_489 : i1 to i32
    %convert_element_type3A_491 = arith.sitofp %convert_element_type3A_490 : i32 to f32
    %mul3A_492 = arith.mulf %convert_element_type3A_491, %reduce_sum3A_487 : f32
    %add3A_493 = arith.addf %add3A_338, %mul3A_492 : f32
    %add3A_494 = arith.addf %add3A_339, %convert_element_type3A_491 : f32
    %div3A_495 = arith.divf %add3A_493, %add3A_494 : f32
    %reshape3A = vector.broadcast %div3A_495 : f32 to vector<1x1xf32>
    %swap3A = arith.constant 0 : index
    %swap3A_496 = arith.constant 0 : index
    %swap3A_497 = vector.load %arg1[%swap3A, %swap3A_496] : memref<1x1xf32, #tpu.memory_space<vmem>>, vector<1x1xf32>
    tpu.vector_store %arg1[%swap3A, %swap3A_496], %reshape3A {strides = array<i32>} : memref<1x1xf32, #tpu.memory_space<vmem>>, vector<1x1xf32>,
    return
  }
}

</mosaic_0001>

<sc_bundles>
// kernel: kernel.4.cloned.1.call-start
scs
__scs_entry_jumppad:
0x0: {  	(pc) =	sbr.rel $0x88, $3  }
0x1: {  	(tag) =	ssettag $0x0;
	lr =	simm.s32 $0x1  }
0x2: {  	[smem:$0x3F9F] =	sst lr;
	_ =	strace $0xD0000000  }
0x3: {  	_ = 	snop  }
0x4: {  	_ = 	snop  }
0x5: {  	_ = 	snop  }
0x6: {  	_ = 	snop  }
0x7: {  	_ = 	snop  }
__scs_overlays_trampoline_lowered:
0x8: {  	[smem:$0x3FAE] =	sst s0  }
0x9: {  	[smem:$0x3FAF] =	sst s1  }
0xa: {  	[smem:$0x3FB0] =	sst s2  }
0xb: {  	[smem:$0x3FB1] =	sst s3  }
0xc: {  	[smem:$0x3FB2] =	sst s4  }
0xd: {  	[smem:$0x3FB3] =	sst s5  }
0xe: {  	[smem:$0x3FB4] =	sst s6  }
0xf: {  	[smem:$0x3FB5] =	sst s7  }
0x10: {  	[smem:$0x3FB6] =	sst s8  }
0x11: {  	[smem:$0x3FB7] =	sst s9;
	s0 =	simm.s32 @!p0 $0x0  }
0x12: {  	s1 =	sld [smem:$0x3F9D];
	s0 =	simm.s32 @p0 $0x1  }
0x13: {  	[smem:$0x3FB8] =	sst s0;
	s0 =	simm.s32 @!p1 $0x0  }
0x14: {  	s2 =	sld [smem:$0x3F9C];
	s0 =	simm.s32 @p1 $0x1  }
0x15: {  	[smem:$0x3FB9] =	sst s0;
	s0 =	simm.s32 @!p2 $0x0  }
0x16: {  	s3 =	sld [smem:$0x3FDB];
	s0 =	simm.s32 @p2 $0x1  }
0x17: {  	s4 =	simm.s32 $0x1BF5;
	[smem:$0x3FBB] =	sst s0  }
0x18: {  	s0 =	sld [smem:$0x3F9E];
	_ =	swait.ge [sflag:s4], $0x0  }
0x19: {  	s7 =	sld [smem:$0x3F9F]  }
0x1a: {  	s8 =	sadd.s32 $0xFFFFE003, lr  }
0x1b: {  	s9 =	sadd.s32 $0xFFFFFEF7, lr;
	s5 =	simm.s32 $0xFFFFFFFF;
	p2 =	slt.u32 s8, $0xFFFFF086  }
0x1c: {  	p1 =	slt.u32 s9, $0xF7A;
	s5 =	simm.s32 @!p2 $0x0  }
0x1d: {  	s5 =	simm.s32 @p1 $0x1;
	p0 =	seq.s32 s7, s2  }
0x1e: {  	s7 =	smul.u32 @!p0 $0xF7A, s2;
	p2 =	seq.s32 @!p0 s5, $0x0  }
0x1f: {  	s9 =	smul.u32 $0xF7A, s1;
	s8 =	simm.s32 @!p0 $0x1BF5;
	p2 =	por !p2, p0  }
0x20: {  	[sflag:s8] =	ssyncset.s32 @!p0 $0xFFFFF086;
	s6 =	sadd.s32 @!p0 s3, s7;
	s7 =	simm.s32 @!p0 $0x108  }
0x21: {  	s3 =	sadd.s32 s3, s9;
	s6 =	sadd.s32 @!p0 $0x88, s6;
	s7 =	simm.s32 @p2 $0x1082  }
0x22: {  	[simem:s7], [sflag:s8] =	dma.local @!p0 [hbm:s6], $0xF7A  }
0x23: {  	s9 =	sor.u32 $0xD0000000, s2;
	s6 =	simm.s32 $0x108;
	_ =	swait.ge @!p0 [sflag:s8], $0x0  }
0x24: {  	s3 =	sadd.s32 $0x88, s3;
	s6 =	simm.s32 @!p1 $0x1082;
	[sflag:s4] =	ssyncset.s32 $0xFFFFF086  }
0x25: {  	[simem:s6], [sflag:s4] =	dma.local [hbm:s3], $0xF7A  }
0x26: {  	[smem:$0x3F9F] =	sst s1;
	(tag) =	ssettag s2;
	_ =	strace s9  }
0x27: {  	s1 =	sld [smem:$0x3FAF]  }
0x28: {  	s2 =	sld [smem:$0x3FB0]  }
0x29: {  	s4 =	sld [smem:$0x3FB2]  }
0x2a: {  	p0 =	seq.s32 s5, $0x0;
	s5 =	sld [smem:$0x3FB3]  }
0x2b: {  	s6 =	sld [smem:$0x3FB4]  }
0x2c: {  	s7 =	sld [smem:$0x3FB5]  }
0x2d: {  	s3 =	simm.s32 $0x108;
	s8 =	sld [smem:$0x3FB6]  }
0x2e: {  	s3 =	simm.s32 @!p0 $0x1082;
	s9 =	sld [smem:$0x3FB7]  }
0x2f: {  	lr =	sadd.s32 s0, s3;
	s0 =	sld [smem:$0x3FAE]  }
0x30: {  	s3 =	sld [smem:$0x3FB1]  }
0x31: {  	[smem:$0x3FBA] =	sst s10  }
0x32: {  	s10 =	sld [smem:$0x3FB8];
	_ =	sdelay $0x3  }
0x33: {  	p0 =	seq.s32 s10, $0x1;
	s10 =	sld [smem:$0x3FBA];
	_ =	sdelay $0x3  }
0x34: {  	[smem:$0x3FBA] =	sst s10  }
0x35: {  	s10 =	sld [smem:$0x3FB9];
	_ =	sdelay $0x3  }
0x36: {  	p1 =	seq.s32 s10, $0x1;
	s10 =	sld [smem:$0x3FBA];
	_ =	sdelay $0x3  }
0x37: {  	[smem:$0x3FBA] =	sst s10  }
0x38: {  	s10 =	sld [smem:$0x3FBB]  }
0x39: {  	_ = 	snop;
	(pc) =	sbr.ind lr, $3  }
0x3a: {  	_ = 	snop  }
0x3b: {  	_ = 	snop  }
0x3c: {  	p2 =	seq.s32 s10, $0x1;
	s10 =	sld [smem:$0x3FBA]  }
0x3d: {  	_ =	shalt  }
0x3e: {  	_ =	shalt  }
0x3f: {  	_ =	shalt  }
0x40: {  	_ =	shalt  }
0x41: {  	_ =	shalt  }
0x42: {  	_ =	shalt  }
0x43: {  	_ =	shalt  }
0x44: {  	_ =	shalt  }
0x45: {  	_ =	shalt  }
0x46: {  	_ =	shalt  }
0x47: {  	_ =	shalt  }
0x48: {  	_ =	shalt  }
0x49: {  	_ =	shalt  }
0x4a: {  	_ =	shalt  }
0x4b: {  	_ =	shalt  }
0x4c: {  	_ =	shalt  }
0x4d: {  	_ =	shalt  }
0x4e: {  	_ =	shalt  }
0x4f: {  	_ =	shalt  }
0x50: {  	_ =	shalt  }
0x51: {  	_ =	shalt  }
0x52: {  	_ =	shalt  }
0x53: {  	_ =	shalt  }
0x54: {  	_ =	shalt  }
0x55: {  	_ =	shalt  }
0x56: {  	_ =	shalt  }
0x57: {  	_ =	shalt  }
0x58: {  	_ =	shalt  }
0x59: {  	_ =	shalt  }
0x5a: {  	_ =	shalt  }
0x5b: {  	_ =	shalt  }
0x5c: {  	_ =	shalt  }
0x5d: {  	_ =	shalt  }
0x5e: {  	_ =	shalt  }
0x5f: {  	_ =	shalt  }
0x60: {  	_ =	shalt  }
0x61: {  	_ =	shalt  }
0x62: {  	_ =	shalt  }
0x63: {  	_ =	shalt  }
0x64: {  	_ =	shalt  }
0x65: {  	_ =	shalt  }
0x66: {  	_ =	shalt  }
0x67: {  	_ =	shalt  }
0x68: {  	_ =	shalt  }
0x69: {  	_ =	shalt  }
0x6a: {  	_ =	shalt  }
0x6b: {  	_ =	shalt  }
0x6c: {  	_ =	shalt  }
0x6d: {  	_ =	shalt  }
0x6e: {  	_ =	shalt  }
0x6f: {  	_ =	shalt  }
0x70: {  	_ =	shalt  }
0x71: {  	_ =	shalt  }
0x72: {  	_ =	shalt  }
0x73: {  	_ =	shalt  }
0x74: {  	_ =	shalt  }
0x75: {  	_ =	shalt  }
0x76: {  	_ =	shalt  }
0x77: {  	_ =	shalt  }
0x78: {  	_ =	shalt  }
0x79: {  	_ =	shalt  }
0x7a: {  	_ =	shalt  }
0x7b: {  	_ =	shalt  }
0x7c: {  	_ =	shalt  }
0x7d: {  	_ =	shalt  }
0x7e: {  	_ =	shalt  }
0x7f: {  	_ =	shalt  }
0x80: {  	_ =	shalt  }
0x81: {  	_ =	shalt  }
0x82: {  	_ =	shalt  }
0x83: {  	_ =	shalt  }
0x84: {  	_ =	shalt  }
0x85: {  	_ =	shalt  }
0x86: {  	_ =	shalt  }
0x87: {  	_ =	shalt  }
.Lfunc_end0:
.L_simem_size_0:
called_computation_lowered:
.L_overlay_start_0:
0x88: {  	s2 =	sld [smem:$0x3FD9]  }
0x89: {  	s3 =	sld [smem:$0x3FFE];
	_ =	sdelay $0x1  }
0x8a: {  	s1 =	srdreg.scid  }
0x8b: {  	s0 =	sand.u32 $0x1, s1  }
0x8c: {  	s17 =	sshll.u32 s0, $0xA;
	s2 =	sadd.s32 s3, s2  }
0x8d: {  	s2 =	sadd.s32 s2, s17  }
0x8e: {  	[smem:$0x3FC6] =	sst s2  }
0x8f: {  	_ = 	snop  }
0x90: {  	s2 =	sld [smem:$0x3FC9]  }
0x91: {  	s18 =	sld [smem:$0x3FC8];
	(tm) =	ssettm $0x1  }
0x92: {  	s4 =	sld [smem:$0x3FFB];
	_ =	sdelay $0x3  }
0x93: {  	_ =	strace s4  }
0x94: {  	s4 =	sld [smem:$0x3FFC];
	_ =	sdelay $0x3  }
0x95: {  	_ =	strace s4  }
0x96: {  	s4 =	sld [smem:$0x3FFD];
	_ =	sdelay $0x3  }
0x97: {  	_ =	strace s4  }
0x98: {  	_ =	strace $0x8FFFFFFF  }
0x99: {  	s19 =	sld [smem:$0x3FDB];
	_ =	sdelay $0x1  }
0x9a: {  	s5 =	simm.s32 $_scs_section_size  }
0x9b: {  	s6 =	simm.s32 $_size__tile_overlayer_lowered;
	s7 =	simm.s32 $_tile_overlayer_lowered  }
0x9c: {  	s22 =	simm.s32 $0x1BFF;
	s21 =	sshll.u32 s7, $0x1;
	s4 =	sadd.s32 s5, s19  }
0x9d: {  	s8 =	simm.s32 $0x0;
	s20 =	sshll.u32 s6, $0x1;
	s6 =	sadd.s32 s21, s4  }
0x9e: {  	[timem:s8], [sflag:s22] =	dma.local [hbm:s6], s20  }
0x9f: {  	_ =	swait.ge [sflag:s22], s20  }
0xa0: {  	s5 =	ssub.s32 $0x0, s20;
	[sflag:s22] =	ssyncset.done $0x0  }
0xa1: {  	[sflag:s22] =	ssyncadd.s32 s5;
	_ =	sdelay $0x1  }
0xa2: {  	s23 =	simm.s32 $0x1B8B  }
0xa3: {  	_ =	swait.ge [sflag:s23], $0x1  }
0xa4: {  	[sflag:s23] =	ssyncset.done $0x0  }
0xa5: {  	s25 =	simm.s32 $0x1B8E;
	s24 =	sld [smem:$0x3FFE];
	[sflag:s23] =	ssyncadd.s32 $0xFFFFFFFF  }
0xa6: {  	s26 =	simm.s32 $execute0_lowered;
	[smem:$0x3FD2] =	sst s25  }
0xa7: {  	s6 =	sshll.u32 s26, $0x1;
	_ =	strace $0x80000046;
	[dreg:$0x1] =	wrdreg $0xFFFFFFFF  }
0xa8: {  	s28 =	simm.s32 $_size_execute0_lowered;
	s4 =	sadd.s32 s4, s6;
	[dreg:$0x0] =	wrdreg $0x0  }
0xa9: {  	s6 =	sshll.u32 s28, $0x1;
	[dreg:$0x2] =	wrdreg s4  }
0xaa: {  	[dreg:$0x3] =	wrdreg s6  }
0xab: {  	[dreg:$0x4] =	wrdreg $0xC0  }
0xac: {  	_ =	task [dreg:s8], $0x5FFFF  }
0xad: {  	[dreg:$0x1] =	wrdreg $0xFFFFFFFF  }
0xae: {  	[dreg:$0x0] =	wrdreg $0x60  }
0xaf: {  	[dreg:$0x2] =	wrdreg s2  }
0xb0: {  	[dreg:$0x3] =	wrdreg s18  }
0xb1: {  	[dreg:$0x4] =	wrdreg s24  }
0xb2: {  	[dreg:$0x5] =	wrdreg $0x9  }
0xb3: {  	_ =	task.clear_ibuf [dreg:s8], $0x6FFFF;
	_ =	strace $0x90000046  }
0xb4: {  	s29 =	simm.s32 $0x9;
	_ =	strace $0x80000048  }
0xb5: {  	_ =	swait.ge [sflag:s29], $0x1  }
0xb6: {  	[sflag:s29] =	ssyncadd.s32 $0xFFFFFFFF  }
0xb7: {  	_ =	strace $0x90000048  }
0xb8: {  	_ =	sfence  }
0xb9: {  	s30 =	sld [smem:$0x0];
	_ =	sdelay $0x2  }
0xba: {  	s31 =	sshll.u32 s1, $0xD;
	s1 =	sshrl.u32 s1, $0x2  }
0xbb: {  	s3 =	sand.u32 $0x4000, s31;
	s1 =	sadd.s32 s1, s30  }
0xbc: {  	s0 =	sor.u32 s3, s0;
	s1 =	sshll.u32 s1, $0x11  }
0xbd: {  	s0 =	sor.u32 s1, s0  }
0xbe: {  	s0 =	sadd.s32 $0x8F2B, s0  }
0xbf: {  	[sflag:s0] =	ssyncadd.remote.s32 $0x1  }
0xc0: {  	_ =	sfence.sel $0xFFFF  }
0xc1: {  	[dreg:$0x0] =	wrdreg $0xFFFFFFFF;
	(pc) =	sbr.abs _section_cstart, $3  }
0xc2: {  	[dreg:$0x1] =	wrdreg $0xFFFFFFFF  }
0xc3: {  	_ =	task.clear_ibuf [dreg:s8], $0x2FFFF;
	_ =	strace $0x9FFFFFFF  }
0xc4: {  	(tm) =	ssettm $0x7FFFFFFF  }
0xc5: {  	_ =	shalt  }
tec
execute0_lowered:
.L_overlay_start_1:
0x0: {  	(tag) =	ssettag $0x1  }
0x1: {  	s1 =	rddreg [dreg:$0x0]  }
0x2: {  	s3 =	rddreg [dreg:$0x1];
	s0 =	srdreg.scid  }
0x3: {  	s8 =	stileid.u32;
	s2 =	rddreg [dreg:$0x2]  }
0x4: {  	s4 =	simm.s32 $0x0;
	s28 =	simm.s32 $0x400;
	s29 =	simm.s32 $0x1C000  }
0x5: {  	s30 =	simm.s32 $0x2;
	s31 =	simm.s32 $0x1C200;
	s0 =	sand.u32 $0x1, s0  }
0x6: {  	s5 =	sshll.u32 s8, $0x1;
	[smem:$0x7FF] =	sst s4;
	s6 =	sshll.u32 s8, $0x7  }
0x7: {  	s8 =	sshrl.u32 s8, $0x1;
	s5 =	sor.u32 s0, s5;
	_ =	strace $0x80000047  }
0x8: {  	s0 =	ssub.s32 $0x2, s0;
	s10 =	sshll.u32 s8, $0x14;
	s7 =	sshll.u32 s5, $0x4  }
0x9: {  	s5 =	sshll.u32 s5, $0x10;
	s17 =	sshrl.u32 s0, $0x1;
	s6 =	sor.u32 s6, s7  }
0xa: {  	s5 =	sand.u32 $0x30000, s5;
	s0 =	ssub.s32 s0, s17;
	s7 =	sand.u32 $0x670, s6  }
0xb: {  	s6 =	sshll.u32 s8, $0x12;
	s8 =	sor.u32 $0x40000, s10;
	s2 =	sadd.s32 s7, s2  }
0xc: {  	s9 =	sor.u32 s6, s5;
	s19 =	sor.u32 s8, s5;
	s22 =	sadd.s32 $0x600, s2  }
0xd: {  	s18 =	sshrl.u32 s9, $0x3;
	s23 =	sadd.s32 $0xE00, s2;
	[dreg:$0x8] =	wrdreg s22  }
0xe: {  	s9 =	sor.u32 $0x80000, s10;
	s24 =	sadd.s32 $0x1600, s2;
	[dreg:$0x9] =	wrdreg s23  }
0xf: {  	s10 =	sor.u32 $0xC0000, s10;
	s25 =	sadd.s32 $0x1E00, s2;
	[dreg:$0xa] =	wrdreg s24  }
0x10: {  	s26 =	sadd.s32 $0x2600, s2;
	s7 =	sadd.s32 s3, s18;
	[dreg:$0xb] =	wrdreg s25  }
0x11: {  	s11 =	sor.u32 s9, s5;
	s12 =	sor.u32 s10, s5;
	[dreg:$0xc] =	wrdreg s26  }
0x12: {  	s24 =	simm.s32 $0x1;
	[dreg:$0x4] =	wrdreg s7;
	s7 =	sshrl.u32 s19, $0x3  }
0x13: {  	v0 =	vlaneseq.u32;
	s25 =	simm.s32 $0x10000;
	s11 =	sshrl.u32 s11, $0x3;
	s7 =	sadd.s32 s1, s7  }
0x14: {  	v0 =	vmul.u32 $0x400, v0;
	s21 =	sshrl.u32 s12, $0x3;
	s20 =	sadd.s32 s1, s11;
	[dreg:$0x5] =	wrdreg s7  }
0x15: {  	v1 =	vimm.f32 $0.0e+00;
	s26 =	simm.s32 $0x80;
	[dreg:$0x6] =	wrdreg s20;
	s7 =	sadd.s32 s1, s21  }
0x16: {  	v2 =	vimm.f32 $1.000000000e+00;
	v3 =	vor.u32 $0x4000, v0;
	v4 =	vor.u32 $0x8000, v0;
	s19 =	sadd.s32 $0x2E00, s2;
	s20 =	smax.u32 s0, $0x1;
	[dreg:$0x7] =	wrdreg s7  }
.LBB2_1:
0x17: {  	s0 =	simm.s32 $0x10040  }
0x18: {  	[tilespmem:s0+$0xFFFFFFC0] =	vst v1  }
0x19: {  	[tilespmem:s0+$0x30] =	vst v1  }
0x1a: {  	[tilespmem:s0+$0x20] =	vst v1  }
0x1b: {  	[tilespmem:s0+$0x10] =	vst v1  }
0x1c: {  	[tilespmem:s0+$0x0] =	vst v1  }
0x1d: {  	[tilespmem:s0+$0xFFFFFFF0] =	vst v1  }
0x1e: {  	s2 =	simm.s32 $0x0;
	[tilespmem:s0+$0xFFFFFFE0] =	vst v1  }
.LBB2_2:
0x1f: {  	s2 =	sadd.s32 $0x8, s2;
	[tilespmem:s0+$0xFFFFFFD0] =	vst v1;
	s0 =	sadd.s32 $0x80, s0  }
0x20: {  	[tilespmem:s0+$0xFFFFFFC0] =	vst v1;
	p0 =	slt.u32 s2, $0xBF8  }
0x21: {  	[tilespmem:s0+$0x30] =	vst v1  }
.Ltmp0:
0x22: {  	[tilespmem:s0+$0x20] =	vst v1;
	(pc) =	sbr.rel @p0 .LBB2_2-.Ltmp0, $4  }
0x23: {  	[tilespmem:s0+$0x10] =	vst v1  }
0x24: {  	[tilespmem:s0+$0x0] =	vst v1  }
0x25: {  	[tilespmem:s0+$0xFFFFFFF0] =	vst v1  }
0x26: {  	[tilespmem:s0+$0xFFFFFFE0] =	vst v1  }
0x27: {  	[tilespmem:s0+$0xFFFFFFD0] =	vst v1  }
0x28: {  	s2 =	simm.s32 $0x0;
	s0 =	rddreg [dreg:$0x4]  }
0x29: {  	[tilespmem:s2], [sflag:$0x1] =	stream.linear.gather [hbm4b:s0+s2], $0x2000, $0x38;
	[tilespmem:$0x1C400] =	vst v63  }
0x2a: {  	s7 =	simm.s32 $0x4000;
	s17 =	rddreg [dreg:$0x5]  }
0x2b: {  	[tilespmem:s7], [sflag:$0x1] =	stream.linear.gather [hbm4b:s17+s2], $0x2000, $0x38;
	[tilespmem:$0x1C400] =	vst v63  }
0x2c: {  	s21 =	simm.s32 $0x6000;
	s18 =	rddreg [dreg:$0x6]  }
0x2d: {  	[tilespmem:s21], [sflag:$0x1] =	stream.linear.gather [hbm4b:s18+s2], $0x2000, $0x38;
	[tilespmem:$0x1C400] =	vst v63  }
0x2e: {  	s23 =	simm.s32 $0x8000;
	s22 =	rddreg [dreg:$0x7];
	s0 =	simm.s32 $0x0  }
0x2f: {  	[tilespmem:s23], [sflag:$0x1] =	stream.linear.gather [hbm4b:s22+s2], $0x2000, $0x38;
	[tilespmem:$0x1C400] =	vst v63  }
.LBB2_4:
0x30: {  	s7 =	smov.u32 s0  }
0x31: {  	s0 =	sadd.s32 $0x1, s0;
	p0 =	seq.s32 s7, $0x7  }
0x32: {  	s11 =	sshll.u32 @!p0 s0, $0xD  }
0x33: {  	s11 =	sadd.s32 @!p0 s5, s11  }
0x34: {  	s12 =	sadd.s32 @!p0 s6, s11  }
0x35: {  	s13 =	sand.u32 @!p0 $0x1, s0;
	s12 =	sshrl.u32 @!p0 s12, $0x3  }
0x36: {  	s15 =	simm.s32 @!p0 $0x0;
	s14 =	sshll.u32 @!p0 s13, $0xD;
	s12 =	sadd.s32 @!p0 s3, s12  }
0x37: {  	[tilespmem:s14], [sflag:$0x1] =	stream.linear.gather @!p0 [hbm4b:s12+s15], $0x2000, $0x38;
	[tilespmem:$0x1C400] =	vst v63  }
0x38: {  	s12 =	smul.u32 @!p0 $0x18000, s13  }
0x39: {  	s13 =	sadd.s32 @!p0 s8, s11  }
0x3a: {  	s13 =	sshrl.u32 @!p0 s13, $0x3;
	s12 =	sshrl.u32 @!p0 s12, $0x2  }
0x3b: {  	s13 =	sadd.s32 @!p0 s1, s13;
	s14 =	sadd.s32 @!p0 $0x4000, s12  }
0x3c: {  	[tilespmem:s14], [sflag:$0x1] =	stream.linear.gather @!p0 [hbm4b:s13+s15], $0x2000, $0x38;
	[tilespmem:$0x1C400] =	vst v63  }
0x3d: {  	s13 =	sor.u32 @!p0 s9, s11  }
0x3e: {  	s11 =	sadd.s32 @!p0 s10, s11;
	s13 =	sshrl.u32 @!p0 s13, $0x3  }
0x3f: {  	s14 =	sadd.s32 @!p0 $0x6000, s12;
	s11 =	sshrl.u32 @!p0 s11, $0x3;
	s13 =	sadd.s32 @!p0 s1, s13  }
0x40: {  	[tilespmem:s14], [sflag:$0x1] =	stream.linear.gather @!p0 [hbm4b:s13+s15], $0x2000, $0x38;
	[tilespmem:$0x1C400] =	vst v63  }
0x41: {  	s12 =	sor.u32 @!p0 $0x8000, s12;
	s11 =	sadd.s32 @!p0 s1, s11  }
0x42: {  	[tilespmem:s12], [sflag:$0x1] =	stream.linear.gather @!p0 [hbm4b:s11+s15], $0x2000, $0x38;
	[tilespmem:$0x1C400] =	vst v63  }
0x43: {  	_ =	swait.ge [sflag:s24], $0x2000  }
0x44: {  	[sflag:s24] =	ssyncset.done $0x0  }
0x45: {  	[sflag:s24] =	ssyncadd.s32 $0xFFFFE000  }
0x46: {  	_ =	swait.ge [sflag:s24], $0x2000  }
0x47: {  	s23 =	sand.u32 $0x1, s7;
	[sflag:s24] =	ssyncset.done $0x0  }
0x48: {  	s21 =	simm.s32 $0x30;
	p0 =	seq.s32 s23, $0x1;
	[sflag:s24] =	ssyncadd.s32 $0xFFFFE000  }
0x49: {  	s21 =	simm.s32 @!p0 $0x0;
	_ =	swait.ge [sflag:s24], $0x2000  }
0x4a: {  	s12 =	sadd.s32 $0x0, s21;
	[sflag:s24] =	ssyncset.done $0x0  }
0x4b: {  	s13 =	simm.s32 $0x0;
	s14 =	sshll.u32 s12, $0x9;
	[sflag:s24] =	ssyncadd.s32 $0xFFFFE000  }
0x4c: {  	s15 =	sand.u32 $0x380, s13;
	s13 =	sand.u32 $0x7000, s14;
	_ =	swait.ge [sflag:s24], $0x2000  }
0x4d: {  	s16 =	sand.u32 $0xC00, s2;
	s13 =	sor.u32 s15, s13;
	[sflag:s24] =	ssyncset.done $0x0  }
0x4e: {  	s13 =	sor.u32 s16, s13;
	[sflag:s24] =	ssyncadd.s32 $0xFFFFE000  }
0x4f: {  	v5 =	vld [tilespmem:s13+$0x4070]  }
0x50: {  	v6 =	vld [tilespmem:s13+$0x4000]  }
0x51: {  	v7 =	vld [tilespmem:s13+$0x4010]  }
0x52: {  	v8 =	vld [tilespmem:s13+$0x4020]  }
0x53: {  	v9 =	vld [tilespmem:s13+$0x4030]  }
0x54: {  	v10 =	vld [tilespmem:s13+$0x4040]  }
0x55: {  	s22 =	sshll.u32 s7, $0xD;
	v11 =	vld [tilespmem:s13+$0x4050];
	v5 =	vmul.f32 $2.752688220e+01, v5  }
0x56: {  	s7 =	sadd.s32 $0x0, s22;
	v13 =	vld [tilespmem:s13+$0x4060]  }
0x57: {  	s7 =	sand.u32 $0x3000, s7;
	v6 =	vmul.f32 $2.752688220e+01, v6;
	v5 =	vadd.f32 $2.560000000e+02, v5  }
0x58: {  	s7 =	sor.u32 s15, s7;
	v7 =	vmul.f32 $2.752688220e+01, v7;
	v8 =	vmul.f32 $2.752688220e+01, v8  }
0x59: {  	s7 =	sor.u32 s16, s7;
	v9 =	vmul.f32 $2.752688220e+01, v9;
	v12 =	vtrunc.f32 v5  }
0x5a: {  	v10 =	vmul.f32 $2.752688220e+01, v10;
	v5 =	vld [tilespmem:s7+$0x70];
	v12 =	vcvt.f32.s32 v12  }
0x5b: {  	v11 =	vmul.f32 $2.752688220e+01, v11;
	v13 =	vmul.f32 $2.752688220e+01, v13;
	v6 =	vadd.f32 $2.560000000e+02, v6  }
0x5c: {  	v7 =	vadd.f32 $2.560000000e+02, v7;
	v8 =	vadd.f32 $2.560000000e+02, v8;
	vm0 =	vgt.s32 v12, $0x0  }
0x5d: {  	v9 =	vadd.f32 $2.560000000e+02, v9;
	v10 =	vadd.f32 $2.560000000e+02, v10;
	v12 =	vnsel vm0, $0x0, v12  }
0x5e: {  	v11 =	vadd.f32 $2.560000000e+02, v11;
	v13 =	vadd.f32 $2.560000000e+02, v13;
	v12 =	vmin.u32 v12, $0x1FF  }
0x5f: {  	v6 =	vtrunc.f32 v6;
	vm0 =	veq.s32 v5, $0x1;
	v14 =	vxor.u32 $0x3FF, v12  }
0x60: {  	v7 =	vtrunc.f32 v7;
	v8 =	vtrunc.f32 v8;
	v12 =	vsel vm0, v14, v12  }
0x61: {  	s23 =	sadd.s32 $0x10, s21;
	v9 =	vtrunc.f32 v9;
	v10 =	vtrunc.f32 v10;
	v12 =	vor.u32 v0, v12  }
0x62: {  	s17 =	sadd.s32 $0x0, s23;
	v11 =	vtrunc.f32 v11;
	v13 =	vtrunc.f32 v13  }
0x63: {  	s13 =	sshll.u32 s17, $0x9;
	v6 =	vcvt.f32.s32 v6;
	v7 =	vcvt.f32.s32 v7  }
0x64: {  	s13 =	sand.u32 $0xF000, s13;
	v8 =	vcvt.f32.s32 v8;
	v9 =	vcvt.f32.s32 v9  }
0x65: {  	v17 =	vld [tilespmem:s7+$0x20];
	s13 =	sor.u32 s15, s13;
	v10 =	vcvt.f32.s32 v10;
	v11 =	vcvt.f32.s32 v11  }
0x66: {  	s13 =	sor.u32 s16, s13;
	vm1 =	vgt.s32 v6, $0x0;
	vm2 =	vgt.s32 v7, $0x0;
	vm3 =	vgt.s32 v8, $0x0;
	[tilespmem:v12+s25+$0x0] =	vst.idx.add.f32.msk $0xffff, v2  }
0x67: {  	vm4 =	vgt.s32 v9, $0x0;
	vm5 =	vgt.s32 v10, $0x0;
	v12 =	vcvt.f32.s32 v13;
	v13 =	vld [tilespmem:s13+$0x4070]  }
0x68: {  	v6 =	vnsel vm1, $0x0, v6;
	vm1 =	vgt.s32 v11, $0x0;
	v7 =	vnsel vm2, $0x0, v7  }
0x69: {  	v15 =	vld [tilespmem:s7+$0x0];
	v16 =	vnsel vm3, $0x0, v8;
	v9 =	vnsel vm4, $0x0, v9;
	v10 =	vnsel vm5, $0x0, v10  }
0x6a: {  	vm2 =	veq.s32 v17, $0x1;
	v11 =	vnsel vm1, $0x0, v11;
	v18 =	vmin.u32 v7, $0x1FF;
	v7 =	vld [tilespmem:s7+$0x40]  }
0x6b: {  	v6 =	vmin.u32 v6, $0x1FF;
	v16 =	vmin.u32 v16, $0x1FF;
	v19 =	vmin.u32 v9, $0x1FF  }
0x6c: {  	v20 =	vmin.u32 v10, $0x1FF;
	v9 =	vxor.u32 $0x3FF, v6;
	v14 =	vld [tilespmem:s7+$0x10];
	v13 =	vmul.f32 $2.752688220e+01, v13  }
0x6d: {  	v8 =	vld [tilespmem:s7+$0x30];
	v21 =	vxor.u32 $0x3FF, v16;
	v22 =	vxor.u32 $0x3FF, v19;
	v23 =	vxor.u32 $0x3FF, v20  }
0x6e: {  	vm0 =	veq.s32 v15, $0x1;
	v16 =	vsel vm2, v21, v16;
	v10 =	vadd.f32 $2.560000000e+02, v13  }
0x6f: {  	v6 =	vsel vm0, v9, v6;
	v16 =	vor.u32 v0, v16;
	vm4 =	veq.s32 v7, $0x1  }
0x70: {  	v6 =	vor.u32 v0, v6;
	v20 =	vsel vm4, v23, v20;
	v10 =	vtrunc.f32 v10  }
0x71: {  	vm1 =	veq.s32 v14, $0x1;
	v13 =	vxor.u32 $0x3FF, v18;
	v24 =	vcvt.f32.s32 v10  }
0x72: {  	vm3 =	veq.s32 v8, $0x1;
	v20 =	vor.u32 v0, v20;
	v13 =	vsel vm1, v13, v18  }
0x73: {  	v9 =	vld [tilespmem:s7+$0x50];
	v18 =	vsel vm3, v22, v19;
	v13 =	vor.u32 v0, v13;
	vm0 =	vgt.s32 v24, $0x0  }
0x74: {  	[tilespmem:v16+s25+$0x0] =	vst.idx.add.f32.msk $0xffff, v2;
	v18 =	vor.u32 v0, v18;
	v19 =	vnsel vm0, $0x0, v24  }
0x75: {  	v10 =	vld [tilespmem:s7+$0x60];
	v19 =	vmin.u32 v19, $0x1FF  }
0x76: {  	[tilespmem:v6+s25+$0x0] =	vst.idx.add.f32.msk $0xffff, v2;
	vm6 =	vgt.s32 v12, $0x0;
	vm0 =	veq.s32 v5, $0x2;
	v21 =	vxor.u32 $0x3FF, v19  }
0x77: {  	v11 =	vmin.u32 v11, $0x1FF;
	v12 =	vnsel vm6, $0x0, v12;
	[tilespmem:v20+s25+$0x0] =	vst.idx.add.f32.msk $0xffff, v2;
	v19 =	vsel vm0, v21, v19  }
0x78: {  	s7 =	sadd.s32 $0x20, s21;
	[tilespmem:v13+s25+$0x0] =	vst.idx.add.f32.msk $0xffff, v2;
	v21 =	vxor.u32 $0x3FF, v11;
	vm0 =	veq.s32 v9, $0x1;
	v6 =	vor.u32 v3, v19  }
0x79: {  	v12 =	vmin.u32 v12, $0x1FF;
	s18 =	sadd.s32 $0x0, s7;
	[tilespmem:v18+s25+$0x0] =	vst.idx.add.f32.msk $0xffff, v2;
	v11 =	vsel vm0, v21, v11  }
0x7a: {  	s14 =	sshll.u32 s18, $0x9;
	v13 =	vld [tilespmem:s13+$0x4020];
	vm1 =	veq.s32 v10, $0x1;
	v19 =	vxor.u32 $0x3FF, v12;
	v11 =	vor.u32 v0, v11  }
0x7b: {  	s14 =	sand.u32 $0xF000, s14;
	v18 =	vld [tilespmem:s13+$0x4040];
	v12 =	vsel vm1, v19, v12  }
0x7c: {  	s11 =	sor.u32 s15, s14;
	v16 =	vld [tilespmem:s13+$0x4030];
	v12 =	vor.u32 v0, v12  }
0x7d: {  	s12 =	sor.u32 s16, s11;
	[tilespmem:v6+s25+$0x0] =	vst.idx.add.f32.msk $0xffff, v2  }
0x7e: {  	v6 =	vld [tilespmem:s12+$0x4070]  }
0x7f: {  	[tilespmem:v11+s25+$0x0] =	vst.idx.add.f32.msk $0xffff, v2  }
0x80: {  	v11 =	vld [tilespmem:s13+$0x4000]  }
0x81: {  	s14 =	sadd.s32 $0x0, s21;
	[tilespmem:v12+s25+$0x0] =	vst.idx.add.f32.msk $0xffff, v2  }
0x82: {  	vm8 =	veq.s32 v15, $0x2;
	vm5 =	veq.s32 v17, $0x2;
	vm7 =	veq.s32 v8, $0x2;
	s11 =	sshll.u32 s14, $0x9;
	v12 =	vld [tilespmem:s13+$0x4010]  }
0x83: {  	vm2 =	veq.s32 v7, $0x2;
	vm9 =	veq.s32 v14, $0x2;
	s15 =	simm.s32 $0x20;
	s16 =	sand.u32 $0x7000, s11;
	v13 =	vmul.f32 $2.752688220e+01, v13;
	v19 =	vld [tilespmem:s13+$0x4050]  }
0x84: {  	vm4 =	veq.s32 v14, $0x3;
	vm3 =	veq.s32 v15, $0x3;
	s11 =	simm.s32 $0x400;
	v14 =	vmul.f32 $2.752688220e+01, v16;
	v15 =	vld [tilespmem:s13+$0x4060];
	s13 =	sand.u32 $0x380, s15  }
0x85: {  	vm6 =	veq.s32 v17, $0x3;
	s14 =	sand.u32 $0xC00, s11;
	v16 =	vmul.f32 $2.752688220e+01, v18;
	v13 =	vadd.f32 $2.560000000e+02, v13;
	s15 =	sor.u32 s13, s16  }
0x86: {  	vm0 =	veq.s32 v9, $0x2;
	v14 =	vadd.f32 $2.560000000e+02, v14;
	s15 =	sor.u32 s14, s15;
	v6 =	vmul.f32 $2.752688220e+01, v6  }
0x87: {  	v16 =	vadd.f32 $2.560000000e+02, v16;
	v13 =	vtrunc.f32 v13;
	v11 =	vmul.f32 $2.752688220e+01, v11;
	v39 =	vld [tilespmem:s15+$0x4050]  }
0x88: {  	v14 =	vtrunc.f32 v14;
	v25 =	vld [tilespmem:s15+$0x4060];
	v12 =	vmul.f32 $2.752688220e+01, v12;
	v6 =	vadd.f32 $2.560000000e+02, v6  }
0x89: {  	v16 =	vtrunc.f32 v16;
	v17 =	vmul.f32 $2.752688220e+01, v19;
	v11 =	vadd.f32 $2.560000000e+02, v11  }
0x8a: {  	v15 =	vmul.f32 $2.752688220e+01, v15;
	v12 =	vadd.f32 $2.560000000e+02, v12;
	v6 =	vtrunc.f32 v6  }
0x8b: {  	vm1 =	veq.s32 v10, $0x2;
	v11 =	vtrunc.f32 v11;
	v6 =	vcvt.f32.s32 v6  }
0x8c: {  	v15 =	vadd.f32 $2.560000000e+02, v15;
	v12 =	vtrunc.f32 v12;
	v18 =	vcvt.f32.s32 v11  }
0x8d: {  	v17 =	vadd.f32 $2.560000000e+02, v17;
	v24 =	vmul.f32 $2.752688220e+01, v39;
	v25 =	vmul.f32 $2.752688220e+01, v25  }
0x8e: {  	v15 =	vtrunc.f32 v15;
	v12 =	vcvt.f32.s32 v12;
	vm10 =	vgt.s32 v6, $0x0  }
0x8f: {  	v15 =	vcvt.f32.s32 v15;
	v24 =	vadd.f32 $2.560000000e+02, v24;
	v6 =	vnsel vm10, $0x0, v6  }
0x90: {  	vm10 =	veq.s32 v5, $0x3;
	vm11 =	vgt.s32 v12, $0x0;
	v6 =	vmin.u32 v6, $0x1FF  }
0x91: {  	v5 =	vtrunc.f32 v17;
	v12 =	vnsel vm11, $0x0, v12;
	v17 =	vxor.u32 $0x3FF, v6  }
0x92: {  	v5 =	vcvt.f32.s32 v5;
	v12 =	vmin.u32 v12, $0x1FF;
	v11 =	vsel vm10, v17, v6  }
0x93: {  	v6 =	vcvt.f32.s32 v13;
	v13 =	vcvt.f32.s32 v14;
	vm10 =	vgt.s32 v18, $0x0  }
0x94: {  	v14 =	vcvt.f32.s32 v16;
	vm15 =	vgt.s32 v5, $0x0;
	v19 =	vxor.u32 $0x3FF, v12  }
0x95: {  	v16 =	vnsel vm10, $0x0, v18;
	vm10 =	vgt.s32 v15, $0x0;
	v5 =	vnsel vm15, $0x0, v5  }
0x96: {  	v38 =	vld [tilespmem:s15+$0x4000];
	v12 =	vsel vm9, v19, v12;
	vm12 =	vgt.s32 v6, $0x0;
	vm13 =	vgt.s32 v13, $0x0  }
0x97: {  	v17 =	vld [tilespmem:s15+$0x4070];
	vm14 =	vgt.s32 v14, $0x0;
	v16 =	vmin.u32 v16, $0x1FF;
	v15 =	vnsel vm10, $0x0, v15  }
0x98: {  	v5 =	vmin.u32 v5, $0x1FF;
	v6 =	vnsel vm12, $0x0, v6;
	v13 =	vnsel vm13, $0x0, v13  }
0x99: {  	v14 =	vnsel vm14, $0x0, v14;
	v15 =	vmin.u32 v15, $0x1FF;
	v18 =	vxor.u32 $0x3FF, v16  }
0x9a: {  	v23 =	vxor.u32 $0x3FF, v5;
	v6 =	vmin.u32 v6, $0x1FF;
	v13 =	vmin.u32 v13, $0x1FF  }
0x9b: {  	v14 =	vmin.u32 v14, $0x1FF;
	v16 =	vsel vm8, v18, v16;
	v19 =	vxor.u32 $0x3FF, v15  }
0x9c: {  	v5 =	vsel vm0, v23, v5;
	v23 =	vmul.f32 $2.752688220e+01, v38;
	v17 =	vmul.f32 $2.752688220e+01, v17  }
0x9d: {  	s16 =	sadd.s32 $0x0, s22;
	v18 =	vld [tilespmem:s15+$0x4010];
	v20 =	vxor.u32 $0x3FF, v6;
	v21 =	vxor.u32 $0x3FF, v13;
	v22 =	vxor.u32 $0x3FF, v14  }
0x9e: {  	s16 =	sand.u32 $0x3000, s16;
	v16 =	vor.u32 v3, v16;
	v6 =	vsel vm5, v20, v6;
	v20 =	vld [tilespmem:s15+$0x4020];
	v17 =	vadd.f32 $2.560000000e+02, v17  }
0x9f: {  	s16 =	sor.u32 s13, s16;
	v15 =	vsel vm1, v19, v15;
	v19 =	vor.u32 v3, v12;
	v13 =	vsel vm7, v21, v13;
	v21 =	vld [tilespmem:s15+$0x4030]  }
0xa0: {  	s16 =	sor.u32 s14, s16;
	v5 =	vor.u32 v3, v5;
	v14 =	vsel vm2, v22, v14;
	v22 =	vld [tilespmem:s15+$0x4040];
	v17 =	vtrunc.f32 v17  }
0xa1: {  	v12 =	vld [tilespmem:s16+$0x70];
	v23 =	vadd.f32 $2.560000000e+02, v23;
	v6 =	vor.u32 v3, v6;
	v17 =	vcvt.f32.s32 v17  }
0xa2: {  	v40 =	vor.u32 v3, v15;
	v13 =	vor.u32 v3, v13;
	v18 =	vmul.f32 $2.752688220e+01, v18  }
0xa3: {  	v14 =	vor.u32 v3, v14;
	v23 =	vtrunc.f32 v23;
	vm0 =	vgt.s32 v17, $0x0  }
0xa4: {  	v20 =	vmul.f32 $2.752688220e+01, v20;
	v18 =	vadd.f32 $2.560000000e+02, v18;
	v17 =	vnsel vm0, $0x0, v17  }
0xa5: {  	[tilespmem:v16+s25+$0x0] =	vst.idx.add.f32.msk $0xffff, v2;
	v21 =	vmul.f32 $2.752688220e+01, v21;
	v22 =	vmul.f32 $2.752688220e+01, v22;
	v26 =	vmin.u32 v17, $0x1FF  }
0xa6: {  	[tilespmem:v6+s25+$0x0] =	vst.idx.add.f32.msk $0xffff, v2;
	v6 =	vcvt.f32.s32 v23;
	vm0 =	veq.s32 v12, $0x1;
	v27 =	vxor.u32 $0x3FF, v26  }
0xa7: {  	[tilespmem:v19+s25+$0x0] =	vst.idx.add.f32.msk $0xffff, v2;
	v20 =	vadd.f32 $2.560000000e+02, v20;
	v21 =	vadd.f32 $2.560000000e+02, v21;
	v26 =	vsel vm0, v27, v26  }
0xa8: {  	[tilespmem:v5+s25+$0x0] =	vst.idx.add.f32.msk $0xffff, v2;
	v22 =	vadd.f32 $2.560000000e+02, v22;
	v18 =	vtrunc.f32 v18;
	v26 =	vor.u32 v0, v26  }
0xa9: {  	s17 =	sadd.s32 $0x0, s23;
	[tilespmem:v13+s25+$0x0] =	vst.idx.add.f32.msk $0xffff, v2;
	v13 =	vcvt.f32.s32 v18;
	vm1 =	vgt.s32 v6, $0x0;
	v16 =	vtrunc.f32 v20  }
0xaa: {  	s15 =	sshll.u32 s17, $0x9;
	v17 =	vld [tilespmem:s16+$0x0];
	v20 =	vadd.f32 $2.560000000e+02, v25;
	v21 =	vtrunc.f32 v21;
	v19 =	vtrunc.f32 v22  }
0xab: {  	s15 =	sand.u32 $0xF000, s15;
	[tilespmem:v14+s25+$0x0] =	vst.idx.add.f32.msk $0xffff, v2;
	v22 =	vtrunc.f32 v24;
	v5 =	vnsel vm1, $0x0, v6;
	v18 =	vcvt.f32.s32 v16  }
0xac: {  	s15 =	sor.u32 s13, s15;
	v14 =	vld [tilespmem:s16+$0x40];
	v19 =	vcvt.f32.s32 v19;
	vm2 =	vgt.s32 v13, $0x0;
	v15 =	vtrunc.f32 v20  }
0xad: {  	s15 =	sor.u32 s14, s15;
	v41 =	vmin.u32 v5, $0x1FF;
	v20 =	vcvt.f32.s32 v21;
	v21 =	vcvt.f32.s32 v22;
	[tilespmem:v26+s25+$0x0] =	vst.idx.add.f32.msk $0xffff, v2  }
0xae: {  	v6 =	vnsel vm2, $0x0, v13;
	v22 =	vcvt.f32.s32 v15;
	vm5 =	vgt.s32 v18, $0x0;
	v23 =	vld [tilespmem:s15+$0x4070]  }
0xaf: {  	vm8 =	vgt.s32 v19, $0x0;
	v42 =	vmin.u32 v6, $0x1FF;
	vm0 =	veq.s32 v17, $0x1  }
0xb0: {  	v16 =	vld [tilespmem:s16+$0x10];
	vm7 =	vgt.s32 v20, $0x0;
	vm1 =	vgt.s32 v21, $0x0;
	v18 =	vnsel vm5, $0x0, v18  }
0xb1: {  	v13 =	vld [tilespmem:s16+$0x30];
	v19 =	vnsel vm8, $0x0, v19;
	v44 =	vxor.u32 $0x3FF, v42;
	vm9 =	vgt.s32 v22, $0x0  }
0xb2: {  	v20 =	vnsel vm7, $0x0, v20;
	v21 =	vnsel vm1, $0x0, v21;
	v18 =	vmin.u32 v18, $0x1FF  }
0xb3: {  	v19 =	vmin.u32 v19, $0x1FF;
	vm7 =	veq.s32 v14, $0x1;
	v5 =	vmul.f32 $2.752688220e+01, v23  }
0xb4: {  	v15 =	vld [tilespmem:s16+$0x20];
	v22 =	vnsel vm9, $0x0, v22;
	v20 =	vmin.u32 v20, $0x1FF;
	v21 =	vmin.u32 v21, $0x1FF  }
0xb5: {  	[tilespmem:v40+s25+$0x0] =	vst.idx.add.f32.msk $0xffff, v2;
	v28 =	vxor.u32 $0x3FF, v18;
	v30 =	vxor.u32 $0x3FF, v19;
	v43 =	vadd.f32 $2.560000000e+02, v5  }
0xb6: {  	v31 =	vld [tilespmem:s12+$0x4000];
	vm1 =	veq.s32 v16, $0x1;
	v29 =	vxor.u32 $0x3FF, v20;
	vm5 =	veq.s32 v13, $0x1  }
0xb7: {  	v32 =	vld [tilespmem:s12+$0x4010];
	v45 =	vsel vm1, v44, v42;
	v19 =	vsel vm7, v30, v19;
	v24 =	vtrunc.f32 v43  }
0xb8: {  	v49 =	vld [tilespmem:s12+$0x4050];
	v22 =	vmin.u32 v22, $0x1FF;
	v23 =	vxor.u32 $0x3FF, v41;
	v24 =	vcvt.f32.s32 v24  }
0xb9: {  	v6 =	vld [tilespmem:s16+$0x50];
	v51 =	vxor.u32 $0x3FF, v21;
	vm2 =	veq.s32 v15, $0x1;
	v23 =	vsel vm0, v23, v41  }
0xba: {  	v20 =	vsel vm5, v29, v20;
	v5 =	vld [tilespmem:s16+$0x60];
	v23 =	vor.u32 v0, v23;
	vm0 =	vgt.s32 v24, $0x0  }
0xbb: {  	v33 =	vld [tilespmem:s12+$0x4060];
	v25 =	vor.u32 v0, v45;
	v19 =	vor.u32 v0, v19;
	v24 =	vnsel vm0, $0x0, v24  }
0xbc: {  	v46 =	vld [tilespmem:s12+$0x4020];
	v52 =	vxor.u32 $0x3FF, v22;
	v18 =	vsel vm2, v28, v18;
	v24 =	vmin.u32 v24, $0x1FF  }
0xbd: {  	v47 =	vld [tilespmem:s12+$0x4030];
	v20 =	vor.u32 v0, v20;
	vm0 =	veq.s32 v12, $0x2;
	v50 =	vxor.u32 $0x3FF, v24  }
0xbe: {  	v48 =	vld [tilespmem:s12+$0x4040];
	v18 =	vor.u32 v0, v18;
	v24 =	vsel vm0, v50, v24;
	vm0 =	veq.s32 v6, $0x1  }
0xbf: {  	[tilespmem:v23+s25+$0x0] =	vst.idx.add.f32.msk $0xffff, v2;
	vm1 =	veq.s32 v5, $0x1;
	v23 =	vor.u32 v3, v24;
	v21 =	vsel vm0, v51, v21  }
0xc0: {  	[tilespmem:v25+s25+$0x0] =	vst.idx.add.f32.msk $0xffff, v2;
	vm0 =	veq.s32 v8, $0x3;
	v8 =	vsel vm1, v52, v22;
	vm1 =	veq.s32 v7, $0x3  }
0xc1: {  	[tilespmem:v19+s25+$0x0] =	vst.idx.add.f32.msk $0xffff, v2;
	vm9 =	vmmov vm1;
	vm1 =	veq.s32 v9, $0x3  }
0xc2: {  	s18 =	sadd.s32 $0x0, s7;
	[tilespmem:v20+s25+$0x0] =	vst.idx.add.f32.msk $0xffff, v2;
	v9 =	vimm.s32 $0x0;
	vm13 =	vmmov vm1;
	vm1 =	vmmov vm3  }
0xc3: {  	s12 =	sshll.u32 s18, $0x9;
	[tilespmem:v18+s25+$0x0] =	vst.idx.add.f32.msk $0xffff, v2;
	v21 =	vor.u32 v0, v21;
	v9 =	vsel vm1, $0xFFFFFFFF, v9  }
0xc4: {  	s12 =	sand.u32 $0xF000, s12;
	v8 =	vor.u32 v0, v8;
	vm0 =	vmmov vm0;
	[tilespmem:$0x1FFB0] =	vst v9;
	v9 =	vimm.s32 $0x0  }
0xc5: {  	s12 =	sor.u32 s13, s12;
	[tilespmem:v23+s25+$0x0] =	vst.idx.add.f32.msk $0xffff, v2;
	v9 =	vsel vm0, $0xFFFFFFFF, v9  }
0xc6: {  	s12 =	sor.u32 s14, s12;
	[tilespmem:$0x1FFC0] =	vst v9  }
0xc7: {  	v9 =	vld [tilespmem:s12+$0x4070]  }
0xc8: {  	vm15 =	vmmov vm6;
	vm14 =	vmmov vm4;
	[tilespmem:v21+s25+$0x0] =	vst.idx.add.f32.msk $0xffff, v2  }
0xc9: {  	vm6 =	veq.s32 v17, $0x2;
	vm7 =	veq.s32 v17, $0x3;
	v17 =	vimm.s32 $0x0;
	[tilespmem:v8+s25+$0x0] =	vst.idx.add.f32.msk $0xffff, v2  }
0xca: {  	vm2 =	veq.s32 v10, $0x3;
	v10 =	vmul.f32 $2.752688220e+01, v31;
	v7 =	vor.u32 v4, v11;
	v11 =	vld [tilespmem:s15+$0x4000]  }
0xcb: {  	v53 =	vmul.f32 $2.752688220e+01, v33;
	vm11 =	veq.s32 v14, $0x3;
	v17 =	vsel vm7, $0xFFFFFFFF, v17;
	v20 =	vld [tilespmem:s15+$0x4010]  }
0xcc: {  	vm5 =	veq.s32 v16, $0x2;
	vm4 =	veq.s32 v15, $0x2;
	v10 =	vadd.f32 $2.560000000e+02, v10;
	v22 =	vld [tilespmem:s15+$0x4020];
	[tilespmem:$0x1FFD0] =	vst v17  }
0xcd: {  	vm10 =	veq.s32 v15, $0x3;
	vm8 =	vmmov vm2;
	v19 =	vmul.f32 $2.752688220e+01, v47;
	v17 =	vld [tilespmem:s15+$0x4030]  }
0xce: {  	vm2 =	veq.s32 v6, $0x2;
	v10 =	vtrunc.f32 v10;
	v18 =	vmul.f32 $2.752688220e+01, v46;
	v54 =	vld [tilespmem:s15+$0x4040]  }
0xcf: {  	v10 =	vcvt.f32.s32 v10;
	v19 =	vadd.f32 $2.560000000e+02, v19;
	v23 =	vmul.f32 $2.752688220e+01, v49;
	v55 =	vld [tilespmem:s15+$0x4050]  }
0xd0: {  	v18 =	vadd.f32 $2.560000000e+02, v18;
	v8 =	vmul.f32 $2.752688220e+01, v32;
	v21 =	vmul.f32 $2.752688220e+01, v48;
	v56 =	vld [tilespmem:s15+$0x4060]  }
0xd1: {  	v24 =	vadd.f32 $2.560000000e+02, v53;
	v9 =	vmul.f32 $2.752688220e+01, v9;
	v11 =	vmul.f32 $2.752688220e+01, v11  }
0xd2: {  	vm3 =	veq.s32 v13, $0x2;
	v20 =	vmul.f32 $2.752688220e+01, v20;
	v22 =	vmul.f32 $2.752688220e+01, v22  }
0xd3: {  	v9 =	vadd.f32 $2.560000000e+02, v9;
	v11 =	vadd.f32 $2.560000000e+02, v11;
	v17 =	vmul.f32 $2.752688220e+01, v17  }
0xd4: {  	v20 =	vadd.f32 $2.560000000e+02, v20;
	v25 =	vmul.f32 $2.752688220e+01, v54;
	v26 =	vmul.f32 $2.752688220e+01, v55  }
0xd5: {  	v22 =	vadd.f32 $2.560000000e+02, v22;
	v27 =	vmul.f32 $2.752688220e+01, v56;
	v9 =	vtrunc.f32 v9  }
0xd6: {  	v17 =	vadd.f32 $2.560000000e+02, v17;
	v25 =	vadd.f32 $2.560000000e+02, v25;
	v9 =	vcvt.f32.s32 v9  }
0xd7: {  	v26 =	vadd.f32 $2.560000000e+02, v26;
	v11 =	vtrunc.f32 v11;
	v20 =	vtrunc.f32 v20  }
0xd8: {  	v22 =	vtrunc.f32 v22;
	v27 =	vadd.f32 $2.560000000e+02, v27;
	vm7 =	vgt.s32 v9, $0x0  }
0xd9: {  	v11 =	vcvt.f32.s32 v11;
	v20 =	vcvt.f32.s32 v20;
	v9 =	vnsel vm7, $0x0, v9  }
0xda: {  	v22 =	vcvt.f32.s32 v22;
	v57 =	vtrunc.f32 v17;
	v9 =	vmin.u32 v9, $0x1FF  }
0xdb: {  	v25 =	vtrunc.f32 v25;
	vm7 =	veq.s32 v12, $0x3;
	v12 =	vxor.u32 $0x3FF, v9  }
0xdc: {  	v25 =	vcvt.f32.s32 v25;
	v58 =	vsel vm7, v12, v9;
	vm7 =	vgt.s32 v10, $0x0  }
0xdd: {  	v9 =	vtrunc.f32 v26;
	v17 =	vnsel vm7, $0x0, v10;
	vm7 =	vgt.s32 v11, $0x0  }
0xde: {  	v10 =	vcvt.f32.s32 v57;
	v11 =	vnsel vm7, $0x0, v11;
	vm7 =	vgt.s32 v20, $0x0  }
0xdf: {  	v12 =	vtrunc.f32 v27;
	v20 =	vnsel vm7, $0x0, v20;
	vm7 =	vgt.s32 v22, $0x0  }
0xe0: {  	v9 =	vcvt.f32.s32 v9;
	v22 =	vnsel vm7, $0x0, v22;
	vm7 =	vgt.s32 v10, $0x0  }
0xe1: {  	v12 =	vcvt.f32.s32 v12;
	v59 =	vnsel vm7, $0x0, v10;
	vm7 =	vgt.s32 v25, $0x0  }
0xe2: {  	v10 =	vadd.f32 $2.560000000e+02, v23;
	v23 =	vnsel vm7, $0x0, v25;
	vm7 =	vgt.s32 v9, $0x0  }
0xe3: {  	v8 =	vadd.f32 $2.560000000e+02, v8;
	v60 =	vnsel vm7, $0x0, v9;
	vm7 =	vgt.s32 v12, $0x0  }
0xe4: {  	v9 =	vimm.s32 $0x0;
	v61 =	vnsel vm7, $0x0, v12;
	vm7 =	veq.s32 v16, $0x3  }
0xe5: {  	vm1 =	veq.s32 v14, $0x2;
	v21 =	vadd.f32 $2.560000000e+02, v21;
	v9 =	vsel vm7, $0xFFFFFFFF, v9  }
0xe6: {  	vm0 =	veq.s32 v5, $0x2;
	v8 =	vtrunc.f32 v8;
	[tilespmem:$0x1FFE0] =	vst v9;
	v9 =	vmin.u32 v11, $0x1FF  }
0xe7: {  	v15 =	vtrunc.f32 v21;
	v14 =	vmin.u32 v59, $0x1FF;
	v12 =	vxor.u32 $0x3FF, v9  }
0xe8: {  	v16 =	vtrunc.f32 v19;
	v11 =	vtrunc.f32 v18;
	v18 =	vsel vm6, v12, v9  }
0xe9: {  	v9 =	vmin.u32 v20, $0x1FF;
	v12 =	vmin.u32 v22, $0x1FF;
	v20 =	vtrunc.f32 v10  }
0xea: {  	v22 =	vor.u32 v4, v58;
	v19 =	vxor.u32 $0x3FF, v9;
	v10 =	vxor.u32 $0x3FF, v12  }
0xeb: {  	v19 =	vsel vm5, v19, v9;
	vm5 =	veq.s32 v13, $0x3;
	v9 =	vimm.s32 $0x0  }
0xec: {  	v21 =	vsel vm4, v10, v12;
	v10 =	vcvt.f32.s32 v8;
	v12 =	vcvt.f32.s32 v11  }
0xed: {  	v13 =	vcvt.f32.s32 v16;
	v16 =	vxor.u32 $0x3FF, v14;
	v11 =	vcvt.f32.s32 v15  }
0xee: {  	v8 =	vcvt.f32.s32 v20;
	v15 =	vmin.u32 v23, $0x1FF;
	v23 =	vmin.u32 v61, $0x1FF  }
0xef: {  	v9 =	vsel vm5, $0xFFFFFFFF, v9;
	v14 =	vsel vm3, v16, v14;
	v16 =	vmin.u32 v60, $0x1FF  }
0xf0: {  	v20 =	vxor.u32 $0x3FF, v15;
	v19 =	vor.u32 v3, v19;
	[tilespmem:$0x1FFF0] =	vst v9;
	v9 =	vtrunc.f32 v24  }
0xf1: {  	vm3 =	vgt.s32 v10, $0x0;
	v62 =	vxor.u32 $0x3FF, v16;
	v63 =	vsel vm1, v20, v15  }
0xf2: {  	vm4 =	vgt.s32 v12, $0x0;
	v15 =	vxor.u32 $0x3FF, v23;
	vm5 =	vgt.s32 v13, $0x0  }
0xf3: {  	vm12 =	vgt.s32 v11, $0x0;
	v20 =	vor.u32 v3, v18;
	vm6 =	vgt.s32 v8, $0x0  }
0xf4: {  	v9 =	vcvt.f32.s32 v9;
	v24 =	vsel vm2, v62, v16;
	[tilespmem:v7+s25+$0x0] =	vst.idx.add.f32.msk $0xffff, v2;
	v7 =	vsel vm0, v15, v23  }
0xf5: {  	v16 =	vor.u32 v3, v21;
	v15 =	vor.u32 v3, v14;
	v14 =	vor.u32 v3, v63  }
0xf6: {  	s13 =	simm.s32 $0x8;
	[tilespmem:v22+s25+$0x0] =	vst.idx.add.f32.msk $0xffff, v2;
	v18 =	vor.u32 v3, v24;
	v7 =	vor.u32 v3, v7;
	vm7 =	vgt.s32 v9, $0x0  }
.LBB2_5:
0xf7: {  	v10 =	vnsel vm3, $0x0, v10  }
0xf8: {  	v12 =	vnsel vm4, $0x0, v12;
	v13 =	vnsel vm5, $0x0, v13;
	vm0 =	vmmov vm9  }
0xf9: {  	vm1 =	vmmov vm11;
	v21 =	vimm.s32 $0x0;
	vm2 =	veq.s32 v5, $0x3;
	v5 =	vld [tilespmem:$0x1FFB0]  }
0xfa: {  	v11 =	vnsel vm12, $0x0, v11;
	v8 =	vnsel vm6, $0x0, v8;
	[tilespmem:v20+s25+$0x0] =	vst.idx.add.f32.msk $0xffff, v2;
	v12 =	vmin.u32 v12, $0x1FF  }
0xfb: {  	v9 =	vnsel vm7, $0x0, v9;
	v17 =	vmin.u32 v17, $0x1FF;
	[tilespmem:v15+s25+$0x0] =	vst.idx.add.f32.msk $0xffff, v2;
	v15 =	vxor.u32 $0x3FF, v12  }
0xfc: {  	s13 =	sadd.s32 $0x8, s13;
	v21 =	vsel vm1, $0xFFFFFFFF, v21;
	v10 =	vmin.u32 v10, $0x1FF;
	v12 =	vsel vm15, v15, v12;
	v15 =	vld [tilespmem:$0x1FFC0]  }
0xfd: {  	[tilespmem:v19+s25+$0x0] =	vst.idx.add.f32.msk $0xffff, v2;
	s14 =	sshrl.u32 s13, $0x5;
	v13 =	vmin.u32 v13, $0x1FF;
	v11 =	vmin.u32 v11, $0x1FF;
	v8 =	vmin.u32 v8, $0x1FF  }
0xfe: {  	[tilespmem:v16+s25+$0x0] =	vst.idx.add.f32.msk $0xffff, v2;
	v16 =	vxor.u32 $0x3FF, v17;
	vm1 =	veq.s32 v6, $0x3;
	s15 =	sadd.s32 s21, s14;
	vm3 =	vnez.u8 v5  }
0xff: {  	s16 =	sshll.u32 s13, $0x2;
	v19 =	vxor.u32 $0x3FF, v10;
	s17 =	sshll.u32 s15, $0x9;
	v5 =	vsel vm3, v16, v17;
	v17 =	vor.u32 v4, v12;
	v12 =	vld [tilespmem:$0x1FFD0]  }
0x100: {  	s11 =	sadd.s32 $0x400, s11;
	[tilespmem:$0x1FF50] =	vst v21;
	v20 =	vxor.u32 $0x3FF, v13;
	v21 =	vxor.u32 $0x3FF, v11;
	s15 =	sand.u32 $0x380, s16;
	v10 =	vsel vm14, v19, v10;
	s17 =	sand.u32 $0x7000, s17  }
0x101: {  	s16 =	sand.u32 $0xC00, s11;
	v11 =	vsel vm0, v21, v11;
	vm0 =	vmmov vm1;
	s17 =	sor.u32 s15, s17;
	vm3 =	vnez.u8 v15  }
0x102: {  	[tilespmem:v14+s25+$0x0] =	vst.idx.add.f32.msk $0xffff, v2;
	s17 =	sor.u32 s16, s17;
	v13 =	vsel vm3, v20, v13;
	v20 =	vor.u32 v4, v10;
	v10 =	vimm.s32 $0x0  }
0x103: {  	v9 =	vmin.u32 v9, $0x1FF;
	v6 =	vxor.u32 $0x3FF, v8;
	v22 =	vld [tilespmem:s17+$0x4070];
	v10 =	vsel vm0, $0xFFFFFFFF, v10  }
0x104: {  	v23 =	vld [tilespmem:s17+$0x4000];
	vm0 =	vmmov vm2;
	[tilespmem:$0x1FF40] =	vst v10;
	v10 =	vimm.s32 $0x0;
	vm1 =	vnez.u8 v12  }
0x105: {  	v21 =	vld [tilespmem:s17+$0x4010];
	v12 =	vimm.s32 $0x0;
	v10 =	vsel vm0, $0xFFFFFFFF, v10;
	vm0 =	vmmov vm1  }
0x106: {  	v19 =	vor.u32 v4, v5;
	v5 =	vsel vm13, v6, v8;
	v8 =	vld [tilespmem:s17+$0x4020];
	v12 =	vsel vm0, $0xFFFFFFFF, v12  }
0x107: {  	v14 =	vxor.u32 $0x3FF, v9;
	[tilespmem:$0x1FFB0] =	vst v12;
	v12 =	vld [tilespmem:$0x1FFE0]  }
0x108: {  	v6 =	vsel vm8, v14, v9;
	v9 =	vld [tilespmem:s17+$0x4030]  }
0x109: {  	v14 =	vor.u32 v4, v5;
	v5 =	vld [tilespmem:s17+$0x4040]  }
0x10a: {  	v15 =	vor.u32 v4, v11;
	v11 =	vld [tilespmem:s17+$0x4050]  }
0x10b: {  	[tilespmem:v18+s25+$0x0] =	vst.idx.add.f32.msk $0xffff, v2;
	v16 =	vor.u32 v4, v13  }
0x10c: {  	s18 =	sshll.u32 s14, $0x9;
	v18 =	vld [tilespmem:$0x1FFF0];
	v13 =	vor.u32 v4, v6;
	v6 =	vmul.f32 $2.752688220e+01, v22;
	vm0 =	vnez.u8 v12  }
0x10d: {  	s18 =	sadd.s32 s22, s18;
	v8 =	vmul.f32 $2.752688220e+01, v8;
	v12 =	vimm.s32 $0x0;
	vm1 =	vmmov vm0  }
0x10e: {  	s18 =	sand.u32 $0x3000, s18;
	v9 =	vmul.f32 $2.752688220e+01, v9;
	[tilespmem:$0x1FF10] =	vst v10;
	v6 =	vadd.f32 $2.560000000e+02, v6;
	v12 =	vsel vm1, $0xFFFFFFFF, v12  }
0x10f: {  	s18 =	sor.u32 s15, s18;
	v22 =	vimm.s32 $0x0;
	v10 =	vmul.f32 $2.752688220e+01, v23;
	[tilespmem:$0x1FF20] =	vst v12;
	v12 =	vmul.f32 $2.752688220e+01, v21;
	v21 =	vld [tilespmem:s17+$0x4060]  }
0x110: {  	v5 =	vmul.f32 $2.752688220e+01, v5;
	v24 =	vadd.f32 $2.560000000e+02, v9;
	v6 =	vtrunc.f32 v6;
	s17 =	sor.u32 s16, s18;
	[tilespmem:v7+s25+$0x0] =	vst.idx.add.f32.msk $0xffff, v2  }
0x111: {  	v6 =	vcvt.f32.s32 v6;
	vm0 =	vmmov vm10;
	vm1 =	vnez.u8 v18;
	v7 =	vld [tilespmem:s17+$0x70]  }
0x112: {  	v22 =	vsel vm0, $0xFFFFFFFF, v22;
	v18 =	vimm.s32 $0x0;
	vm0 =	vmmov vm1  }
0x113: {  	v10 =	vadd.f32 $2.560000000e+02, v10;
	v18 =	vsel vm0, $0xFFFFFFFF, v18;
	vm0 =	vgt.s32 v6, $0x0  }
0x114: {  	v5 =	vadd.f32 $2.560000000e+02, v5;
	[tilespmem:$0x1FF30] =	vst v22;
	v22 =	vadd.f32 $2.560000000e+02, v8;
	v8 =	vld [tilespmem:s17+$0x10];
	v6 =	vnsel vm0, $0x0, v6  }
0x115: {  	v24 =	vtrunc.f32 v24;
	v23 =	vtrunc.f32 v10;
	v9 =	vld [tilespmem:s17+$0x20];
	v26 =	vmin.u32 v6, $0x1FF  }
0x116: {  	v28 =	vtrunc.f32 v5;
	v5 =	vld [tilespmem:s17+$0x60];
	v27 =	vxor.u32 $0x3FF, v26;
	vm0 =	veq.s32 v7, $0x1  }
0x117: {  	v10 =	vmul.f32 $2.752688220e+01, v11;
	[tilespmem:$0x1FFC0] =	vst v18;
	v18 =	vadd.f32 $2.560000000e+02, v12;
	v12 =	vld [tilespmem:s17+$0x0];
	v26 =	vsel vm0, v27, v26  }
0x118: {  	v24 =	vcvt.f32.s32 v24;
	v6 =	vld [tilespmem:s17+$0x50];
	v11 =	vmul.f32 $2.752688220e+01, v21;
	v26 =	vor.u32 v0, v26  }
0x119: {  	v28 =	vcvt.f32.s32 v28;
	s18 =	sadd.s32 s23, s14;
	v21 =	vadd.f32 $2.560000000e+02, v10;
	v10 =	vld [tilespmem:s17+$0x30]  }
0x11a: {  	v23 =	vcvt.f32.s32 v23;
	vm4 =	vgt.s32 v24, $0x0;
	v25 =	vadd.f32 $2.560000000e+02, v11;
	v11 =	vld [tilespmem:s17+$0x40];
	s17 =	sshll.u32 s18, $0x9  }
0x11b: {  	vm5 =	vgt.s32 v28, $0x0;
	v24 =	vnsel vm4, $0x0, v24;
	v22 =	vtrunc.f32 v22;
	s17 =	sand.u32 $0xF000, s17  }
0x11c: {  	v29 =	vld [tilespmem:s12+$0x4010];
	v28 =	vnsel vm5, $0x0, v28;
	vm1 =	vgt.s32 v23, $0x0;
	v22 =	vcvt.f32.s32 v22;
	s17 =	sor.u32 s15, s17  }
0x11d: {  	v28 =	vmin.u32 v28, $0x1FF;
	v23 =	vnsel vm1, $0x0, v23;
	v18 =	vtrunc.f32 v18;
	s17 =	sor.u32 s16, s17;
	[tilespmem:v26+s25+$0x0] =	vst.idx.add.f32.msk $0xffff, v2  }
0x11e: {  	v23 =	vmin.u32 v23, $0x1FF;
	v18 =	vcvt.f32.s32 v18;
	vm3 =	vgt.s32 v22, $0x0;
	v26 =	vld [tilespmem:s17+$0x4070]  }
0x11f: {  	[tilespmem:v20+s25+$0x0] =	vst.idx.add.f32.msk $0xffff, v2;
	v20 =	vxor.u32 $0x3FF, v28;
	v35 =	vxor.u32 $0x3FF, v23;
	v22 =	vnsel vm3, $0x0, v22  }
0x120: {  	v59 =	vld [tilespmem:s12+$0x4000];
	v21 =	vtrunc.f32 v21;
	vm0 =	veq.s32 v12, $0x1;
	vm2 =	vgt.s32 v18, $0x0  }
0x121: {  	v32 =	vld [tilespmem:s12+$0x4040];
	v22 =	vmin.u32 v22, $0x1FF;
	v21 =	vcvt.f32.s32 v21;
	v18 =	vnsel vm2, $0x0, v18  }
0x122: {  	[tilespmem:v19+s25+$0x0] =	vst.idx.add.f32.msk $0xffff, v2;
	v19 =	vxor.u32 $0x3FF, v22;
	vm2 =	veq.s32 v9, $0x1;
	vm5 =	veq.s32 v6, $0x1  }
0x123: {  	[tilespmem:v15+s25+$0x0] =	vst.idx.add.f32.msk $0xffff, v2;
	v15 =	vsel vm0, v35, v23;
	v25 =	vtrunc.f32 v25;
	v26 =	vmul.f32 $2.752688220e+01, v26  }
0x124: {  	v30 =	vld [tilespmem:s12+$0x4020];
	vm0 =	veq.s32 v5, $0x1;
	v18 =	vmin.u32 v18, $0x1FF;
	v25 =	vcvt.f32.s32 v25  }
0x125: {  	[tilespmem:v17+s25+$0x0] =	vst.idx.add.f32.msk $0xffff, v2;
	v15 =	vor.u32 v0, v15;
	vm1 =	vgt.s32 v21, $0x0;
	v17 =	vadd.f32 $2.560000000e+02, v26  }
0x126: {  	v31 =	vld [tilespmem:s12+$0x4030];
	v36 =	vxor.u32 $0x3FF, v18;
	v21 =	vnsel vm1, $0x0, v21;
	vm6 =	vgt.s32 v25, $0x0  }
0x127: {  	[tilespmem:v16+s25+$0x0] =	vst.idx.add.f32.msk $0xffff, v2;
	vm1 =	veq.s32 v8, $0x1;
	v25 =	vnsel vm6, $0x0, v25;
	v16 =	vtrunc.f32 v17  }
0x128: {  	v33 =	vld [tilespmem:s12+$0x4050];
	v21 =	vmin.u32 v21, $0x1FF;
	v25 =	vmin.u32 v25, $0x1FF;
	v16 =	vcvt.f32.s32 v16  }
0x129: {  	[tilespmem:v14+s25+$0x0] =	vst.idx.add.f32.msk $0xffff, v2;
	vm4 =	veq.s32 v11, $0x1;
	v14 =	vsel vm1, v36, v18;
	v39 =	vxor.u32 $0x3FF, v25  }
0x12a: {  	v18 =	vsel vm4, v20, v28;
	v20 =	vsel vm0, v39, v25;
	vm0 =	vgt.s32 v16, $0x0  }
0x12b: {  	v38 =	vxor.u32 $0x3FF, v21;
	v14 =	vor.u32 v0, v14;
	v16 =	vnsel vm0, $0x0, v16  }
0x12c: {  	v18 =	vor.u32 v0, v18;
	v17 =	vsel vm2, v19, v22;
	v16 =	vmin.u32 v16, $0x1FF  }
0x12d: {  	v34 =	vld [tilespmem:s12+$0x4060];
	v19 =	vsel vm5, v38, v21;
	vm0 =	veq.s32 v7, $0x2;
	v21 =	vxor.u32 $0x3FF, v16  }
0x12e: {  	[tilespmem:v15+s25+$0x0] =	vst.idx.add.f32.msk $0xffff, v2;
	v15 =	vimm.s32 $0x0;
	v16 =	vsel vm0, v21, v16;
	vm0 =	veq.s32 v8, $0x2  }
0x12f: {  	[tilespmem:v13+s25+$0x0] =	vst.idx.add.f32.msk $0xffff, v2;
	v17 =	vor.u32 v0, v17;
	v15 =	vsel vm0, $0xFFFFFFFF, v15  }
0x130: {  	v20 =	vor.u32 v0, v20;
	vm0 =	veq.s32 v9, $0x2;
	[tilespmem:$0x1FF70] =	vst v15;
	v15 =	vimm.s32 $0x0  }
0x131: {  	v24 =	vmin.u32 v24, $0x1FF;
	[tilespmem:v14+s25+$0x0] =	vst.idx.add.f32.msk $0xffff, v2;
	v15 =	vsel vm0, $0xFFFFFFFF, v15  }
0x132: {  	v37 =	vxor.u32 $0x3FF, v24;
	vm3 =	veq.s32 v10, $0x1;
	[tilespmem:$0x1FF80] =	vst v15;
	v15 =	vor.u32 v3, v16  }
0x133: {  	vm10 =	veq.s32 v9, $0x3;
	s18 =	sadd.s32 s7, s14;
	v13 =	vsel vm3, v37, v24;
	[tilespmem:v18+s25+$0x0] =	vst.idx.add.f32.msk $0xffff, v2;
	v18 =	vmul.f32 $2.752688220e+01, v33  }
0x134: {  	s12 =	sshll.u32 s18, $0x9;
	v13 =	vor.u32 v0, v13;
	vm1 =	veq.s32 v12, $0x2;
	[tilespmem:v17+s25+$0x0] =	vst.idx.add.f32.msk $0xffff, v2;
	v17 =	vmul.f32 $2.752688220e+01, v32  }
0x135: {  	s12 =	sand.u32 $0xF000, s12;
	vm11 =	veq.s32 v11, $0x3;
	v14 =	vimm.s32 $0x0;
	v18 =	vadd.f32 $2.560000000e+02, v18;
	[tilespmem:v20+s25+$0x0] =	vst.idx.add.f32.msk $0xffff, v2  }
0x136: {  	s12 =	sor.u32 s15, s12;
	v22 =	vimm.s32 $0x0;
	v20 =	vld [tilespmem:s17+$0x4020];
	v17 =	vadd.f32 $2.560000000e+02, v17;
	vm0 =	veq.s32 v10, $0x2  }
0x137: {  	s12 =	sor.u32 s16, s12;
	v19 =	vor.u32 v0, v19;
	v22 =	vsel vm1, $0xFFFFFFFF, v22;
	v14 =	vsel vm0, $0xFFFFFFFF, v14;
	[tilespmem:v15+s25+$0x0] =	vst.idx.add.f32.msk $0xffff, v2  }
0x138: {  	v9 =	vtrunc.f32 v17;
	vm0 =	veq.s32 v6, $0x2;
	[tilespmem:$0x1FF90] =	vst v14;
	v14 =	vimm.s32 $0x0;
	v21 =	vld [tilespmem:s12+$0x4070]  }
0x139: {  	v14 =	vsel vm0, $0xFFFFFFFF, v14;
	vm0 =	veq.s32 v12, $0x3;
	v12 =	vimm.s32 $0x0  }
0x13a: {  	v17 =	vtrunc.f32 v18;
	v16 =	vmul.f32 $2.752688220e+01, v29;
	[tilespmem:$0x1FFA0] =	vst v14;
	v12 =	vsel vm0, $0xFFFFFFFF, v12  }
0x13b: {  	vm1 =	veq.s32 v11, $0x2;
	v14 =	vmul.f32 $2.752688220e+01, v59;
	[tilespmem:$0x1FFD0] =	vst v12;
	v12 =	vmul.f32 $2.752688220e+01, v30  }
0x13c: {  	[tilespmem:v19+s25+$0x0] =	vst.idx.add.f32.msk $0xffff, v2;
	v20 =	vmul.f32 $2.752688220e+01, v20;
	vm0 =	veq.s32 v8, $0x3;
	v8 =	vimm.s32 $0x0  }
0x13d: {  	v19 =	vld [tilespmem:s17+$0x4000];
	v14 =	vadd.f32 $2.560000000e+02, v14;
	v12 =	vadd.f32 $2.560000000e+02, v12;
	v11 =	vmul.f32 $2.752688220e+01, v21  }
0x13e: {  	[tilespmem:$0x1FF60] =	vst v22;
	v8 =	vsel vm0, $0xFFFFFFFF, v8;
	v15 =	vadd.f32 $2.560000000e+02, v16;
	v16 =	vmul.f32 $2.752688220e+01, v34  }
0x13f: {  	[tilespmem:$0x1FFE0] =	vst v8;
	v14 =	vtrunc.f32 v14;
	v8 =	vtrunc.f32 v12;
	v21 =	vld [tilespmem:s17+$0x4040];
	v22 =	vadd.f32 $2.560000000e+02, v11  }
0x140: {  	vm0 =	veq.s32 v10, $0x3;
	v14 =	vcvt.f32.s32 v14;
	v12 =	vcvt.f32.s32 v8  }
0x141: {  	v18 =	vld [tilespmem:s17+$0x4010];
	v16 =	vadd.f32 $2.560000000e+02, v16;
	v8 =	vcvt.f32.s32 v17;
	v22 =	vtrunc.f32 v22  }
0x142: {  	v10 =	vimm.s32 $0x0;
	v17 =	vmul.f32 $2.752688220e+01, v19;
	v22 =	vcvt.f32.s32 v22  }
0x143: {  	v10 =	vsel vm0, $0xFFFFFFFF, v10;
	v16 =	vtrunc.f32 v16;
	vm0 =	vgt.s32 v14, $0x0  }
0x144: {  	v17 =	vadd.f32 $2.560000000e+02, v17;
	v21 =	vmul.f32 $2.752688220e+01, v21;
	vm6 =	vgt.s32 v22, $0x0  }
0x145: {  	v11 =	vcvt.f32.s32 v9;
	v9 =	vcvt.f32.s32 v16;
	v22 =	vnsel vm6, $0x0, v22  }
0x146: {  	v16 =	vmul.f32 $2.752688220e+01, v18;
	v21 =	vadd.f32 $2.560000000e+02, v21;
	v22 =	vmin.u32 v22, $0x1FF  }
0x147: {  	v17 =	vtrunc.f32 v17;
	vm6 =	veq.s32 v7, $0x3;
	v7 =	vxor.u32 $0x3FF, v22  }
0x148: {  	v16 =	vadd.f32 $2.560000000e+02, v16;
	v21 =	vtrunc.f32 v21;
	v7 =	vsel vm6, v7, v22  }
0x149: {  	v22 =	vcvt.f32.s32 v17;
	v17 =	vnsel vm0, $0x0, v14;
	v14 =	vcvt.f32.s32 v21;
	v21 =	vld [tilespmem:$0x1FF10]  }
0x14a: {  	[tilespmem:v13+s25+$0x0] =	vst.idx.add.f32.msk $0xffff, v2;
	v15 =	vtrunc.f32 v15;
	v16 =	vtrunc.f32 v16  }
0x14b: {  	[tilespmem:$0x1FFF0] =	vst v10;
	v10 =	vcvt.f32.s32 v15;
	v15 =	vld [tilespmem:s17+$0x4030];
	v16 =	vcvt.f32.s32 v16;
	_ =	sdelay $0x1  }
0x14c: {  	v20 =	vadd.f32 $2.560000000e+02, v20;
	vm8 =	vgt.s32 v16, $0x0  }
0x14d: {  	v16 =	vnsel vm8, $0x0, v16;
	vm8 =	vnez.u8 v21;
	v21 =	vld [tilespmem:$0x1FF20]  }
0x14e: {  	v20 =	vtrunc.f32 v20  }
0x14f: {  	v20 =	vcvt.f32.s32 v20;
	v15 =	vmul.f32 $2.752688220e+01, v15;
	_ =	sdelay $0x1  }
0x150: {  	vm14 =	vgt.s32 v20, $0x0;
	v19 =	vld [tilespmem:s17+$0x4050];
	v15 =	vadd.f32 $2.560000000e+02, v15  }
0x151: {  	v20 =	vnsel vm14, $0x0, v20;
	vm14 =	vnez.u8 v21;
	v21 =	vld [tilespmem:$0x1FF30]  }
0x152: {  	v18 =	vld [tilespmem:s17+$0x4060];
	v15 =	vtrunc.f32 v15  }
0x153: {  	v15 =	vcvt.f32.s32 v15;
	_ =	sdelay $0x1  }
0x154: {  	vm15 =	vgt.s32 v15, $0x0  }
0x155: {  	v19 =	vmul.f32 $2.752688220e+01, v19;
	v15 =	vnsel vm15, $0x0, v15;
	vm15 =	vnez.u8 v21;
	v21 =	vld [tilespmem:$0x1FF40]  }
0x156: {  	v18 =	vmul.f32 $2.752688220e+01, v18;
	v7 =	vor.u32 v4, v7  }
0x157: {  	v19 =	vadd.f32 $2.560000000e+02, v19  }
0x158: {  	v18 =	vadd.f32 $2.560000000e+02, v18  }
0x159: {  	v63 =	vld [tilespmem:$0x1FF60];
	v19 =	vtrunc.f32 v19;
	vm13 =	vgt.s32 v14, $0x0  }
0x15a: {  	v18 =	vtrunc.f32 v18;
	v14 =	vnsel vm13, $0x0, v14;
	vm13 =	vnez.u8 v21;
	v21 =	vld [tilespmem:$0x1FF50]  }
0x15b: {  	v19 =	vcvt.f32.s32 v19;
	[tilespmem:v7+s25+$0x0] =	vst.idx.add.f32.msk $0xffff, v2;
	v7 =	vcvt.f32.s32 v18  }
0x15c: {  	vm0 =	vgt.s32 v22, $0x0  }
0x15d: {  	vm9 =	vgt.s32 v19, $0x0;
	v18 =	vnsel vm0, $0x0, v22;
	vm0 =	vgt.s32 v7, $0x0  }
0x15e: {  	v19 =	vnsel vm9, $0x0, v19;
	v18 =	vmin.u32 v18, $0x1FF;
	v7 =	vnsel vm0, $0x0, v7  }
0x15f: {  	vm0 =	vnez.u8 v63;
	vm9 =	vnez.u8 v21;
	v21 =	vxor.u32 $0x3FF, v18  }
0x160: {  	v18 =	vsel vm0, v21, v18;
	v21 =	vld [tilespmem:$0x1FF70];
	_ =	sdelay $0x3  }
0x161: {  	v16 =	vmin.u32 v16, $0x1FF  }
0x162: {  	v22 =	vxor.u32 $0x3FF, v16;
	vm0 =	vnez.u8 v21  }
0x163: {  	v16 =	vsel vm0, v22, v16;
	v22 =	vld [tilespmem:$0x1FF80];
	_ =	sdelay $0x2  }
0x164: {  	v13 =	vmul.f32 $2.752688220e+01, v31  }
0x165: {  	v20 =	vmin.u32 v20, $0x1FF  }
0x166: {  	v13 =	vadd.f32 $2.560000000e+02, v13;
	v23 =	vxor.u32 $0x3FF, v20;
	vm0 =	vnez.u8 v22  }
0x167: {  	v22 =	vsel vm0, v23, v20;
	v20 =	vld [tilespmem:$0x1FF90]  }
0x168: {  	v13 =	vtrunc.f32 v13  }
0x169: {  	v13 =	vcvt.f32.s32 v13  }
0x16a: {  	vm2 =	veq.s32 v5, $0x2  }
0x16b: {  	vm5 =	vgt.s32 v13, $0x0;
	vm3 =	vgt.s32 v10, $0x0;
	vm4 =	vgt.s32 v12, $0x0  }
0x16c: {  	vm12 =	vgt.s32 v11, $0x0;
	vm0 =	vnez.u8 v20;
	v20 =	vor.u32 v3, v18;
	v18 =	vld [tilespmem:$0x1FFA0]  }
0x16d: {  	vm7 =	vgt.s32 v9, $0x0;
	vm6 =	vgt.s32 v8, $0x0;
	v14 =	vmin.u32 v14, $0x1FF  }
0x16e: {  	p0 =	slt.u32 s13, $0x1F8;
	v15 =	vmin.u32 v15, $0x1FF;
	v19 =	vmin.u32 v19, $0x1FF;
	v61 =	vxor.u32 $0x3FF, v14  }
.Ltmp1:
0x16f: {  	v60 =	vxor.u32 $0x3FF, v15;
	v14 =	vsel vm1, v61, v14;
	v7 =	vmin.u32 v7, $0x1FF;
	(pc) =	sbr.rel @p0 .LBB2_5-.Ltmp1, $4  }
0x170: {  	v62 =	vxor.u32 $0x3FF, v19;
	v14 =	vor.u32 v3, v14;
	v21 =	vxor.u32 $0x3FF, v7  }
0x171: {  	v7 =	vsel vm2, v21, v7;
	v15 =	vsel vm0, v60, v15;
	vm0 =	vnez.u8 v18  }
0x172: {  	v7 =	vor.u32 v3, v7;
	v15 =	vor.u32 v3, v15;
	v18 =	vsel vm0, v62, v19  }
0x173: {  	v19 =	vor.u32 v3, v16;
	v16 =	vor.u32 v3, v22;
	v18 =	vor.u32 v3, v18  }
0x174: {  	_ =	sdelay $0x3  }
0x175: {  	[tilespmem:v20+s25+$0x0] =	vst.idx.add.f32.msk $0xffff, v2  }
0x176: {  	[tilespmem:v19+s25+$0x0] =	vst.idx.add.f32.msk $0xffff, v2  }
0x177: {  	[tilespmem:v16+s25+$0x0] =	vst.idx.add.f32.msk $0xffff, v2  }
0x178: {  	[tilespmem:v15+s25+$0x0] =	vst.idx.add.f32.msk $0xffff, v2  }
0x179: {  	[tilespmem:v14+s25+$0x0] =	vst.idx.add.f32.msk $0xffff, v2  }
0x17a: {  	v10 =	vnsel vm3, $0x0, v10;
	v12 =	vnsel vm4, $0x0, v12;
	v13 =	vnsel vm5, $0x0, v13;
	v27 =	vld [tilespmem:s12+$0x4000]  }
0x17b: {  	v25 =	vmin.u32 v17, $0x1FF;
	v11 =	vnsel vm12, $0x0, v11;
	v8 =	vnsel vm6, $0x0, v8;
	v28 =	vld [tilespmem:$0x1FFB0]  }
0x17c: {  	v9 =	vnsel vm7, $0x0, v9;
	vm2 =	vmmov vm10;
	v10 =	vmin.u32 v10, $0x1FF;
	v30 =	vld [tilespmem:s12+$0x4010]  }
0x17d: {  	v26 =	vxor.u32 $0x3FF, v25;
	v12 =	vmin.u32 v12, $0x1FF;
	v13 =	vmin.u32 v13, $0x1FF;
	v32 =	vld [tilespmem:s12+$0x4020]  }
0x17e: {  	v11 =	vmin.u32 v11, $0x1FF;
	v34 =	vld [tilespmem:s12+$0x4030];
	v8 =	vmin.u32 v8, $0x1FF;
	v9 =	vmin.u32 v9, $0x1FF  }
0x17f: {  	v21 =	vld [tilespmem:$0x1FFC0];
	v29 =	vxor.u32 $0x3FF, v10;
	v31 =	vxor.u32 $0x3FF, v12;
	v33 =	vxor.u32 $0x3FF, v13  }
0x180: {  	v36 =	vld [tilespmem:s12+$0x4040];
	v35 =	vxor.u32 $0x3FF, v11;
	v39 =	vxor.u32 $0x3FF, v8;
	v43 =	vxor.u32 $0x3FF, v9  }
0x181: {  	[tilespmem:v18+s25+$0x0] =	vst.idx.add.f32.msk $0xffff, v2;
	v10 =	vsel vm14, v29, v10;
	v12 =	vsel vm15, v31, v12;
	vm14 =	vmmov vm9  }
0x182: {  	v41 =	vld [tilespmem:s12+$0x4050];
	v8 =	vsel vm13, v39, v8;
	v9 =	vsel vm8, v43, v9;
	vm13 =	veq.s32 v6, $0x3  }
0x183: {  	v44 =	vld [tilespmem:$0x1FFD0];
	v11 =	vsel vm14, v35, v11;
	v10 =	vor.u32 v4, v10;
	v12 =	vor.u32 v4, v12  }
0x184: {  	v45 =	vld [tilespmem:$0x1FFE0];
	v8 =	vor.u32 v4, v8;
	v9 =	vor.u32 v4, v9;
	v11 =	vor.u32 v4, v11  }
0x185: {  	[tilespmem:v7+s25+$0x0] =	vst.idx.add.f32.msk $0xffff, v2;
	vm0 =	vnez.u8 v28;
	v37 =	vmul.f32 $2.752688220e+01, v27;
	v38 =	vmul.f32 $2.752688220e+01, v30  }
0x186: {  	v48 =	vld [tilespmem:s12+$0x4060];
	vm12 =	vnez.u8 v21;
	v19 =	vmul.f32 $2.752688220e+01, v32;
	v40 =	vmul.f32 $2.752688220e+01, v34  }
0x187: {  	v42 =	vmul.f32 $2.752688220e+01, v36;
	v14 =	vsel vm0, v26, v25;
	v13 =	vsel vm12, v33, v13  }
0x188: {  	v51 =	vld [tilespmem:$0x1FFF0];
	v17 =	vmul.f32 $2.752688220e+01, v41;
	vm6 =	vnez.u8 v44;
	v15 =	vadd.f32 $2.560000000e+02, v37  }
0x189: {  	vm7 =	vnez.u8 v45;
	v16 =	vadd.f32 $2.560000000e+02, v38;
	v19 =	vadd.f32 $2.560000000e+02, v19  }
0x18a: {  	vm12 =	vmmov vm11;
	v18 =	vadd.f32 $2.560000000e+02, v40;
	v20 =	vadd.f32 $2.560000000e+02, v42  }
0x18b: {  	vm0 =	vmmov vm6;
	v52 =	vmul.f32 $2.752688220e+01, v48;
	v15 =	vtrunc.f32 v15  }
0x18c: {  	v14 =	vor.u32 v4, v14;
	v16 =	vtrunc.f32 v16;
	v19 =	vtrunc.f32 v19  }
0x18d: {  	vm10 =	vnez.u8 v51;
	v18 =	vtrunc.f32 v18;
	v20 =	vtrunc.f32 v20  }
0x18e: {  	v17 =	vadd.f32 $2.560000000e+02, v17;
	v15 =	vcvt.f32.s32 v15;
	v16 =	vcvt.f32.s32 v16  }
0x18f: {  	v54 =	vadd.f32 $2.560000000e+02, v52;
	v19 =	vcvt.f32.s32 v19;
	v18 =	vcvt.f32.s32 v18  }
0x190: {  	v6 =	vor.u32 v4, v13;
	v7 =	vtrunc.f32 v17;
	v46 =	vcvt.f32.s32 v20  }
0x191: {  	v7 =	vcvt.f32.s32 v7;
	v13 =	vtrunc.f32 v54;
	vm15 =	vgt.s32 v15, $0x0  }
0x192: {  	vm1 =	vgt.s32 v16, $0x0;
	vm4 =	vgt.s32 v19, $0x0;
	vm5 =	vgt.s32 v18, $0x0  }
0x193: {  	vm8 =	vgt.s32 v46, $0x0;
	v56 =	vcvt.f32.s32 v13;
	v15 =	vnsel vm15, $0x0, v15  }
0x194: {  	v16 =	vnsel vm1, $0x0, v16;
	v19 =	vnsel vm4, $0x0, v19;
	v18 =	vnsel vm5, $0x0, v18  }
0x195: {  	vm1 =	vmmov vm7;
	vm9 =	vgt.s32 v7, $0x0;
	v17 =	vnsel vm8, $0x0, v46  }
0x196: {  	vm15 =	veq.s32 v5, $0x3;
	v15 =	vmin.u32 v15, $0x1FF;
	v16 =	vmin.u32 v16, $0x1FF  }
0x197: {  	v19 =	vmin.u32 v19, $0x1FF;
	v7 =	vnsel vm9, $0x0, v7;
	v18 =	vmin.u32 v18, $0x1FF  }
0x198: {  	v55 =	vmin.u32 v17, $0x1FF;
	vm14 =	vgt.s32 v56, $0x0;
	v47 =	vxor.u32 $0x3FF, v15  }
0x199: {  	[tilespmem:v10+s25+$0x0] =	vst.idx.add.f32.msk $0xffff, v2;
	v49 =	vxor.u32 $0x3FF, v16;
	v50 =	vxor.u32 $0x3FF, v19;
	v53 =	vxor.u32 $0x3FF, v18  }
0x19a: {  	[tilespmem:v12+s25+$0x0] =	vst.idx.add.f32.msk $0xffff, v2;
	v57 =	vxor.u32 $0x3FF, v55;
	v7 =	vmin.u32 v7, $0x1FF;
	v10 =	vnsel vm14, $0x0, v56  }
0x19b: {  	v15 =	vsel vm0, v47, v15;
	v16 =	vsel vm1, v49, v16;
	v19 =	vsel vm2, v50, v19  }
0x19c: {  	[tilespmem:v6+s25+$0x0] =	vst.idx.add.f32.msk $0xffff, v2;
	vm0 =	vmmov vm10;
	v6 =	vxor.u32 $0x3FF, v7;
	v59 =	vor.u32 v4, v15  }
0x19d: {  	[tilespmem:v8+s25+$0x0] =	vst.idx.add.f32.msk $0xffff, v2;
	v18 =	vsel vm0, v53, v18;
	vm0 =	vmmov vm13;
	v60 =	vor.u32 v4, v16  }
0x19e: {  	[tilespmem:v9+s25+$0x0] =	vst.idx.add.f32.msk $0xffff, v2;
	vm1 =	vmmov vm12;
	v6 =	vsel vm0, v6, v7;
	v7 =	vor.u32 v4, v19  }
0x19f: {  	[tilespmem:v11+s25+$0x0] =	vst.idx.add.f32.msk $0xffff, v2;
	v5 =	vmin.u32 v10, $0x1FF;
	v58 =	vsel vm1, v57, v55;
	v61 =	vor.u32 v4, v18  }
0x1a0: {  	[tilespmem:v14+s25+$0x0] =	vst.idx.add.f32.msk $0xffff, v2;
	v62 =	vxor.u32 $0x3FF, v5;
	vm0 =	vmmov vm15;
	v63 =	vor.u32 v4, v58  }
0x1a1: {  	v5 =	vsel vm0, v62, v5;
	v6 =	vor.u32 v4, v6;
	[tilespmem:v59+s25+$0x0] =	vst.idx.add.f32.msk $0xffff, v2  }
0x1a2: {  	p0 =	seq.s32 s0, $0x8;
	v5 =	vor.u32 v4, v5;
	[tilespmem:v60+s25+$0x0] =	vst.idx.add.f32.msk $0xffff, v2  }
.Ltmp2:
0x1a3: {  	[tilespmem:v7+s25+$0x0] =	vst.idx.add.f32.msk $0xffff, v2;
	(pc) =	sbr.rel @!p0 .LBB2_4-.Ltmp2, $4  }
0x1a4: {  	[tilespmem:v61+s25+$0x0] =	vst.idx.add.f32.msk $0xffff, v2  }
0x1a5: {  	[tilespmem:v63+s25+$0x0] =	vst.idx.add.f32.msk $0xffff, v2  }
0x1a6: {  	[tilespmem:v6+s25+$0x0] =	vst.idx.add.f32.msk $0xffff, v2  }
0x1a7: {  	[tilespmem:v5+s25+$0x0] =	vst.idx.add.f32.msk $0xffff, v2  }
0x1a8: {  	s2 =	simm.s32 $0x12010  }
0x1a9: {  	v5 =	vld [tilespmem:s2+$0xFFFFDFF0]  }
0x1aa: {  	v7 =	vld [tilespmem:s2+$0xFFFFE000]  }
0x1ab: {  	v9 =	vld [tilespmem:s2+$0xFFFFE400]  }
0x1ac: {  	v11 =	vld [tilespmem:s2+$0xFFFFE800]  }
0x1ad: {  	v13 =	vld [tilespmem:s2+$0xFFFFEC00]  }
0x1ae: {  	v15 =	vld [tilespmem:s2+$0xFFFFF000]  }
0x1af: {  	v17 =	vld [tilespmem:s2+$0xFFFFF400]  }
0x1b0: {  	v19 =	vld [tilespmem:s2+$0xFFFFF800]  }
0x1b1: {  	v21 =	vld [tilespmem:s2+$0xFFFFFC00]  }
0x1b2: {  	v23 =	vld [tilespmem:s2+$0x0]  }
0x1b3: {  	v25 =	vld [tilespmem:s2+$0x400]  }
0x1b4: {  	v27 =	vld [tilespmem:s2+$0x800]  }
0x1b5: {  	v29 =	vld [tilespmem:s2+$0xC00]  }
0x1b6: {  	v31 =	vld [tilespmem:s2+$0x1000]  }
0x1b7: {  	v33 =	vld [tilespmem:s2+$0x1400]  }
0x1b8: {  	v35 =	vld [tilespmem:s2+$0x1800]  }
0x1b9: {  	s22 =	simm.s32 $0x12030;
	v36 =	vld [tilespmem:s2+$0x1C00]  }
0x1ba: {  	v52 =	vld [tilespmem:s22+$0xFFFFE800]  }
0x1bb: {  	v53 =	vld [tilespmem:s22+$0xFFFFEC00]  }
0x1bc: {  	v55 =	vld [tilespmem:s22+$0xFFFFF400]  }
0x1bd: {  	v56 =	vld [tilespmem:s22+$0xFFFFF800]  }
0x1be: {  	s7 =	simm.s32 $0x0;
	v58 =	vld [tilespmem:s22+$0x0]  }
0x1bf: {  	s7 =	sand.u32 $0x3E0, s7;
	v59 =	vld [tilespmem:s22+$0x400]  }
0x1c0: {  	v6 =	vld [tilespmem:s7+$0x10400]  }
0x1c1: {  	v8 =	vld [tilespmem:s7+$0x10800]  }
0x1c2: {  	v10 =	vld [tilespmem:s7+$0x10C00]  }
0x1c3: {  	v12 =	vld [tilespmem:s7+$0x11000]  }
0x1c4: {  	v14 =	vld [tilespmem:s7+$0x11400]  }
0x1c5: {  	v16 =	vld [tilespmem:s7+$0x11800]  }
0x1c6: {  	v18 =	vld [tilespmem:s7+$0x11C00]  }
0x1c7: {  	v20 =	vld [tilespmem:s7+$0x12000]  }
0x1c8: {  	s23 =	simm.s32 $0x20;
	v22 =	vld [tilespmem:s7+$0x12400]  }
0x1c9: {  	s2 =	sand.u32 $0x3E0, s23;
	v5 =	vadd.f32 v6, v5;
	v6 =	vadd.f32 v9, v7;
	v7 =	vld [tilespmem:s22+$0xFFFFDFF0]  }
0x1ca: {  	v9 =	vld [tilespmem:s2+$0x10400]  }
0x1cb: {  	v5 =	vadd.f32 v8, v5;
	v8 =	vld [tilespmem:s22+$0xFFFFE000]  }
0x1cc: {  	v6 =	vadd.f32 v11, v6;
	v11 =	vld [tilespmem:s2+$0x10800]  }
0x1cd: {  	v5 =	vadd.f32 v10, v5;
	v10 =	vld [tilespmem:s22+$0xFFFFE400]  }
0x1ce: {  	v51 =	vld [tilespmem:s2+$0x10C00];
	v6 =	vadd.f32 v13, v6  }
0x1cf: {  	v24 =	vld [tilespmem:s7+$0x12800];
	v7 =	vadd.f32 v9, v7;
	v5 =	vadd.f32 v12, v5  }
0x1d0: {  	v9 =	vld [tilespmem:s2+$0x11000];
	v6 =	vadd.f32 v15, v6  }
0x1d1: {  	v26 =	vld [tilespmem:s7+$0x12C00];
	v7 =	vadd.f32 v11, v7;
	v5 =	vadd.f32 v14, v5  }
0x1d2: {  	v6 =	vadd.f32 v17, v6;
	v8 =	vadd.f32 v10, v8;
	v10 =	vld [tilespmem:s2+$0x11400]  }
0x1d3: {  	v11 =	vld [tilespmem:s22+$0xFFFFF000];
	v7 =	vadd.f32 v51, v7;
	v5 =	vadd.f32 v16, v5  }
0x1d4: {  	v54 =	vld [tilespmem:s2+$0x11800];
	v6 =	vadd.f32 v19, v6;
	v8 =	vadd.f32 v52, v8  }
0x1d5: {  	v28 =	vld [tilespmem:s7+$0x13000];
	v7 =	vadd.f32 v9, v7;
	v5 =	vadd.f32 v18, v5  }
0x1d6: {  	v9 =	vld [tilespmem:s2+$0x11C00];
	v6 =	vadd.f32 v21, v6;
	v8 =	vadd.f32 v53, v8  }
0x1d7: {  	v30 =	vld [tilespmem:s7+$0x13400];
	v5 =	vadd.f32 v20, v5;
	v7 =	vadd.f32 v10, v7  }
0x1d8: {  	v6 =	vadd.f32 v23, v6;
	v10 =	vld [tilespmem:s2+$0x12000];
	v8 =	vadd.f32 v11, v8  }
0x1d9: {  	v11 =	vld [tilespmem:s22+$0xFFFFFC00];
	v5 =	vadd.f32 v22, v5;
	v7 =	vadd.f32 v54, v7  }
0x1da: {  	v57 =	vld [tilespmem:s2+$0x12400];
	v6 =	vadd.f32 v25, v6;
	v8 =	vadd.f32 v55, v8  }
0x1db: {  	v32 =	vld [tilespmem:s7+$0x13800];
	v5 =	vadd.f32 v24, v5;
	v7 =	vadd.f32 v9, v7  }
0x1dc: {  	v6 =	vadd.f32 v27, v6;
	v9 =	vld [tilespmem:s2+$0x12800];
	v8 =	vadd.f32 v56, v8  }
0x1dd: {  	v34 =	vld [tilespmem:s7+$0x13C00];
	v5 =	vadd.f32 v26, v5;
	v7 =	vadd.f32 v10, v7  }
0x1de: {  	v6 =	vadd.f32 v29, v6;
	v10 =	vld [tilespmem:s2+$0x12C00];
	v8 =	vadd.f32 v11, v8  }
0x1df: {  	v11 =	vld [tilespmem:s22+$0x800];
	v5 =	vadd.f32 v28, v5;
	v7 =	vadd.f32 v57, v7  }
0x1e0: {  	v60 =	vld [tilespmem:s2+$0x13000];
	v6 =	vadd.f32 v31, v6;
	v8 =	vadd.f32 v58, v8  }
0x1e1: {  	v61 =	vld [tilespmem:s22+$0xC00];
	v5 =	vadd.f32 v30, v5;
	v7 =	vadd.f32 v9, v7  }
0x1e2: {  	v62 =	vld [tilespmem:s2+$0x13400];
	v6 =	vadd.f32 v33, v6;
	v8 =	vadd.f32 v59, v8  }
0x1e3: {  	v63 =	vld [tilespmem:s22+$0x1000];
	v9 =	vadd.f32 v32, v5;
	v10 =	vadd.f32 v10, v7  }
0x1e4: {  	v6 =	vadd.f32 v35, v6;
	v5 =	vld [tilespmem:s2+$0x13800];
	v8 =	vadd.f32 v11, v8  }
0x1e5: {  	v7 =	vld [tilespmem:s22+$0x1400];
	v9 =	vadd.f32 v34, v9;
	v10 =	vadd.f32 v60, v10  }
0x1e6: {  	s0 =	simm.s32 $0x1C010;
	v11 =	vadd.f32 v36, v6;
	v6 =	vld [tilespmem:s2+$0x13C00];
	v8 =	vadd.f32 v61, v8  }
0x1e7: {  	[tilespmem:s0+$0xFFFFFFF0] =	vst v9;
	v9 =	vld [tilespmem:s22+$0x1800];
	v10 =	vadd.f32 v62, v10  }
0x1e8: {  	s11 =	simm.s32 $0x40;
	s7 =	simm.s32 $0x12050;
	s2 =	simm.s32 $0x2;
	[tilespmem:s0+$0x0] =	vst v11;
	v11 =	vadd.f32 v63, v8;
	v8 =	vld [tilespmem:s22+$0x1C00]  }
.LBB2_8:
0x1e9: {  	v12 =	vld [tilespmem:s7+$0xFFFFDFF0];
	s12 =	sand.u32 $0x3E0, s11;
	s2 =	sadd.s32 $0x2, s2;
	v5 =	vadd.f32 v5, v10  }
0x1ea: {  	v10 =	vld [tilespmem:s12+$0x10400];
	p0 =	slt.u32 s2, $0x3E;
	v7 =	vadd.f32 v7, v11  }
0x1eb: {  	v11 =	vld [tilespmem:s7+$0xFFFFE000];
	v5 =	vadd.f32 v6, v5  }
0x1ec: {  	s0 =	sadd.s32 $0x20, s0;
	v6 =	vld [tilespmem:s12+$0x10800];
	v7 =	vadd.f32 v9, v7  }
0x1ed: {  	v9 =	vld [tilespmem:s7+$0xFFFFE400];
	[tilespmem:s0+$0xFFFFFFF0] =	vst v5  }
0x1ee: {  	v5 =	vld [tilespmem:s12+$0x10C00];
	v7 =	vadd.f32 v8, v7  }
0x1ef: {  	v8 =	vadd.f32 v10, v12;
	v10 =	vld [tilespmem:s7+$0xFFFFE800]  }
0x1f0: {  	v12 =	vld [tilespmem:s12+$0x11000];
	[tilespmem:s0+$0x0] =	vst v7  }
0x1f1: {  	v6 =	vadd.f32 v6, v8;
	v7 =	vld [tilespmem:s7+$0xFFFFEC00]  }
0x1f2: {  	v8 =	vld [tilespmem:s12+$0x11400];
	v9 =	vadd.f32 v9, v11  }
0x1f3: {  	v5 =	vadd.f32 v5, v6;
	v6 =	vld [tilespmem:s7+$0xFFFFF000]  }
0x1f4: {  	v11 =	vld [tilespmem:s12+$0x11800];
	v9 =	vadd.f32 v10, v9  }
0x1f5: {  	v5 =	vadd.f32 v12, v5;
	v10 =	vld [tilespmem:s7+$0xFFFFF400]  }
0x1f6: {  	v12 =	vld [tilespmem:s12+$0x11C00];
	v7 =	vadd.f32 v7, v9  }
0x1f7: {  	v5 =	vadd.f32 v8, v5;
	v8 =	vld [tilespmem:s7+$0xFFFFF800]  }
0x1f8: {  	v9 =	vld [tilespmem:s12+$0x12000];
	v6 =	vadd.f32 v6, v7  }
0x1f9: {  	v5 =	vadd.f32 v11, v5;
	v7 =	vld [tilespmem:s7+$0xFFFFFC00]  }
0x1fa: {  	v11 =	vld [tilespmem:s12+$0x12400];
	v6 =	vadd.f32 v10, v6  }
0x1fb: {  	v5 =	vadd.f32 v12, v5;
	v10 =	vld [tilespmem:s7+$0x0]  }
0x1fc: {  	v12 =	vld [tilespmem:s12+$0x12800];
	v6 =	vadd.f32 v8, v6  }
0x1fd: {  	v5 =	vadd.f32 v9, v5;
	v8 =	vld [tilespmem:s7+$0x400]  }
0x1fe: {  	v9 =	vld [tilespmem:s12+$0x12C00];
	v6 =	vadd.f32 v7, v6  }
0x1ff: {  	v5 =	vadd.f32 v11, v5;
	v7 =	vld [tilespmem:s7+$0x800]  }
0x200: {  	v11 =	vld [tilespmem:s12+$0x13000];
	v6 =	vadd.f32 v10, v6  }
0x201: {  	v5 =	vadd.f32 v12, v5;
	v10 =	vld [tilespmem:s7+$0xC00]  }
0x202: {  	v12 =	vld [tilespmem:s12+$0x13400];
	v6 =	vadd.f32 v8, v6  }
0x203: {  	v8 =	vadd.f32 v9, v5;
	v13 =	vld [tilespmem:s7+$0x1000]  }
.Ltmp3:
0x204: {  	v5 =	vld [tilespmem:s12+$0x13800];
	v9 =	vadd.f32 v7, v6;
	(pc) =	sbr.rel @p0 .LBB2_8-.Ltmp3, $4  }
0x205: {  	v8 =	vadd.f32 v11, v8;
	v7 =	vld [tilespmem:s7+$0x1400]  }
0x206: {  	v6 =	vld [tilespmem:s12+$0x13C00];
	v11 =	vadd.f32 v10, v9  }
0x207: {  	v10 =	vadd.f32 v12, v8;
	v9 =	vld [tilespmem:s7+$0x1800]  }
0x208: {  	s11 =	sadd.s32 $0x20, s11;
	v11 =	vadd.f32 v13, v11;
	v8 =	vld [tilespmem:s7+$0x1C00];
	s7 =	sadd.s32 $0x20, s7  }
0x209: {  	_ = 	snop  }
0x20a: {  	v7 =	vadd.f32 v7, v11  }
0x20b: {  	v5 =	vadd.f32 v5, v10  }
0x20c: {  	v7 =	vadd.f32 v9, v7  }
0x20d: {  	v5 =	vadd.f32 v6, v5  }
0x20e: {  	s0 =	sadd.s32 $0x20, s0;
	v6 =	vadd.f32 v8, v7  }
0x20f: {  	[tilespmem:s0+$0xFFFFFFF0] =	vst v5  }
0x210: {  	[tilespmem:s0+$0x0] =	vst v6  }
0x211: {  	s0 =	rddreg [dreg:$0x8]  }
0x212: {  	[hbm4b:s0+s26] =	stream.strided.scatter [tilespmem:s29], [sflag:$0x2], $0x200, s28, s26, $0x38;
	[tilespmem:$0x1C400] =	vst v63  }
0x213: {  	_ =	swait.ge [sflag:s30], $0x200  }
0x214: {  	[sflag:s30] =	ssyncset.done $0x0  }
0x215: {  	s23 =	rddreg [dreg:$0x9];
	[sflag:s30] =	ssyncadd.s32 $0xFFFFFE00  }
0x216: {  	[hbm4b:s23+s26] =	stream.strided.scatter [tilespmem:s31], [sflag:$0x2], $0x200, s28, s26, $0x38;
	[tilespmem:$0x1C400] =	vst v63  }
0x217: {  	_ =	swait.ge [sflag:s30], $0x200  }
0x218: {  	s2 =	simm.s32 $0x0;
	[sflag:s30] =	ssyncset.done $0x0  }
0x219: {  	s11 =	sand.u32 $0x3E0, s2;
	[sflag:s30] =	ssyncadd.s32 $0xFFFFFE00  }
0x21a: {  	v5 =	vld [tilespmem:s11+$0x14000]  }
0x21b: {  	s0 =	simm.s32 $0x0;
	v6 =	vld [tilespmem:s11+$0x14400]  }
0x21c: {  	v7 =	vld [tilespmem:s0+$0x14010]  }
0x21d: {  	v8 =	vld [tilespmem:s0+$0x14410]  }
0x21e: {  	v9 =	vld [tilespmem:s11+$0x14800]  }
0x21f: {  	v10 =	vld [tilespmem:s0+$0x14810]  }
0x220: {  	v11 =	vld [tilespmem:s11+$0x14C00]  }
0x221: {  	v12 =	vld [tilespmem:s0+$0x14C10]  }
0x222: {  	v5 =	vadd.f32 v6, v5;
	v6 =	vld [tilespmem:s11+$0x15000];
	v7 =	vadd.f32 v8, v7  }
0x223: {  	v8 =	vld [tilespmem:s0+$0x15010]  }
0x224: {  	v5 =	vadd.f32 v9, v5;
	v9 =	vld [tilespmem:s11+$0x15400];
	v7 =	vadd.f32 v10, v7  }
0x225: {  	v10 =	vld [tilespmem:s0+$0x15410]  }
0x226: {  	v60 =	vld [tilespmem:s11+$0x15800];
	v5 =	vadd.f32 v11, v5;
	v7 =	vadd.f32 v12, v7  }
0x227: {  	v11 =	vld [tilespmem:s0+$0x15810]  }
0x228: {  	v5 =	vadd.f32 v6, v5;
	v6 =	vadd.f32 v8, v7;
	v7 =	vld [tilespmem:s0+$0x15C10]  }
0x229: {  	v8 =	vld [tilespmem:s11+$0x15C00]  }
0x22a: {  	v5 =	vadd.f32 v9, v5;
	v6 =	vadd.f32 v10, v6;
	v9 =	vld [tilespmem:s0+$0x16010]  }
0x22b: {  	v10 =	vld [tilespmem:s11+$0x16000]  }
0x22c: {  	v61 =	vld [tilespmem:s11+$0x16400];
	v5 =	vadd.f32 v60, v5;
	v6 =	vadd.f32 v11, v6  }
0x22d: {  	v11 =	vld [tilespmem:s0+$0x16410]  }
0x22e: {  	v5 =	vadd.f32 v8, v5;
	v6 =	vadd.f32 v7, v6;
	v7 =	vld [tilespmem:s0+$0x16810]  }
0x22f: {  	v8 =	vld [tilespmem:s11+$0x16800]  }
0x230: {  	v13 =	vld [tilespmem:s11+$0x16C00];
	v5 =	vadd.f32 v10, v5;
	v6 =	vadd.f32 v9, v6  }
0x231: {  	v10 =	vld [tilespmem:s0+$0x16C10]  }
0x232: {  	v62 =	vld [tilespmem:s11+$0x17000];
	v5 =	vadd.f32 v61, v5;
	v6 =	vadd.f32 v11, v6  }
0x233: {  	v11 =	vld [tilespmem:s0+$0x17010]  }
0x234: {  	v9 =	vld [tilespmem:s11+$0x17400];
	v8 =	vadd.f32 v8, v5;
	v7 =	vadd.f32 v7, v6  }
0x235: {  	v5 =	vld [tilespmem:s0+$0x17410]  }
0x236: {  	v6 =	vld [tilespmem:s11+$0x17800];
	v8 =	vadd.f32 v13, v8;
	v63 =	vadd.f32 v10, v7  }
0x237: {  	v7 =	vld [tilespmem:s0+$0x17810]  }
0x238: {  	s7 =	simm.s32 $0x0;
	v10 =	vadd.f32 v62, v8;
	v8 =	vld [tilespmem:s11+$0x17C00];
	v11 =	vadd.f32 v11, v63;
	s11 =	simm.s32 $0x20  }
.LBB2_10:
0x239: {  	s12 =	sand.u32 $0x3E0, s11;
	s7 =	sadd.s32 $0x2, s7;
	v12 =	vld [tilespmem:s0+$0x17C10]  }
0x23a: {  	s2 =	sadd.s32 $0x80, s2;
	v13 =	vld [tilespmem:s12+$0x14000];
	p0 =	slt.u32 s7, $0x3E;
	v9 =	vadd.f32 v9, v10;
	v5 =	vadd.f32 v5, v11  }
0x23b: {  	s13 =	sshra.s32 s2, $0x2;
	v10 =	vld [tilespmem:s12+$0x14400]  }
0x23c: {  	v11 =	vld [tilespmem:s13+$0x14010];
	v6 =	vadd.f32 v6, v9;
	v5 =	vadd.f32 v7, v5  }
0x23d: {  	v7 =	vld [tilespmem:s13+$0x14410]  }
0x23e: {  	v9 =	vld [tilespmem:s12+$0x14800];
	v6 =	vadd.f32 v8, v6;
	v5 =	vadd.f32 v12, v5  }
0x23f: {  	v8 =	vld [tilespmem:s13+$0x14810]  }
0x240: {  	v10 =	vadd.f32 v10, v13;
	v12 =	vld [tilespmem:s12+$0x14C00];
	[tilespmem:s0+$0x1C000] =	vst v6  }
0x241: {  	v6 =	vld [tilespmem:s13+$0x14C10];
	[tilespmem:s0+$0x1C010] =	vst v5;
	s0 =	smov.u32 s13  }
0x242: {  	v5 =	vld [tilespmem:s12+$0x15000];
	v7 =	vadd.f32 v7, v11  }
0x243: {  	v9 =	vadd.f32 v9, v10;
	v10 =	vld [tilespmem:s0+$0x15010]  }
0x244: {  	v11 =	vld [tilespmem:s12+$0x15400];
	v7 =	vadd.f32 v8, v7  }
0x245: {  	v8 =	vadd.f32 v12, v9;
	v9 =	vld [tilespmem:s0+$0x15410]  }
0x246: {  	v6 =	vadd.f32 v6, v7;
	v7 =	vld [tilespmem:s0+$0x15810]  }
0x247: {  	v5 =	vadd.f32 v5, v8;
	v8 =	vld [tilespmem:s12+$0x15800]  }
0x248: {  	v6 =	vadd.f32 v10, v6;
	v10 =	vld [tilespmem:s0+$0x15C10]  }
0x249: {  	v5 =	vadd.f32 v11, v5;
	v11 =	vld [tilespmem:s12+$0x15C00]  }
0x24a: {  	v6 =	vadd.f32 v9, v6;
	v9 =	vld [tilespmem:s0+$0x16010]  }
0x24b: {  	v12 =	vld [tilespmem:s12+$0x16000]  }
0x24c: {  	v5 =	vadd.f32 v8, v5;
	v6 =	vadd.f32 v7, v6;
	v7 =	vld [tilespmem:s0+$0x16410]  }
0x24d: {  	v8 =	vld [tilespmem:s12+$0x16400]  }
0x24e: {  	v5 =	vadd.f32 v11, v5;
	v6 =	vadd.f32 v10, v6;
	v10 =	vld [tilespmem:s0+$0x16810]  }
0x24f: {  	v11 =	vld [tilespmem:s12+$0x16800]  }
0x250: {  	v5 =	vadd.f32 v12, v5;
	v6 =	vadd.f32 v9, v6;
	v12 =	vld [tilespmem:s0+$0x16C10]  }
0x251: {  	v13 =	vld [tilespmem:s12+$0x16C00]  }
0x252: {  	v5 =	vadd.f32 v8, v5;
	v6 =	vadd.f32 v7, v6;
	v14 =	vld [tilespmem:s0+$0x17010]  }
0x253: {  	v8 =	vld [tilespmem:s12+$0x17000]  }
.Ltmp4:
0x254: {  	v7 =	vadd.f32 v11, v5;
	v10 =	vadd.f32 v10, v6;
	v5 =	vld [tilespmem:s0+$0x17410];
	(pc) =	sbr.rel @p0 .LBB2_10-.Ltmp4, $4  }
0x255: {  	v9 =	vld [tilespmem:s12+$0x17400]  }
0x256: {  	v11 =	vadd.f32 v13, v7;
	v6 =	vld [tilespmem:s12+$0x17800];
	v12 =	vadd.f32 v12, v10  }
0x257: {  	v7 =	vld [tilespmem:s0+$0x17810]  }
0x258: {  	s11 =	sadd.s32 $0x20, s11;
	v10 =	vadd.f32 v8, v11;
	v8 =	vld [tilespmem:s12+$0x17C00];
	v11 =	vadd.f32 v14, v12  }
0x259: {  	_ = 	snop  }
0x25a: {  	v12 =	vld [tilespmem:s0+$0x17C10];
	v9 =	vadd.f32 v9, v10  }
0x25b: {  	v5 =	vadd.f32 v5, v11  }
0x25c: {  	v6 =	vadd.f32 v6, v9  }
0x25d: {  	v5 =	vadd.f32 v7, v5  }
0x25e: {  	v6 =	vadd.f32 v8, v6  }
0x25f: {  	v5 =	vadd.f32 v12, v5  }
0x260: {  	[tilespmem:s0+$0x1C000] =	vst v6  }
0x261: {  	[tilespmem:s0+$0x1C010] =	vst v5  }
0x262: {  	s0 =	rddreg [dreg:$0xa]  }
0x263: {  	[hbm4b:s0+s26] =	stream.strided.scatter [tilespmem:s29], [sflag:$0x2], $0x200, s28, s26, $0x38;
	[tilespmem:$0x1C400] =	vst v63  }
0x264: {  	_ =	swait.ge [sflag:s30], $0x200  }
0x265: {  	[sflag:s30] =	ssyncset.done $0x0  }
0x266: {  	s23 =	rddreg [dreg:$0xb];
	[sflag:s30] =	ssyncadd.s32 $0xFFFFFE00  }
0x267: {  	[hbm4b:s23+s26] =	stream.strided.scatter [tilespmem:s31], [sflag:$0x2], $0x200, s28, s26, $0x38;
	[tilespmem:$0x1C400] =	vst v63  }
0x268: {  	_ =	swait.ge [sflag:s30], $0x200  }
0x269: {  	s2 =	simm.s32 $0x0;
	[sflag:s30] =	ssyncset.done $0x0  }
0x26a: {  	s11 =	sand.u32 $0x3E0, s2;
	[sflag:s30] =	ssyncadd.s32 $0xFFFFFE00  }
0x26b: {  	v5 =	vld [tilespmem:s11+$0x18000]  }
0x26c: {  	s0 =	simm.s32 $0x0;
	v6 =	vld [tilespmem:s11+$0x18400]  }
0x26d: {  	v7 =	vld [tilespmem:s0+$0x18010]  }
0x26e: {  	v8 =	vld [tilespmem:s0+$0x18410]  }
0x26f: {  	v9 =	vld [tilespmem:s11+$0x18800]  }
0x270: {  	v10 =	vld [tilespmem:s0+$0x18810]  }
0x271: {  	v11 =	vld [tilespmem:s11+$0x18C00]  }
0x272: {  	v59 =	vld [tilespmem:s0+$0x18C10]  }
0x273: {  	v5 =	vadd.f32 v6, v5;
	v6 =	vld [tilespmem:s11+$0x19000];
	v7 =	vadd.f32 v8, v7  }
0x274: {  	v8 =	vld [tilespmem:s0+$0x19010]  }
0x275: {  	v5 =	vadd.f32 v9, v5;
	v9 =	vld [tilespmem:s11+$0x19400];
	v7 =	vadd.f32 v10, v7  }
0x276: {  	v10 =	vld [tilespmem:s0+$0x19410]  }
0x277: {  	v60 =	vld [tilespmem:s11+$0x19800];
	v5 =	vadd.f32 v11, v5;
	v7 =	vadd.f32 v59, v7  }
0x278: {  	v11 =	vld [tilespmem:s0+$0x19810]  }
0x279: {  	v5 =	vadd.f32 v6, v5;
	v6 =	vadd.f32 v8, v7;
	v7 =	vld [tilespmem:s0+$0x19C10]  }
0x27a: {  	v8 =	vld [tilespmem:s11+$0x19C00]  }
0x27b: {  	v5 =	vadd.f32 v9, v5;
	v6 =	vadd.f32 v10, v6;
	v9 =	vld [tilespmem:s0+$0x1A010]  }
0x27c: {  	v10 =	vld [tilespmem:s11+$0x1A000]  }
0x27d: {  	v61 =	vld [tilespmem:s11+$0x1A400];
	v5 =	vadd.f32 v60, v5;
	v6 =	vadd.f32 v11, v6  }
0x27e: {  	v11 =	vld [tilespmem:s0+$0x1A410]  }
0x27f: {  	v5 =	vadd.f32 v8, v5;
	v6 =	vadd.f32 v7, v6;
	v7 =	vld [tilespmem:s0+$0x1A810]  }
0x280: {  	v8 =	vld [tilespmem:s11+$0x1A800]  }
0x281: {  	v13 =	vld [tilespmem:s11+$0x1AC00];
	v5 =	vadd.f32 v10, v5;
	v6 =	vadd.f32 v9, v6  }
0x282: {  	v10 =	vld [tilespmem:s0+$0x1AC10]  }
0x283: {  	v62 =	vld [tilespmem:s11+$0x1B000];
	v5 =	vadd.f32 v61, v5;
	v6 =	vadd.f32 v11, v6  }
0x284: {  	v11 =	vld [tilespmem:s0+$0x1B010]  }
0x285: {  	v9 =	vld [tilespmem:s11+$0x1B400];
	v8 =	vadd.f32 v8, v5;
	v7 =	vadd.f32 v7, v6  }
0x286: {  	v5 =	vld [tilespmem:s0+$0x1B410]  }
0x287: {  	v6 =	vld [tilespmem:s11+$0x1B800];
	v8 =	vadd.f32 v13, v8;
	v63 =	vadd.f32 v10, v7  }
0x288: {  	v7 =	vld [tilespmem:s0+$0x1B810]  }
0x289: {  	s7 =	simm.s32 $0x0;
	v10 =	vadd.f32 v62, v8;
	v8 =	vld [tilespmem:s11+$0x1BC00];
	v11 =	vadd.f32 v11, v63;
	s11 =	simm.s32 $0x20  }
.LBB2_12:
0x28a: {  	s12 =	sand.u32 $0x3E0, s11;
	s7 =	sadd.s32 $0x2, s7;
	v12 =	vld [tilespmem:s0+$0x1BC10]  }
0x28b: {  	s2 =	sadd.s32 $0x80, s2;
	v13 =	vld [tilespmem:s12+$0x18000];
	p0 =	slt.u32 s7, $0x3E;
	v9 =	vadd.f32 v9, v10;
	v5 =	vadd.f32 v5, v11  }
0x28c: {  	s13 =	sshra.s32 s2, $0x2;
	v10 =	vld [tilespmem:s12+$0x18400]  }
0x28d: {  	v11 =	vld [tilespmem:s13+$0x18010];
	v6 =	vadd.f32 v6, v9;
	v5 =	vadd.f32 v7, v5  }
0x28e: {  	v7 =	vld [tilespmem:s13+$0x18410]  }
0x28f: {  	v9 =	vld [tilespmem:s12+$0x18800];
	v6 =	vadd.f32 v8, v6;
	v5 =	vadd.f32 v12, v5  }
0x290: {  	v8 =	vld [tilespmem:s13+$0x18810]  }
0x291: {  	v10 =	vadd.f32 v10, v13;
	v12 =	vld [tilespmem:s12+$0x18C00];
	[tilespmem:s0+$0x1C000] =	vst v6  }
0x292: {  	v6 =	vld [tilespmem:s13+$0x18C10];
	[tilespmem:s0+$0x1C010] =	vst v5;
	s0 =	smov.u32 s13  }
0x293: {  	v5 =	vld [tilespmem:s12+$0x19000];
	v7 =	vadd.f32 v7, v11  }
0x294: {  	v9 =	vadd.f32 v9, v10;
	v10 =	vld [tilespmem:s0+$0x19010]  }
0x295: {  	v11 =	vld [tilespmem:s12+$0x19400];
	v7 =	vadd.f32 v8, v7  }
0x296: {  	v8 =	vadd.f32 v12, v9;
	v9 =	vld [tilespmem:s0+$0x19410]  }
0x297: {  	v6 =	vadd.f32 v6, v7;
	v7 =	vld [tilespmem:s0+$0x19810]  }
0x298: {  	v5 =	vadd.f32 v5, v8;
	v8 =	vld [tilespmem:s12+$0x19800]  }
0x299: {  	v6 =	vadd.f32 v10, v6;
	v10 =	vld [tilespmem:s0+$0x19C10]  }
0x29a: {  	v5 =	vadd.f32 v11, v5;
	v11 =	vld [tilespmem:s12+$0x19C00]  }
0x29b: {  	v6 =	vadd.f32 v9, v6;
	v9 =	vld [tilespmem:s0+$0x1A010]  }
0x29c: {  	v12 =	vld [tilespmem:s12+$0x1A000]  }
0x29d: {  	v5 =	vadd.f32 v8, v5;
	v6 =	vadd.f32 v7, v6;
	v7 =	vld [tilespmem:s0+$0x1A410]  }
0x29e: {  	v8 =	vld [tilespmem:s12+$0x1A400]  }
0x29f: {  	v5 =	vadd.f32 v11, v5;
	v6 =	vadd.f32 v10, v6;
	v10 =	vld [tilespmem:s0+$0x1A810]  }
0x2a0: {  	v11 =	vld [tilespmem:s12+$0x1A800]  }
0x2a1: {  	v5 =	vadd.f32 v12, v5;
	v6 =	vadd.f32 v9, v6;
	v12 =	vld [tilespmem:s0+$0x1AC10]  }
0x2a2: {  	v13 =	vld [tilespmem:s12+$0x1AC00]  }
0x2a3: {  	v5 =	vadd.f32 v8, v5;
	v6 =	vadd.f32 v7, v6;
	v14 =	vld [tilespmem:s0+$0x1B010]  }
0x2a4: {  	v8 =	vld [tilespmem:s12+$0x1B000]  }
.Ltmp5:
0x2a5: {  	v7 =	vadd.f32 v11, v5;
	v10 =	vadd.f32 v10, v6;
	v5 =	vld [tilespmem:s0+$0x1B410];
	(pc) =	sbr.rel @p0 .LBB2_12-.Ltmp5, $4  }
0x2a6: {  	v9 =	vld [tilespmem:s12+$0x1B400]  }
0x2a7: {  	v11 =	vadd.f32 v13, v7;
	v6 =	vld [tilespmem:s12+$0x1B800];
	v12 =	vadd.f32 v12, v10  }
0x2a8: {  	v7 =	vld [tilespmem:s0+$0x1B810]  }
0x2a9: {  	s11 =	sadd.s32 $0x20, s11;
	v10 =	vadd.f32 v8, v11;
	v8 =	vld [tilespmem:s12+$0x1BC00];
	v11 =	vadd.f32 v14, v12  }
0x2aa: {  	_ = 	snop  }
0x2ab: {  	v12 =	vld [tilespmem:s0+$0x1BC10];
	v9 =	vadd.f32 v9, v10  }
0x2ac: {  	v5 =	vadd.f32 v5, v11  }
0x2ad: {  	v6 =	vadd.f32 v6, v9  }
0x2ae: {  	v5 =	vadd.f32 v7, v5  }
0x2af: {  	v6 =	vadd.f32 v8, v6  }
0x2b0: {  	v5 =	vadd.f32 v12, v5  }
0x2b1: {  	[tilespmem:s0+$0x1C000] =	vst v6  }
0x2b2: {  	[tilespmem:s0+$0x1C010] =	vst v5  }
0x2b3: {  	s0 =	rddreg [dreg:$0xc]  }
0x2b4: {  	[hbm4b:s0+s26] =	stream.strided.scatter [tilespmem:s29], [sflag:$0x2], $0x200, s28, s26, $0x38;
	[tilespmem:$0x1C400] =	vst v63  }
0x2b5: {  	s4 =	sadd.s32 $0x1, s4;
	_ =	swait.ge [sflag:s30], $0x200  }
0x2b6: {  	p0 =	sne.s32 s4, s20;
	[sflag:s30] =	ssyncset.done $0x0  }
.Ltmp6:
0x2b7: {  	[sflag:s30] =	ssyncadd.s32 $0xFFFFFE00;
	(pc) =	sbr.rel @p0 .LBB2_1-.Ltmp6, $4  }
0x2b8: {  	[hbm4b:s19+s26] =	stream.strided.scatter [tilespmem:s31], [sflag:$0x2], $0x200, s28, s26, $0x38;
	[tilespmem:$0x1C400] =	vst v63  }
0x2b9: {  	_ =	swait.ge [sflag:s30], $0x200  }
0x2ba: {  	[sflag:s30] =	ssyncset.done $0x0  }
0x2bb: {  	[sflag:s30] =	ssyncadd.s32 $0xFFFFFE00  }
0x2bc: {  	_ =	sfence.sel $0x180000  }
0x2bd: {  	[bflag:$0x0] =	sbarrier.arrive $0xFFFF  }
0x2be: {  	_ =	strace $0x90000047  }
0x2bf: {  	s0 =	stileid.u32;
	[bflag:$0x2] =	sbarrier.arrive $0xFFFF  }
0x2c0: {  	p0 =	sne.s32 s0, $0x0;
	s0 =	rddreg [dreg:$0x3]  }
0x2c1: {  	s0 =	sadd.s32 @!p0 $0x100000, s0  }
0x2c2: {  	[sflag:s0] =	ssyncadd.tile.s32 @!p0 $0x1;
	_ =	shalt  }
.Lfunc_end2:
_tile_overlayer_lowered:
.L_overlay_start_2:
0x2c3: {  	(tag) =	ssettag $0x2  }
0x2c4: {  	s0 =	rddreg [dreg:$0x0];
	s2 =	stileid.u32  }
0x2c5: {  	s1 =	rddreg [dreg:$0x1];
	p0 =	sne.s32 s2, $0x0  }
0x2c6: {  	s3 =	rddreg [dreg:$0x2];
	[bflag:$0x3] =	sbarrier.arrive $0xFFFF;
	s2 =	simm.s32 @!p0 $0x1C02  }
0x2c7: {  	[timem:s3], [sflag:s2] =	dma.local @!p0 [hbm:s0], s1  }
0x2c8: {  	s0 =	simm.s32 @!p0 $0x2  }
0x2c9: {  	_ =	swait.ge @!p0 [sflag:s0], s1  }
0x2ca: {  	s1 =	ssub.s32 @!p0 $0x0, s1;
	[sflag:s0] =	ssyncset.done @!p0 $0x0  }
0x2cb: {  	[sflag:s0] =	ssyncadd.s32 @!p0 s1  }
0x2cc: {  	[bflag:$0x3] =	sbarrier.arrive $0xFFFF  }
0x2cd: {  	_ =	shalt  }

</sc_bundles>
